<compile_context>
chip_gen: v7x
topology: tpu7x:2x2x1
jax: 0.10.2.dev20260603
libtpu: 0.0.44.dev20260713+nightly
codegen_flags: <defaults>
</compile_context>

<pallas_src>
import functools

import jax
import jax.numpy as jnp
from jax import lax
from jax.experimental import pallas as pl
from jax.experimental.pallas import tpu as pltpu
from jax.experimental.pallas import tpu_sc as plsc

B = 16384
N_NUM = 13
N_CAT = 26
SPLITS = (8, 9, 9)
BASES = (0, 8, 17)
VOCAB = 100000
EMB = 16
LANES = 16

NC = 2
NS = 16
NW = NC * NS
RPW = B // NW
IDXW = 128
RPC = RPW // IDXW
VPAD = 100352

_MESH = plsc.VectorSubcoreMesh(core_axis_name="c", subcore_axis_name="s")
_PARAMS = pltpu.CompilerParams(
    needs_layout_passes=False, use_tc_tiling_on_sc=False)



def _scores_body(base, tabt_ref, w_ref, out_ref):
    c = pl.program_id(0)
    blk = tabt_ref[0]
    w = w_ref[base + c]
    s = jnp.sum(blk * w[:, None], axis=0)
    out_ref[...] = jnp.concatenate(
        [s, jnp.zeros((VPAD - VOCAB,), jnp.float32)])


def _scores_group(tabt, wcat, base, cnt):
    return pl.pallas_call(
        functools.partial(_scores_body, base),
        grid=(cnt,),
        in_specs=[
            pl.BlockSpec((1, EMB, VOCAB), lambda c: (c + base, 0, 0)),
            pl.BlockSpec((N_CAT, EMB), lambda c: (0, 0)),
        ],
        out_specs=pl.BlockSpec((VPAD,), lambda c: (c,)),
        out_shape=jax.ShapeDtypeStruct((cnt * VPAD,), jnp.float32),
    )(tabt, wcat)



def _idx_body(cat_ref, out_ref):
    blk = cat_ref[...]
    c_iota = lax.broadcasted_iota(jnp.int32, (N_CAT, B), 0)
    local_c = jnp.where(c_iota < BASES[1], c_iota,
                        jnp.where(c_iota < BASES[2],
                                  c_iota - BASES[1], c_iota - BASES[2]))
    out_ref[...] = (blk + local_c * VPAD).reshape(N_CAT * B)


def _idx_flat(cat_t):
    return pl.pallas_call(
        _idx_body,
        in_specs=[pl.BlockSpec((N_CAT, B), lambda: (0, 0))],
        out_specs=pl.BlockSpec((N_CAT * B,), lambda: (0,)),
        out_shape=jax.ShapeDtypeStruct((N_CAT * B,), jnp.int32),
    )(cat_t)



def _numpart_body(numt_ref, w_ref, out_ref):
    acc = jnp.broadcast_to(w_ref[N_NUM], (B,))
    for n in range(N_NUM):
        acc = acc + numt_ref[n] * w_ref[n]
    out_ref[...] = acc


def _numpart(num_t, wnum):
    return pl.pallas_call(
        _numpart_body,
        in_specs=[
            pl.BlockSpec((N_NUM, B), lambda: (0, 0)),
            pl.BlockSpec((LANES,), lambda: (0,)),
        ],
        out_specs=pl.BlockSpec((B,), lambda: (0,)),
        out_shape=jax.ShapeDtypeStruct((B,), jnp.float32),
    )(num_t, wnum)



def _gather_body(cbase, hc, scores_hbm, idx_hbm, base_hbm, out_hbm,
                 idx_v, sv_v, base_v, out_v, sem):
    wid = lax.axis_index("s") * NC + lax.axis_index("c")
    stages = [
        pltpu.async_copy(
            idx_hbm.at[pl.ds((cbase + c) * (B // IDXW) + wid * RPC, RPC), :],
            idx_v.at[pl.ds(c * RPC, RPC), :],
            sem,
        )
        for c in range(hc)
    ]
    pltpu.sync_copy(base_hbm.at[pl.ds(wid * RPW, RPW)], base_v)
    for cp in stages:
        cp.wait()

    def gather4(g, carry):
        copies = [
            pltpu.async_copy(
                scores_hbm.at[idx_v.at[g * 4 + j]],
                sv_v.at[pl.ds((g * 4 + j) * IDXW, IDXW)],
                sem,
            )
            for j in range(4)
        ]
        for cp in copies:
            cp.wait()
        return carry

    lax.fori_loop(0, hc, gather4, 0)

    def chunk(t, c2):
        acc = base_v[pl.ds(t * LANES, LANES)]
        for c in range(hc):
            acc = acc + sv_v[pl.ds(c * RPW + t * LANES, LANES)]
        out_v[pl.ds(t * LANES, LANES)] = acc
        return c2

    lax.fori_loop(0, RPW // LANES, chunk, 0)
    pltpu.sync_copy(out_v, out_hbm.at[pl.ds(wid * RPW, RPW)])


def _gather_group(cbase, hc):
    return functools.partial(
        pl.kernel,
        mesh=_MESH,
        out_type=jax.ShapeDtypeStruct((B,), jnp.float32),
        scratch_types=[
            pltpu.VMEM((hc * RPC, IDXW), jnp.int32),
            pltpu.VMEM((hc * RPW,), jnp.float32),
            pltpu.VMEM((RPW,), jnp.float32),
            pltpu.VMEM((RPW,), jnp.float32),
            pltpu.SemaphoreType.DMA,
        ],
        compiler_params=_PARAMS,
    )(functools.partial(_gather_body, cbase, hc))


_gather_calls = tuple(
    _gather_group(BASES[i], SPLITS[i]) for i in range(len(SPLITS)))


def kernel(clinical_numerical_input, clinical_categorical_input, tables, W1, b1, W2, b2):
    weff = (W1 @ W2)[:, 0]
    beff = (b1 @ W2 + b2)[0]
    wcat = weff[N_NUM:].reshape(N_CAT, EMB)
    wnum = jnp.concatenate([
        weff[:N_NUM], beff[None], jnp.zeros((2,), jnp.float32)])
    tabt = jnp.transpose(tables, (0, 2, 1))
    cat_t = clinical_categorical_input.T
    num_t = clinical_numerical_input.T
    idxf = _idx_flat(cat_t).reshape(N_CAT * B // IDXW, IDXW)
    acc = _numpart(num_t, wnum)
    for i in range(len(SPLITS)):
        scores_i = _scores_group(tabt, wcat, BASES[i], SPLITS[i])
        acc = _gather_calls[i](scores_i, idxf, acc)
    return acc.reshape(B, 1)

# --- scband reference (transcript-rebuilt; emitter-appended) ---
"""Pipeline reference for scband-clinical-net-88957362635522 (READ-ONLY COPY).

The authoritative reference and input builder live on the scoring server;
editing this copy changes nothing except your own understanding.
"""

import jax, jax.numpy as jnp
import numpy as np

B = 16384
N_NUM = 13
N_CAT = 26
VOCAB = 100000
EMB = 16
D_IN = N_NUM + N_CAT * EMB  # 429
H = 16
OUT = 1


def setup_inputs(seed: int = 0) -> dict:
    key = jax.random.key(seed)
    ks = jax.random.split(key, 8)
    clinical_numerical_input = jax.random.normal(ks[0], (B, N_NUM), dtype=jnp.float32)
    clinical_categorical_input = jax.random.randint(ks[1], (B, N_CAT), 0, VOCAB, dtype=jnp.int32)
    # 26 embedding tables, all [VOCAB, EMB]; stacked since vocab/dim are uniform
    tables = jax.random.normal(ks[2], (N_CAT, VOCAB, EMB), dtype=jnp.float32) * 0.01
    W1 = jax.random.normal(ks[3], (D_IN, H), dtype=jnp.float32) * 0.05
    b1 = jnp.zeros((H,), dtype=jnp.float32)
    W2 = jax.random.normal(ks[4], (H, OUT), dtype=jnp.float32) * 0.05
    b2 = jnp.zeros((OUT,), dtype=jnp.float32)
    return {
        'clinical_numerical_input': clinical_numerical_input,
        'clinical_categorical_input': clinical_categorical_input,
        'tables': tables,
        'W1': W1,
        'b1': b1,
        'W2': W2,
        'b2': b2,
    }


def reference(clinical_numerical_input, clinical_categorical_input, tables, W1, b1, W2, b2):
    # per-column embedding lookup: emb_out[col] = embs[col](cat_input[col])
    embs = jax.vmap(lambda tbl, idx: jnp.take(tbl, idx, axis=0), in_axes=(0, 1))(
        tables, clinical_categorical_input
    )  # [N_CAT, B, EMB]
    embs = jnp.transpose(embs, (1, 0, 2)).reshape(B, N_CAT * EMB)
    # concat numerical first, then embeddings in column order (dim=1)
    concat_input = jnp.concatenate([clinical_numerical_input, embs], axis=1)
    # net = Sequential(Linear(D_IN, 16), Linear(16, num_output_features)) -- no activation
    h = concat_input @ W1 + b1
    return h @ W2 + b2

if __name__ == "__main__":
    import jax
    _d = setup_inputs()
    print(jax.jit(kernel)(*tuple(_d.values())))

</pallas_src>

<mosaic_0001>
#map = affine_map<(d0, d1) -> (0)>
#map1 = affine_map<(d0, d1) -> (0, 0)>
module attributes {stable_mosaic.version = 14 : i64} {
  func.func @_gather_body(%arg0: i32, %arg1: i32, %arg2: memref<903168xf32, #tpu.memory_space<hbm>>, %arg3: memref<3328x128xi32, #tpu.memory_space<hbm>>, %arg4: memref<16384xf32, #tpu.memory_space<hbm>>, %arg5: memref<16384xf32, #tpu.memory_space<hbm>>, %arg6: memref<36x128xi32, #tpu.memory_space<vmem>>, %arg7: memref<4608xf32, #tpu.memory_space<vmem>>, %arg8: memref<512xf32, #tpu.memory_space<vmem>>, %arg9: memref<512xf32, #tpu.memory_space<vmem>>, %arg10: memref<!tpu.dma_semaphore, #tpu.memory_space<semaphore_mem>>) attributes {dimension_semantics = [#tpu.dimension_semantics<core_parallel>, #tpu.dimension_semantics<subcore_parallel>], iteration_bounds = array<i64: 2, 16>, scalar_prefetch = 0 : i64, scratch_operands = 5 : i64, tpu.core_type = #tpu.core_type<sc_vector_subcore>, window_params = [{transform_indices = #map}, {transform_indices = #map1}, {transform_indices = #map}, {transform_indices = #map}]} {
    %mul3A = arith.constant 2 : i32
    %mul3A_0 = arith.muli %arg1, %mul3A : i32
    %add3A = arith.addi %mul3A_0, %arg0 : i32
    %mul3A_1 = arith.constant 4 : i32
    %mul3A_2 = arith.muli %add3A, %mul3A_1 : i32
    %add3A_3 = arith.constant 1024 : i32
    %add3A_4 = arith.addi %add3A_3, %mul3A_2 : i32
    %dma_start3A = arith.constant 0 : i32
    %dma_start3A_5 = arith.constant 0 : i32
    %dma_start3A_6 = tpu.memref_slice %arg6[%dma_start3A, %dma_start3A_5] : memref<36x128xi32, #tpu.memory_space<vmem>> -> memref<4x128xi32, #tpu.memory_space<vmem>>
    %dma_start3A_7 = arith.constant 0 : i32
    %dma_start3A_8 = tpu.memref_slice %arg3[%add3A_4, %dma_start3A_7] : memref<3328x128xi32, #tpu.memory_space<hbm>> -> memref<4x128xi32, #tpu.memory_space<hbm>>
    %dma_start3A_9 = arith.constant 0 : i32
    %dma_start3A_10 = arith.constant 0 : i32
    %dma_start3A_11 = tpu.memref_slice %arg6[%dma_start3A_9, %dma_start3A_10] : memref<36x128xi32, #tpu.memory_space<vmem>> -> memref<4x128xi32, #tpu.memory_space<vmem>>
    %dma_start3A_12 = arith.constant 0 : i32
    %dma_start3A_13 = tpu.memref_slice %arg3[%add3A_4, %dma_start3A_12] : memref<3328x128xi32, #tpu.memory_space<hbm>> -> memref<4x128xi32, #tpu.memory_space<hbm>>
    tpu.enqueue_dma source(%dma_start3A_13 : memref<4x128xi32, #tpu.memory_space<hbm>>) target(%dma_start3A_11 : memref<4x128xi32, #tpu.memory_space<vmem>>) target_semaphore(%arg10 : memref<!tpu.dma_semaphore, #tpu.memory_space<semaphore_mem>>)
    %mul3A_14 = arith.constant 4 : i32
    %mul3A_15 = arith.muli %add3A, %mul3A_14 : i32
    %add3A_16 = arith.constant 1152 : i32
    %add3A_17 = arith.addi %add3A_16, %mul3A_15 : i32
    %dma_start3A_18 = arith.constant 4 : i32
    %dma_start3A_19 = arith.constant 0 : i32
    %dma_start3A_20 = tpu.memref_slice %arg6[%dma_start3A_18, %dma_start3A_19] : memref<36x128xi32, #tpu.memory_space<vmem>> -> memref<4x128xi32, #tpu.memory_space<vmem>>
    %dma_start3A_21 = arith.constant 0 : i32
    %dma_start3A_22 = tpu.memref_slice %arg3[%add3A_17, %dma_start3A_21] : memref<3328x128xi32, #tpu.memory_space<hbm>> -> memref<4x128xi32, #tpu.memory_space<hbm>>
    %dma_start3A_23 = arith.constant 4 : i32
    %dma_start3A_24 = arith.constant 0 : i32
    %dma_start3A_25 = tpu.memref_slice %arg6[%dma_start3A_23, %dma_start3A_24] : memref<36x128xi32, #tpu.memory_space<vmem>> -> memref<4x128xi32, #tpu.memory_space<vmem>>
    %dma_start3A_26 = arith.constant 0 : i32
    %dma_start3A_27 = tpu.memref_slice %arg3[%add3A_17, %dma_start3A_26] : memref<3328x128xi32, #tpu.memory_space<hbm>> -> memref<4x128xi32, #tpu.memory_space<hbm>>
    tpu.enqueue_dma source(%dma_start3A_27 : memref<4x128xi32, #tpu.memory_space<hbm>>) target(%dma_start3A_25 : memref<4x128xi32, #tpu.memory_space<vmem>>) target_semaphore(%arg10 : memref<!tpu.dma_semaphore, #tpu.memory_space<semaphore_mem>>)
    %mul3A_28 = arith.constant 4 : i32
    %mul3A_29 = arith.muli %add3A, %mul3A_28 : i32
    %add3A_30 = arith.constant 1280 : i32
    %add3A_31 = arith.addi %add3A_30, %mul3A_29 : i32
    %dma_start3A_32 = arith.constant 8 : i32
    %dma_start3A_33 = arith.constant 0 : i32
    %dma_start3A_34 = tpu.memref_slice %arg6[%dma_start3A_32, %dma_start3A_33] : memref<36x128xi32, #tpu.memory_space<vmem>> -> memref<4x128xi32, #tpu.memory_space<vmem>>
    %dma_start3A_35 = arith.constant 0 : i32
    %dma_start3A_36 = tpu.memref_slice %arg3[%add3A_31, %dma_start3A_35] : memref<3328x128xi32, #tpu.memory_space<hbm>> -> memref<4x128xi32, #tpu.memory_space<hbm>>
    %dma_start3A_37 = arith.constant 8 : i32
    %dma_start3A_38 = arith.constant 0 : i32
    %dma_start3A_39 = tpu.memref_slice %arg6[%dma_start3A_37, %dma_start3A_38] : memref<36x128xi32, #tpu.memory_space<vmem>> -> memref<4x128xi32, #tpu.memory_space<vmem>>
    %dma_start3A_40 = arith.constant 0 : i32
    %dma_start3A_41 = tpu.memref_slice %arg3[%add3A_31, %dma_start3A_40] : memref<3328x128xi32, #tpu.memory_space<hbm>> -> memref<4x128xi32, #tpu.memory_space<hbm>>
    tpu.enqueue_dma source(%dma_start3A_41 : memref<4x128xi32, #tpu.memory_space<hbm>>) target(%dma_start3A_39 : memref<4x128xi32, #tpu.memory_space<vmem>>) target_semaphore(%arg10 : memref<!tpu.dma_semaphore, #tpu.memory_space<semaphore_mem>>)
    %mul3A_42 = arith.constant 4 : i32
    %mul3A_43 = arith.muli %add3A, %mul3A_42 : i32
    %add3A_44 = arith.constant 1408 : i32
    %add3A_45 = arith.addi %add3A_44, %mul3A_43 : i32
    %dma_start3A_46 = arith.constant 12 : i32
    %dma_start3A_47 = arith.constant 0 : i32
    %dma_start3A_48 = tpu.memref_slice %arg6[%dma_start3A_46, %dma_start3A_47] : memref<36x128xi32, #tpu.memory_space<vmem>> -> memref<4x128xi32, #tpu.memory_space<vmem>>
    %dma_start3A_49 = arith.constant 0 : i32
    %dma_start3A_50 = tpu.memref_slice %arg3[%add3A_45, %dma_start3A_49] : memref<3328x128xi32, #tpu.memory_space<hbm>> -> memref<4x128xi32, #tpu.memory_space<hbm>>
    %dma_start3A_51 = arith.constant 12 : i32
    %dma_start3A_52 = arith.constant 0 : i32
    %dma_start3A_53 = tpu.memref_slice %arg6[%dma_start3A_51, %dma_start3A_52] : memref<36x128xi32, #tpu.memory_space<vmem>> -> memref<4x128xi32, #tpu.memory_space<vmem>>
    %dma_start3A_54 = arith.constant 0 : i32
    %dma_start3A_55 = tpu.memref_slice %arg3[%add3A_45, %dma_start3A_54] : memref<3328x128xi32, #tpu.memory_space<hbm>> -> memref<4x128xi32, #tpu.memory_space<hbm>>
    tpu.enqueue_dma source(%dma_start3A_55 : memref<4x128xi32, #tpu.memory_space<hbm>>) target(%dma_start3A_53 : memref<4x128xi32, #tpu.memory_space<vmem>>) target_semaphore(%arg10 : memref<!tpu.dma_semaphore, #tpu.memory_space<semaphore_mem>>)
    %mul3A_56 = arith.constant 4 : i32
    %mul3A_57 = arith.muli %add3A, %mul3A_56 : i32
    %add3A_58 = arith.constant 1536 : i32
    %add3A_59 = arith.addi %add3A_58, %mul3A_57 : i32
    %dma_start3A_60 = arith.constant 16 : i32
    %dma_start3A_61 = arith.constant 0 : i32
    %dma_start3A_62 = tpu.memref_slice %arg6[%dma_start3A_60, %dma_start3A_61] : memref<36x128xi32, #tpu.memory_space<vmem>> -> memref<4x128xi32, #tpu.memory_space<vmem>>
    %dma_start3A_63 = arith.constant 0 : i32
    %dma_start3A_64 = tpu.memref_slice %arg3[%add3A_59, %dma_start3A_63] : memref<3328x128xi32, #tpu.memory_space<hbm>> -> memref<4x128xi32, #tpu.memory_space<hbm>>
    %dma_start3A_65 = arith.constant 16 : i32
    %dma_start3A_66 = arith.constant 0 : i32
    %dma_start3A_67 = tpu.memref_slice %arg6[%dma_start3A_65, %dma_start3A_66] : memref<36x128xi32, #tpu.memory_space<vmem>> -> memref<4x128xi32, #tpu.memory_space<vmem>>
    %dma_start3A_68 = arith.constant 0 : i32
    %dma_start3A_69 = tpu.memref_slice %arg3[%add3A_59, %dma_start3A_68] : memref<3328x128xi32, #tpu.memory_space<hbm>> -> memref<4x128xi32, #tpu.memory_space<hbm>>
    tpu.enqueue_dma source(%dma_start3A_69 : memref<4x128xi32, #tpu.memory_space<hbm>>) target(%dma_start3A_67 : memref<4x128xi32, #tpu.memory_space<vmem>>) target_semaphore(%arg10 : memref<!tpu.dma_semaphore, #tpu.memory_space<semaphore_mem>>)
    %mul3A_70 = arith.constant 4 : i32
    %mul3A_71 = arith.muli %add3A, %mul3A_70 : i32
    %add3A_72 = arith.constant 1664 : i32
    %add3A_73 = arith.addi %add3A_72, %mul3A_71 : i32
    %dma_start3A_74 = arith.constant 20 : i32
    %dma_start3A_75 = arith.constant 0 : i32
    %dma_start3A_76 = tpu.memref_slice %arg6[%dma_start3A_74, %dma_start3A_75] : memref<36x128xi32, #tpu.memory_space<vmem>> -> memref<4x128xi32, #tpu.memory_space<vmem>>
    %dma_start3A_77 = arith.constant 0 : i32
    %dma_start3A_78 = tpu.memref_slice %arg3[%add3A_73, %dma_start3A_77] : memref<3328x128xi32, #tpu.memory_space<hbm>> -> memref<4x128xi32, #tpu.memory_space<hbm>>
    %dma_start3A_79 = arith.constant 20 : i32
    %dma_start3A_80 = arith.constant 0 : i32
    %dma_start3A_81 = tpu.memref_slice %arg6[%dma_start3A_79, %dma_start3A_80] : memref<36x128xi32, #tpu.memory_space<vmem>> -> memref<4x128xi32, #tpu.memory_space<vmem>>
    %dma_start3A_82 = arith.constant 0 : i32
    %dma_start3A_83 = tpu.memref_slice %arg3[%add3A_73, %dma_start3A_82] : memref<3328x128xi32, #tpu.memory_space<hbm>> -> memref<4x128xi32, #tpu.memory_space<hbm>>
    tpu.enqueue_dma source(%dma_start3A_83 : memref<4x128xi32, #tpu.memory_space<hbm>>) target(%dma_start3A_81 : memref<4x128xi32, #tpu.memory_space<vmem>>) target_semaphore(%arg10 : memref<!tpu.dma_semaphore, #tpu.memory_space<semaphore_mem>>)
    %mul3A_84 = arith.constant 4 : i32
    %mul3A_85 = arith.muli %add3A, %mul3A_84 : i32
    %add3A_86 = arith.constant 1792 : i32
    %add3A_87 = arith.addi %add3A_86, %mul3A_85 : i32
    %dma_start3A_88 = arith.constant 24 : i32
    %dma_start3A_89 = arith.constant 0 : i32
    %dma_start3A_90 = tpu.memref_slice %arg6[%dma_start3A_88, %dma_start3A_89] : memref<36x128xi32, #tpu.memory_space<vmem>> -> memref<4x128xi32, #tpu.memory_space<vmem>>
    %dma_start3A_91 = arith.constant 0 : i32
    %dma_start3A_92 = tpu.memref_slice %arg3[%add3A_87, %dma_start3A_91] : memref<3328x128xi32, #tpu.memory_space<hbm>> -> memref<4x128xi32, #tpu.memory_space<hbm>>
    %dma_start3A_93 = arith.constant 24 : i32
    %dma_start3A_94 = arith.constant 0 : i32
    %dma_start3A_95 = tpu.memref_slice %arg6[%dma_start3A_93, %dma_start3A_94] : memref<36x128xi32, #tpu.memory_space<vmem>> -> memref<4x128xi32, #tpu.memory_space<vmem>>
    %dma_start3A_96 = arith.constant 0 : i32
    %dma_start3A_97 = tpu.memref_slice %arg3[%add3A_87, %dma_start3A_96] : memref<3328x128xi32, #tpu.memory_space<hbm>> -> memref<4x128xi32, #tpu.memory_space<hbm>>
    tpu.enqueue_dma source(%dma_start3A_97 : memref<4x128xi32, #tpu.memory_space<hbm>>) target(%dma_start3A_95 : memref<4x128xi32, #tpu.memory_space<vmem>>) target_semaphore(%arg10 : memref<!tpu.dma_semaphore, #tpu.memory_space<semaphore_mem>>)
    %mul3A_98 = arith.constant 4 : i32
    %mul3A_99 = arith.muli %add3A, %mul3A_98 : i32
    %add3A_100 = arith.constant 1920 : i32
    %add3A_101 = arith.addi %add3A_100, %mul3A_99 : i32
    %dma_start3A_102 = arith.constant 28 : i32
    %dma_start3A_103 = arith.constant 0 : i32
    %dma_start3A_104 = tpu.memref_slice %arg6[%dma_start3A_102, %dma_start3A_103] : memref<36x128xi32, #tpu.memory_space<vmem>> -> memref<4x128xi32, #tpu.memory_space<vmem>>
    %dma_start3A_105 = arith.constant 0 : i32
    %dma_start3A_106 = tpu.memref_slice %arg3[%add3A_101, %dma_start3A_105] : memref<3328x128xi32, #tpu.memory_space<hbm>> -> memref<4x128xi32, #tpu.memory_space<hbm>>
    %dma_start3A_107 = arith.constant 28 : i32
    %dma_start3A_108 = arith.constant 0 : i32
    %dma_start3A_109 = tpu.memref_slice %arg6[%dma_start3A_107, %dma_start3A_108] : memref<36x128xi32, #tpu.memory_space<vmem>> -> memref<4x128xi32, #tpu.memory_space<vmem>>
    %dma_start3A_110 = arith.constant 0 : i32
    %dma_start3A_111 = tpu.memref_slice %arg3[%add3A_101, %dma_start3A_110] : memref<3328x128xi32, #tpu.memory_space<hbm>> -> memref<4x128xi32, #tpu.memory_space<hbm>>
    tpu.enqueue_dma source(%dma_start3A_111 : memref<4x128xi32, #tpu.memory_space<hbm>>) target(%dma_start3A_109 : memref<4x128xi32, #tpu.memory_space<vmem>>) target_semaphore(%arg10 : memref<!tpu.dma_semaphore, #tpu.memory_space<semaphore_mem>>)
    %mul3A_112 = arith.constant 4 : i32
    %mul3A_113 = arith.muli %add3A, %mul3A_112 : i32
    %add3A_114 = arith.constant 2048 : i32
    %add3A_115 = arith.addi %add3A_114, %mul3A_113 : i32
    %dma_start3A_116 = arith.constant 32 : i32
    %dma_start3A_117 = arith.constant 0 : i32
    %dma_start3A_118 = tpu.memref_slice %arg6[%dma_start3A_116, %dma_start3A_117] : memref<36x128xi32, #tpu.memory_space<vmem>> -> memref<4x128xi32, #tpu.memory_space<vmem>>
    %dma_start3A_119 = arith.constant 0 : i32
    %dma_start3A_120 = tpu.memref_slice %arg3[%add3A_115, %dma_start3A_119] : memref<3328x128xi32, #tpu.memory_space<hbm>> -> memref<4x128xi32, #tpu.memory_space<hbm>>
    %dma_start3A_121 = arith.constant 32 : i32
    %dma_start3A_122 = arith.constant 0 : i32
    %dma_start3A_123 = tpu.memref_slice %arg6[%dma_start3A_121, %dma_start3A_122] : memref<36x128xi32, #tpu.memory_space<vmem>> -> memref<4x128xi32, #tpu.memory_space<vmem>>
    %dma_start3A_124 = arith.constant 0 : i32
    %dma_start3A_125 = tpu.memref_slice %arg3[%add3A_115, %dma_start3A_124] : memref<3328x128xi32, #tpu.memory_space<hbm>> -> memref<4x128xi32, #tpu.memory_space<hbm>>
    tpu.enqueue_dma source(%dma_start3A_125 : memref<4x128xi32, #tpu.memory_space<hbm>>) target(%dma_start3A_123 : memref<4x128xi32, #tpu.memory_space<vmem>>) target_semaphore(%arg10 : memref<!tpu.dma_semaphore, #tpu.memory_space<semaphore_mem>>)
    %mul3A_126 = arith.constant 512 : i32
    %mul3A_127 = arith.muli %add3A, %mul3A_126 : i32
    "tpu.region"() ({
      %run_scoped3A = tpu.sem_alloc : memref<!tpu.dma_semaphore, #tpu.memory_space<semaphore_mem>>
      %dma_start3A_230 = tpu.memref_slice %arg4[%mul3A_127] : memref<16384xf32, #tpu.memory_space<hbm>> -> memref<512xf32, #tpu.memory_space<hbm>>
      %dma_start3A_231 = tpu.memref_slice %arg4[%mul3A_127] : memref<16384xf32, #tpu.memory_space<hbm>> -> memref<512xf32, #tpu.memory_space<hbm>>
      tpu.enqueue_dma source(%dma_start3A_231 : memref<512xf32, #tpu.memory_space<hbm>>) target(%arg8 : memref<512xf32, #tpu.memory_space<vmem>>) target_semaphore(%run_scoped3A : memref<!tpu.dma_semaphore, #tpu.memory_space<semaphore_mem>>)
      %dma_wait3A_232 = tpu.memref_slice %arg4[%mul3A_127] : memref<16384xf32, #tpu.memory_space<hbm>> -> memref<512xf32, #tpu.memory_space<hbm>>
      %dma_wait3A_233 = tpu.memref_slice %arg4[%mul3A_127] : memref<16384xf32, #tpu.memory_space<hbm>> -> memref<512xf32, #tpu.memory_space<hbm>>
      tpu.wait_dma2 semaphore(%run_scoped3A : memref<!tpu.dma_semaphore, #tpu.memory_space<semaphore_mem>>) src(%dma_wait3A_233 : memref<512xf32, #tpu.memory_space<hbm>>) dst(%arg8 : memref<512xf32, #tpu.memory_space<vmem>>)
      tpu.yield
    }) : () -> ()
    %dma_wait3A = arith.constant 0 : i32
    %dma_wait3A_128 = arith.constant 0 : i32
    %dma_wait3A_129 = tpu.memref_slice %arg6[%dma_wait3A, %dma_wait3A_128] : memref<36x128xi32, #tpu.memory_space<vmem>> -> memref<4x128xi32, #tpu.memory_space<vmem>>
    %dma_wait3A_130 = arith.constant 0 : i32
    %dma_wait3A_131 = tpu.memref_slice %arg3[%add3A_4, %dma_wait3A_130] : memref<3328x128xi32, #tpu.memory_space<hbm>> -> memref<4x128xi32, #tpu.memory_space<hbm>>
    %dma_wait3A_132 = arith.constant 0 : i32
    %dma_wait3A_133 = arith.constant 0 : i32
    %dma_wait3A_134 = tpu.memref_slice %arg6[%dma_wait3A_132, %dma_wait3A_133] : memref<36x128xi32, #tpu.memory_space<vmem>> -> memref<4x128xi32, #tpu.memory_space<vmem>>
    %dma_wait3A_135 = arith.constant 0 : i32
    %dma_wait3A_136 = tpu.memref_slice %arg3[%add3A_4, %dma_wait3A_135] : memref<3328x128xi32, #tpu.memory_space<hbm>> -> memref<4x128xi32, #tpu.memory_space<hbm>>
    tpu.wait_dma2 semaphore(%arg10 : memref<!tpu.dma_semaphore, #tpu.memory_space<semaphore_mem>>) src(%dma_wait3A_136 : memref<4x128xi32, #tpu.memory_space<hbm>>) dst(%dma_wait3A_134 : memref<4x128xi32, #tpu.memory_space<vmem>>)
    %dma_wait3A_137 = arith.constant 4 : i32
    %dma_wait3A_138 = arith.constant 0 : i32
    %dma_wait3A_139 = tpu.memref_slice %arg6[%dma_wait3A_137, %dma_wait3A_138] : memref<36x128xi32, #tpu.memory_space<vmem>> -> memref<4x128xi32, #tpu.memory_space<vmem>>
    %dma_wait3A_140 = arith.constant 0 : i32
    %dma_wait3A_141 = tpu.memref_slice %arg3[%add3A_17, %dma_wait3A_140] : memref<3328x128xi32, #tpu.memory_space<hbm>> -> memref<4x128xi32, #tpu.memory_space<hbm>>
    %dma_wait3A_142 = arith.constant 4 : i32
    %dma_wait3A_143 = arith.constant 0 : i32
    %dma_wait3A_144 = tpu.memref_slice %arg6[%dma_wait3A_142, %dma_wait3A_143] : memref<36x128xi32, #tpu.memory_space<vmem>> -> memref<4x128xi32, #tpu.memory_space<vmem>>
    %dma_wait3A_145 = arith.constant 0 : i32
    %dma_wait3A_146 = tpu.memref_slice %arg3[%add3A_17, %dma_wait3A_145] : memref<3328x128xi32, #tpu.memory_space<hbm>> -> memref<4x128xi32, #tpu.memory_space<hbm>>
    tpu.wait_dma2 semaphore(%arg10 : memref<!tpu.dma_semaphore, #tpu.memory_space<semaphore_mem>>) src(%dma_wait3A_146 : memref<4x128xi32, #tpu.memory_space<hbm>>) dst(%dma_wait3A_144 : memref<4x128xi32, #tpu.memory_space<vmem>>)
    %dma_wait3A_147 = arith.constant 8 : i32
    %dma_wait3A_148 = arith.constant 0 : i32
    %dma_wait3A_149 = tpu.memref_slice %arg6[%dma_wait3A_147, %dma_wait3A_148] : memref<36x128xi32, #tpu.memory_space<vmem>> -> memref<4x128xi32, #tpu.memory_space<vmem>>
    %dma_wait3A_150 = arith.constant 0 : i32
    %dma_wait3A_151 = tpu.memref_slice %arg3[%add3A_31, %dma_wait3A_150] : memref<3328x128xi32, #tpu.memory_space<hbm>> -> memref<4x128xi32, #tpu.memory_space<hbm>>
    %dma_wait3A_152 = arith.constant 8 : i32
    %dma_wait3A_153 = arith.constant 0 : i32
    %dma_wait3A_154 = tpu.memref_slice %arg6[%dma_wait3A_152, %dma_wait3A_153] : memref<36x128xi32, #tpu.memory_space<vmem>> -> memref<4x128xi32, #tpu.memory_space<vmem>>
    %dma_wait3A_155 = arith.constant 0 : i32
    %dma_wait3A_156 = tpu.memref_slice %arg3[%add3A_31, %dma_wait3A_155] : memref<3328x128xi32, #tpu.memory_space<hbm>> -> memref<4x128xi32, #tpu.memory_space<hbm>>
    tpu.wait_dma2 semaphore(%arg10 : memref<!tpu.dma_semaphore, #tpu.memory_space<semaphore_mem>>) src(%dma_wait3A_156 : memref<4x128xi32, #tpu.memory_space<hbm>>) dst(%dma_wait3A_154 : memref<4x128xi32, #tpu.memory_space<vmem>>)
    %dma_wait3A_157 = arith.constant 12 : i32
    %dma_wait3A_158 = arith.constant 0 : i32
    %dma_wait3A_159 = tpu.memref_slice %arg6[%dma_wait3A_157, %dma_wait3A_158] : memref<36x128xi32, #tpu.memory_space<vmem>> -> memref<4x128xi32, #tpu.memory_space<vmem>>
    %dma_wait3A_160 = arith.constant 0 : i32
    %dma_wait3A_161 = tpu.memref_slice %arg3[%add3A_45, %dma_wait3A_160] : memref<3328x128xi32, #tpu.memory_space<hbm>> -> memref<4x128xi32, #tpu.memory_space<hbm>>
    %dma_wait3A_162 = arith.constant 12 : i32
    %dma_wait3A_163 = arith.constant 0 : i32
    %dma_wait3A_164 = tpu.memref_slice %arg6[%dma_wait3A_162, %dma_wait3A_163] : memref<36x128xi32, #tpu.memory_space<vmem>> -> memref<4x128xi32, #tpu.memory_space<vmem>>
    %dma_wait3A_165 = arith.constant 0 : i32
    %dma_wait3A_166 = tpu.memref_slice %arg3[%add3A_45, %dma_wait3A_165] : memref<3328x128xi32, #tpu.memory_space<hbm>> -> memref<4x128xi32, #tpu.memory_space<hbm>>
    tpu.wait_dma2 semaphore(%arg10 : memref<!tpu.dma_semaphore, #tpu.memory_space<semaphore_mem>>) src(%dma_wait3A_166 : memref<4x128xi32, #tpu.memory_space<hbm>>) dst(%dma_wait3A_164 : memref<4x128xi32, #tpu.memory_space<vmem>>)
    %dma_wait3A_167 = arith.constant 16 : i32
    %dma_wait3A_168 = arith.constant 0 : i32
    %dma_wait3A_169 = tpu.memref_slice %arg6[%dma_wait3A_167, %dma_wait3A_168] : memref<36x128xi32, #tpu.memory_space<vmem>> -> memref<4x128xi32, #tpu.memory_space<vmem>>
    %dma_wait3A_170 = arith.constant 0 : i32
    %dma_wait3A_171 = tpu.memref_slice %arg3[%add3A_59, %dma_wait3A_170] : memref<3328x128xi32, #tpu.memory_space<hbm>> -> memref<4x128xi32, #tpu.memory_space<hbm>>
    %dma_wait3A_172 = arith.constant 16 : i32
    %dma_wait3A_173 = arith.constant 0 : i32
    %dma_wait3A_174 = tpu.memref_slice %arg6[%dma_wait3A_172, %dma_wait3A_173] : memref<36x128xi32, #tpu.memory_space<vmem>> -> memref<4x128xi32, #tpu.memory_space<vmem>>
    %dma_wait3A_175 = arith.constant 0 : i32
    %dma_wait3A_176 = tpu.memref_slice %arg3[%add3A_59, %dma_wait3A_175] : memref<3328x128xi32, #tpu.memory_space<hbm>> -> memref<4x128xi32, #tpu.memory_space<hbm>>
    tpu.wait_dma2 semaphore(%arg10 : memref<!tpu.dma_semaphore, #tpu.memory_space<semaphore_mem>>) src(%dma_wait3A_176 : memref<4x128xi32, #tpu.memory_space<hbm>>) dst(%dma_wait3A_174 : memref<4x128xi32, #tpu.memory_space<vmem>>)
    %dma_wait3A_177 = arith.constant 20 : i32
    %dma_wait3A_178 = arith.constant 0 : i32
    %dma_wait3A_179 = tpu.memref_slice %arg6[%dma_wait3A_177, %dma_wait3A_178] : memref<36x128xi32, #tpu.memory_space<vmem>> -> memref<4x128xi32, #tpu.memory_space<vmem>>
    %dma_wait3A_180 = arith.constant 0 : i32
    %dma_wait3A_181 = tpu.memref_slice %arg3[%add3A_73, %dma_wait3A_180] : memref<3328x128xi32, #tpu.memory_space<hbm>> -> memref<4x128xi32, #tpu.memory_space<hbm>>
    %dma_wait3A_182 = arith.constant 20 : i32
    %dma_wait3A_183 = arith.constant 0 : i32
    %dma_wait3A_184 = tpu.memref_slice %arg6[%dma_wait3A_182, %dma_wait3A_183] : memref<36x128xi32, #tpu.memory_space<vmem>> -> memref<4x128xi32, #tpu.memory_space<vmem>>
    %dma_wait3A_185 = arith.constant 0 : i32
    %dma_wait3A_186 = tpu.memref_slice %arg3[%add3A_73, %dma_wait3A_185] : memref<3328x128xi32, #tpu.memory_space<hbm>> -> memref<4x128xi32, #tpu.memory_space<hbm>>
    tpu.wait_dma2 semaphore(%arg10 : memref<!tpu.dma_semaphore, #tpu.memory_space<semaphore_mem>>) src(%dma_wait3A_186 : memref<4x128xi32, #tpu.memory_space<hbm>>) dst(%dma_wait3A_184 : memref<4x128xi32, #tpu.memory_space<vmem>>)
    %dma_wait3A_187 = arith.constant 24 : i32
    %dma_wait3A_188 = arith.constant 0 : i32
    %dma_wait3A_189 = tpu.memref_slice %arg6[%dma_wait3A_187, %dma_wait3A_188] : memref<36x128xi32, #tpu.memory_space<vmem>> -> memref<4x128xi32, #tpu.memory_space<vmem>>
    %dma_wait3A_190 = arith.constant 0 : i32
    %dma_wait3A_191 = tpu.memref_slice %arg3[%add3A_87, %dma_wait3A_190] : memref<3328x128xi32, #tpu.memory_space<hbm>> -> memref<4x128xi32, #tpu.memory_space<hbm>>
    %dma_wait3A_192 = arith.constant 24 : i32
    %dma_wait3A_193 = arith.constant 0 : i32
    %dma_wait3A_194 = tpu.memref_slice %arg6[%dma_wait3A_192, %dma_wait3A_193] : memref<36x128xi32, #tpu.memory_space<vmem>> -> memref<4x128xi32, #tpu.memory_space<vmem>>
    %dma_wait3A_195 = arith.constant 0 : i32
    %dma_wait3A_196 = tpu.memref_slice %arg3[%add3A_87, %dma_wait3A_195] : memref<3328x128xi32, #tpu.memory_space<hbm>> -> memref<4x128xi32, #tpu.memory_space<hbm>>
    tpu.wait_dma2 semaphore(%arg10 : memref<!tpu.dma_semaphore, #tpu.memory_space<semaphore_mem>>) src(%dma_wait3A_196 : memref<4x128xi32, #tpu.memory_space<hbm>>) dst(%dma_wait3A_194 : memref<4x128xi32, #tpu.memory_space<vmem>>)
    %dma_wait3A_197 = arith.constant 28 : i32
    %dma_wait3A_198 = arith.constant 0 : i32
    %dma_wait3A_199 = tpu.memref_slice %arg6[%dma_wait3A_197, %dma_wait3A_198] : memref<36x128xi32, #tpu.memory_space<vmem>> -> memref<4x128xi32, #tpu.memory_space<vmem>>
    %dma_wait3A_200 = arith.constant 0 : i32
    %dma_wait3A_201 = tpu.memref_slice %arg3[%add3A_101, %dma_wait3A_200] : memref<3328x128xi32, #tpu.memory_space<hbm>> -> memref<4x128xi32, #tpu.memory_space<hbm>>
    %dma_wait3A_202 = arith.constant 28 : i32
    %dma_wait3A_203 = arith.constant 0 : i32
    %dma_wait3A_204 = tpu.memref_slice %arg6[%dma_wait3A_202, %dma_wait3A_203] : memref<36x128xi32, #tpu.memory_space<vmem>> -> memref<4x128xi32, #tpu.memory_space<vmem>>
    %dma_wait3A_205 = arith.constant 0 : i32
    %dma_wait3A_206 = tpu.memref_slice %arg3[%add3A_101, %dma_wait3A_205] : memref<3328x128xi32, #tpu.memory_space<hbm>> -> memref<4x128xi32, #tpu.memory_space<hbm>>
    tpu.wait_dma2 semaphore(%arg10 : memref<!tpu.dma_semaphore, #tpu.memory_space<semaphore_mem>>) src(%dma_wait3A_206 : memref<4x128xi32, #tpu.memory_space<hbm>>) dst(%dma_wait3A_204 : memref<4x128xi32, #tpu.memory_space<vmem>>)
    %dma_wait3A_207 = arith.constant 32 : i32
    %dma_wait3A_208 = arith.constant 0 : i32
    %dma_wait3A_209 = tpu.memref_slice %arg6[%dma_wait3A_207, %dma_wait3A_208] : memref<36x128xi32, #tpu.memory_space<vmem>> -> memref<4x128xi32, #tpu.memory_space<vmem>>
    %dma_wait3A_210 = arith.constant 0 : i32
    %dma_wait3A_211 = tpu.memref_slice %arg3[%add3A_115, %dma_wait3A_210] : memref<3328x128xi32, #tpu.memory_space<hbm>> -> memref<4x128xi32, #tpu.memory_space<hbm>>
    %dma_wait3A_212 = arith.constant 32 : i32
    %dma_wait3A_213 = arith.constant 0 : i32
    %dma_wait3A_214 = tpu.memref_slice %arg6[%dma_wait3A_212, %dma_wait3A_213] : memref<36x128xi32, #tpu.memory_space<vmem>> -> memref<4x128xi32, #tpu.memory_space<vmem>>
    %dma_wait3A_215 = arith.constant 0 : i32
    %dma_wait3A_216 = tpu.memref_slice %arg3[%add3A_115, %dma_wait3A_215] : memref<3328x128xi32, #tpu.memory_space<hbm>> -> memref<4x128xi32, #tpu.memory_space<hbm>>
    tpu.wait_dma2 semaphore(%arg10 : memref<!tpu.dma_semaphore, #tpu.memory_space<semaphore_mem>>) src(%dma_wait3A_216 : memref<4x128xi32, #tpu.memory_space<hbm>>) dst(%dma_wait3A_214 : memref<4x128xi32, #tpu.memory_space<vmem>>)
    %scan3A = arith.constant 0 : i32
    %scan3A_217 = arith.constant 0 : i32
    %scan3A_218 = arith.constant 9 : i32
    %scan3A_219 = arith.addi %scan3A_217, %scan3A_218 : i32
    %scan3A_220 = arith.constant 1 : i32
    scf.for %scan3A_230 = %scan3A_217 to %scan3A_219 step %scan3A_220  : i32 {
      %mul3A_231 = arith.constant 4 : i32
      %mul3A_232 = arith.muli %scan3A_230, %mul3A_231 : i32
      %add3A_233 = arith.constant 0 : i32
      %add3A_234 = arith.addi %mul3A_232, %add3A_233 : i32
      %mul3A_235 = arith.constant 4 : i32
      %mul3A_236 = arith.muli %scan3A_230, %mul3A_235 : i32
      %add3A_237 = arith.constant 0 : i32
      %add3A_238 = arith.addi %mul3A_236, %add3A_237 : i32
      %mul3A_239 = arith.constant 128 : i32
      %mul3A_240 = arith.muli %add3A_238, %mul3A_239 : i32
      %dma_start3A_241 = tpu.memref_slice %arg7[%mul3A_240] : memref<4608xf32, #tpu.memory_space<vmem>> -> memref<128xf32, #tpu.memory_space<vmem>>
      %dma_start3A_242 = arith.constant 0 : i32
      %dma_start3A_243 = tpu.memref_slice %arg6[%add3A_234, %dma_start3A_242] : memref<36x128xi32, #tpu.memory_space<vmem>> -> memref<1x128xi32, #tpu.memory_space<vmem>>
      %dma_start3A_244 = tpu.memref_squeeze %dma_start3A_243 : memref<1x128xi32, #tpu.memory_space<vmem>> -> memref<128xi32, #tpu.memory_space<vmem>>
      %dma_start3A_245 = arith.constant 0 : i32
      %dma_start3A_246 = tpu.memref_slice %arg2[%dma_start3A_245] : memref<903168xf32, #tpu.memory_space<hbm>> -> memref<903168xf32, #tpu.memory_space<hbm>>
      tpu.enqueue_indirect_dma source(%dma_start3A_246 : memref<903168xf32, #tpu.memory_space<hbm>>) target(%dma_start3A_241 : memref<128xf32, #tpu.memory_space<vmem>>) offsets(%dma_start3A_244 : memref<128xi32, #tpu.memory_space<vmem>>) semaphore(%arg10 : memref<!tpu.dma_semaphore, #tpu.memory_space<semaphore_mem>>)
      %mul3A_247 = arith.constant 4 : i32
      %mul3A_248 = arith.muli %scan3A_230, %mul3A_247 : i32
      %add3A_249 = arith.constant 1 : i32
      %add3A_250 = arith.addi %mul3A_248, %add3A_249 : i32
      %mul3A_251 = arith.constant 4 : i32
      %mul3A_252 = arith.muli %scan3A_230, %mul3A_251 : i32
      %add3A_253 = arith.constant 1 : i32
      %add3A_254 = arith.addi %mul3A_252, %add3A_253 : i32
      %mul3A_255 = arith.constant 128 : i32
      %mul3A_256 = arith.muli %add3A_254, %mul3A_255 : i32
      %dma_start3A_257 = tpu.memref_slice %arg7[%mul3A_256] : memref<4608xf32, #tpu.memory_space<vmem>> -> memref<128xf32, #tpu.memory_space<vmem>>
      %dma_start3A_258 = arith.constant 0 : i32
      %dma_start3A_259 = tpu.memref_slice %arg6[%add3A_250, %dma_start3A_258] : memref<36x128xi32, #tpu.memory_space<vmem>> -> memref<1x128xi32, #tpu.memory_space<vmem>>
      %dma_start3A_260 = tpu.memref_squeeze %dma_start3A_259 : memref<1x128xi32, #tpu.memory_space<vmem>> -> memref<128xi32, #tpu.memory_space<vmem>>
      %dma_start3A_261 = arith.constant 0 : i32
      %dma_start3A_262 = tpu.memref_slice %arg2[%dma_start3A_261] : memref<903168xf32, #tpu.memory_space<hbm>> -> memref<903168xf32, #tpu.memory_space<hbm>>
      tpu.enqueue_indirect_dma source(%dma_start3A_262 : memref<903168xf32, #tpu.memory_space<hbm>>) target(%dma_start3A_257 : memref<128xf32, #tpu.memory_space<vmem>>) offsets(%dma_start3A_260 : memref<128xi32, #tpu.memory_space<vmem>>) semaphore(%arg10 : memref<!tpu.dma_semaphore, #tpu.memory_space<semaphore_mem>>)
      %mul3A_263 = arith.constant 4 : i32
      %mul3A_264 = arith.muli %scan3A_230, %mul3A_263 : i32
      %add3A_265 = arith.constant 2 : i32
      %add3A_266 = arith.addi %mul3A_264, %add3A_265 : i32
      %mul3A_267 = arith.constant 4 : i32
      %mul3A_268 = arith.muli %scan3A_230, %mul3A_267 : i32
      %add3A_269 = arith.constant 2 : i32
      %add3A_270 = arith.addi %mul3A_268, %add3A_269 : i32
      %mul3A_271 = arith.constant 128 : i32
      %mul3A_272 = arith.muli %add3A_270, %mul3A_271 : i32
      %dma_start3A_273 = tpu.memref_slice %arg7[%mul3A_272] : memref<4608xf32, #tpu.memory_space<vmem>> -> memref<128xf32, #tpu.memory_space<vmem>>
      %dma_start3A_274 = arith.constant 0 : i32
      %dma_start3A_275 = tpu.memref_slice %arg6[%add3A_266, %dma_start3A_274] : memref<36x128xi32, #tpu.memory_space<vmem>> -> memref<1x128xi32, #tpu.memory_space<vmem>>
      %dma_start3A_276 = tpu.memref_squeeze %dma_start3A_275 : memref<1x128xi32, #tpu.memory_space<vmem>> -> memref<128xi32, #tpu.memory_space<vmem>>
      %dma_start3A_277 = arith.constant 0 : i32
      %dma_start3A_278 = tpu.memref_slice %arg2[%dma_start3A_277] : memref<903168xf32, #tpu.memory_space<hbm>> -> memref<903168xf32, #tpu.memory_space<hbm>>
      tpu.enqueue_indirect_dma source(%dma_start3A_278 : memref<903168xf32, #tpu.memory_space<hbm>>) target(%dma_start3A_273 : memref<128xf32, #tpu.memory_space<vmem>>) offsets(%dma_start3A_276 : memref<128xi32, #tpu.memory_space<vmem>>) semaphore(%arg10 : memref<!tpu.dma_semaphore, #tpu.memory_space<semaphore_mem>>)
      %mul3A_279 = arith.constant 4 : i32
      %mul3A_280 = arith.muli %scan3A_230, %mul3A_279 : i32
      %add3A_281 = arith.constant 3 : i32
      %add3A_282 = arith.addi %mul3A_280, %add3A_281 : i32
      %mul3A_283 = arith.constant 4 : i32
      %mul3A_284 = arith.muli %scan3A_230, %mul3A_283 : i32
      %add3A_285 = arith.constant 3 : i32
      %add3A_286 = arith.addi %mul3A_284, %add3A_285 : i32
      %mul3A_287 = arith.constant 128 : i32
      %mul3A_288 = arith.muli %add3A_286, %mul3A_287 : i32
      %dma_start3A_289 = tpu.memref_slice %arg7[%mul3A_288] : memref<4608xf32, #tpu.memory_space<vmem>> -> memref<128xf32, #tpu.memory_space<vmem>>
      %dma_start3A_290 = arith.constant 0 : i32
      %dma_start3A_291 = tpu.memref_slice %arg6[%add3A_282, %dma_start3A_290] : memref<36x128xi32, #tpu.memory_space<vmem>> -> memref<1x128xi32, #tpu.memory_space<vmem>>
      %dma_start3A_292 = tpu.memref_squeeze %dma_start3A_291 : memref<1x128xi32, #tpu.memory_space<vmem>> -> memref<128xi32, #tpu.memory_space<vmem>>
      %dma_start3A_293 = arith.constant 0 : i32
      %dma_start3A_294 = tpu.memref_slice %arg2[%dma_start3A_293] : memref<903168xf32, #tpu.memory_space<hbm>> -> memref<903168xf32, #tpu.memory_space<hbm>>
      tpu.enqueue_indirect_dma source(%dma_start3A_294 : memref<903168xf32, #tpu.memory_space<hbm>>) target(%dma_start3A_289 : memref<128xf32, #tpu.memory_space<vmem>>) offsets(%dma_start3A_292 : memref<128xi32, #tpu.memory_space<vmem>>) semaphore(%arg10 : memref<!tpu.dma_semaphore, #tpu.memory_space<semaphore_mem>>)
      %dma_wait3A_295 = tpu.memref_slice %arg7[%mul3A_240] : memref<4608xf32, #tpu.memory_space<vmem>> -> memref<128xf32, #tpu.memory_space<vmem>>
      %dma_wait3A_296 = arith.constant 0 : i32
      %dma_wait3A_297 = tpu.memref_slice %arg6[%add3A_234, %dma_wait3A_296] : memref<36x128xi32, #tpu.memory_space<vmem>> -> memref<1x128xi32, #tpu.memory_space<vmem>>
      %dma_wait3A_298 = tpu.memref_squeeze %dma_wait3A_297 : memref<1x128xi32, #tpu.memory_space<vmem>> -> memref<128xi32, #tpu.memory_space<vmem>>
      %dma_wait3A_299 = arith.constant 0 : i32
      %dma_wait3A_300 = tpu.memref_slice %arg2[%dma_wait3A_299] : memref<903168xf32, #tpu.memory_space<hbm>> -> memref<903168xf32, #tpu.memory_space<hbm>>
      tpu.wait_indirect_dma semaphore(%arg10 : memref<!tpu.dma_semaphore, #tpu.memory_space<semaphore_mem>>) src(%dma_wait3A_300 : memref<903168xf32, #tpu.memory_space<hbm>>) dst(%dma_wait3A_295 : memref<128xf32, #tpu.memory_space<vmem>>)
      %dma_wait3A_301 = tpu.memref_slice %arg7[%mul3A_256] : memref<4608xf32, #tpu.memory_space<vmem>> -> memref<128xf32, #tpu.memory_space<vmem>>
      %dma_wait3A_302 = arith.constant 0 : i32
      %dma_wait3A_303 = tpu.memref_slice %arg6[%add3A_250, %dma_wait3A_302] : memref<36x128xi32, #tpu.memory_space<vmem>> -> memref<1x128xi32, #tpu.memory_space<vmem>>
      %dma_wait3A_304 = tpu.memref_squeeze %dma_wait3A_303 : memref<1x128xi32, #tpu.memory_space<vmem>> -> memref<128xi32, #tpu.memory_space<vmem>>
      %dma_wait3A_305 = arith.constant 0 : i32
      %dma_wait3A_306 = tpu.memref_slice %arg2[%dma_wait3A_305] : memref<903168xf32, #tpu.memory_space<hbm>> -> memref<903168xf32, #tpu.memory_space<hbm>>
      tpu.wait_indirect_dma semaphore(%arg10 : memref<!tpu.dma_semaphore, #tpu.memory_space<semaphore_mem>>) src(%dma_wait3A_306 : memref<903168xf32, #tpu.memory_space<hbm>>) dst(%dma_wait3A_301 : memref<128xf32, #tpu.memory_space<vmem>>)
      %dma_wait3A_307 = tpu.memref_slice %arg7[%mul3A_272] : memref<4608xf32, #tpu.memory_space<vmem>> -> memref<128xf32, #tpu.memory_space<vmem>>
      %dma_wait3A_308 = arith.constant 0 : i32
      %dma_wait3A_309 = tpu.memref_slice %arg6[%add3A_266, %dma_wait3A_308] : memref<36x128xi32, #tpu.memory_space<vmem>> -> memref<1x128xi32, #tpu.memory_space<vmem>>
      %dma_wait3A_310 = tpu.memref_squeeze %dma_wait3A_309 : memref<1x128xi32, #tpu.memory_space<vmem>> -> memref<128xi32, #tpu.memory_space<vmem>>
      %dma_wait3A_311 = arith.constant 0 : i32
      %dma_wait3A_312 = tpu.memref_slice %arg2[%dma_wait3A_311] : memref<903168xf32, #tpu.memory_space<hbm>> -> memref<903168xf32, #tpu.memory_space<hbm>>
      tpu.wait_indirect_dma semaphore(%arg10 : memref<!tpu.dma_semaphore, #tpu.memory_space<semaphore_mem>>) src(%dma_wait3A_312 : memref<903168xf32, #tpu.memory_space<hbm>>) dst(%dma_wait3A_307 : memref<128xf32, #tpu.memory_space<vmem>>)
      %dma_wait3A_313 = tpu.memref_slice %arg7[%mul3A_288] : memref<4608xf32, #tpu.memory_space<vmem>> -> memref<128xf32, #tpu.memory_space<vmem>>
      %dma_wait3A_314 = arith.constant 0 : i32
      %dma_wait3A_315 = tpu.memref_slice %arg6[%add3A_282, %dma_wait3A_314] : memref<36x128xi32, #tpu.memory_space<vmem>> -> memref<1x128xi32, #tpu.memory_space<vmem>>
      %dma_wait3A_316 = tpu.memref_squeeze %dma_wait3A_315 : memref<1x128xi32, #tpu.memory_space<vmem>> -> memref<128xi32, #tpu.memory_space<vmem>>
      %dma_wait3A_317 = arith.constant 0 : i32
      %dma_wait3A_318 = tpu.memref_slice %arg2[%dma_wait3A_317] : memref<903168xf32, #tpu.memory_space<hbm>> -> memref<903168xf32, #tpu.memory_space<hbm>>
      tpu.wait_indirect_dma semaphore(%arg10 : memref<!tpu.dma_semaphore, #tpu.memory_space<semaphore_mem>>) src(%dma_wait3A_318 : memref<903168xf32, #tpu.memory_space<hbm>>) dst(%dma_wait3A_313 : memref<128xf32, #tpu.memory_space<vmem>>)
    }
    %scan3A_221 = arith.constant 9 : i32
    %scan3A_222 = arith.constant 0 : i32
    %scan3A_223 = arith.constant 0 : i32
    %scan3A_224 = arith.constant 32 : i32
    %scan3A_225 = arith.addi %scan3A_223, %scan3A_224 : i32
    %scan3A_226 = arith.constant 1 : i32
    scf.for %scan3A_230 = %scan3A_223 to %scan3A_225 step %scan3A_226  : i32 {
      %mul3A_231 = arith.constant 16 : i32
      %mul3A_232 = arith.muli %scan3A_230, %mul3A_231 : i32
      %get3A = arith.index_cast %mul3A_232 : i32 to index
      %get3A_233 = tpu.vector_load %arg8[%get3A] {strides = array<i32>} : memref<512xf32, #tpu.memory_space<vmem>>, vector<16xf32>,
      %mul3A_234 = arith.constant 16 : i32
      %mul3A_235 = arith.muli %scan3A_230, %mul3A_234 : i32
      %add3A_236 = arith.constant 0 : i32
      %add3A_237 = arith.addi %add3A_236, %mul3A_235 : i32
      %get3A_238 = arith.index_cast %add3A_237 : i32 to index
      %get3A_239 = tpu.vector_load %arg7[%get3A_238] {strides = array<i32>} : memref<4608xf32, #tpu.memory_space<vmem>>, vector<16xf32>,
      %add3A_240 = arith.addf %get3A_233, %get3A_239 : vector<16xf32>
      %mul3A_241 = arith.constant 16 : i32
      %mul3A_242 = arith.muli %scan3A_230, %mul3A_241 : i32
      %add3A_243 = arith.constant 512 : i32
      %add3A_244 = arith.addi %add3A_243, %mul3A_242 : i32
      %get3A_245 = arith.index_cast %add3A_244 : i32 to index
      %get3A_246 = tpu.vector_load %arg7[%get3A_245] {strides = array<i32>} : memref<4608xf32, #tpu.memory_space<vmem>>, vector<16xf32>,
      %add3A_247 = arith.addf %add3A_240, %get3A_246 : vector<16xf32>
      %mul3A_248 = arith.constant 16 : i32
      %mul3A_249 = arith.muli %scan3A_230, %mul3A_248 : i32
      %add3A_250 = arith.constant 1024 : i32
      %add3A_251 = arith.addi %add3A_250, %mul3A_249 : i32
      %get3A_252 = arith.index_cast %add3A_251 : i32 to index
      %get3A_253 = tpu.vector_load %arg7[%get3A_252] {strides = array<i32>} : memref<4608xf32, #tpu.memory_space<vmem>>, vector<16xf32>,
      %add3A_254 = arith.addf %add3A_247, %get3A_253 : vector<16xf32>
      %mul3A_255 = arith.constant 16 : i32
      %mul3A_256 = arith.muli %scan3A_230, %mul3A_255 : i32
      %add3A_257 = arith.constant 1536 : i32
      %add3A_258 = arith.addi %add3A_257, %mul3A_256 : i32
      %get3A_259 = arith.index_cast %add3A_258 : i32 to index
      %get3A_260 = tpu.vector_load %arg7[%get3A_259] {strides = array<i32>} : memref<4608xf32, #tpu.memory_space<vmem>>, vector<16xf32>,
      %add3A_261 = arith.addf %add3A_254, %get3A_260 : vector<16xf32>
      %mul3A_262 = arith.constant 16 : i32
      %mul3A_263 = arith.muli %scan3A_230, %mul3A_262 : i32
      %add3A_264 = arith.constant 2048 : i32
      %add3A_265 = arith.addi %add3A_264, %mul3A_263 : i32
      %get3A_266 = arith.index_cast %add3A_265 : i32 to index
      %get3A_267 = tpu.vector_load %arg7[%get3A_266] {strides = array<i32>} : memref<4608xf32, #tpu.memory_space<vmem>>, vector<16xf32>,
      %add3A_268 = arith.addf %add3A_261, %get3A_267 : vector<16xf32>
      %mul3A_269 = arith.constant 16 : i32
      %mul3A_270 = arith.muli %scan3A_230, %mul3A_269 : i32
      %add3A_271 = arith.constant 2560 : i32
      %add3A_272 = arith.addi %add3A_271, %mul3A_270 : i32
      %get3A_273 = arith.index_cast %add3A_272 : i32 to index
      %get3A_274 = tpu.vector_load %arg7[%get3A_273] {strides = array<i32>} : memref<4608xf32, #tpu.memory_space<vmem>>, vector<16xf32>,
      %add3A_275 = arith.addf %add3A_268, %get3A_274 : vector<16xf32>
      %mul3A_276 = arith.constant 16 : i32
      %mul3A_277 = arith.muli %scan3A_230, %mul3A_276 : i32
      %add3A_278 = arith.constant 3072 : i32
      %add3A_279 = arith.addi %add3A_278, %mul3A_277 : i32
      %get3A_280 = arith.index_cast %add3A_279 : i32 to index
      %get3A_281 = tpu.vector_load %arg7[%get3A_280] {strides = array<i32>} : memref<4608xf32, #tpu.memory_space<vmem>>, vector<16xf32>,
      %add3A_282 = arith.addf %add3A_275, %get3A_281 : vector<16xf32>
      %mul3A_283 = arith.constant 16 : i32
      %mul3A_284 = arith.muli %scan3A_230, %mul3A_283 : i32
      %add3A_285 = arith.constant 3584 : i32
      %add3A_286 = arith.addi %add3A_285, %mul3A_284 : i32
      %get3A_287 = arith.index_cast %add3A_286 : i32 to index
      %get3A_288 = tpu.vector_load %arg7[%get3A_287] {strides = array<i32>} : memref<4608xf32, #tpu.memory_space<vmem>>, vector<16xf32>,
      %add3A_289 = arith.addf %add3A_282, %get3A_288 : vector<16xf32>
      %mul3A_290 = arith.constant 16 : i32
      %mul3A_291 = arith.muli %scan3A_230, %mul3A_290 : i32
      %add3A_292 = arith.constant 4096 : i32
      %add3A_293 = arith.addi %add3A_292, %mul3A_291 : i32
      %get3A_294 = arith.index_cast %add3A_293 : i32 to index
      %get3A_295 = tpu.vector_load %arg7[%get3A_294] {strides = array<i32>} : memref<4608xf32, #tpu.memory_space<vmem>>, vector<16xf32>,
      %add3A_296 = arith.addf %add3A_289, %get3A_295 : vector<16xf32>
      %mul3A_297 = arith.constant 16 : i32
      %mul3A_298 = arith.muli %scan3A_230, %mul3A_297 : i32
      %swap3A = arith.index_cast %mul3A_298 : i32 to index
      %swap3A_299 = tpu.vector_load %arg9[%swap3A] {strides = array<i32>} : memref<512xf32, #tpu.memory_space<vmem>>, vector<16xf32>,
      tpu.vector_store %arg9[%swap3A], %add3A_296 {strides = array<i32>} : memref<512xf32, #tpu.memory_space<vmem>>, vector<16xf32>,
    }
    %scan3A_227 = arith.constant 32 : i32
    %mul3A_228 = arith.constant 512 : i32
    %mul3A_229 = arith.muli %add3A, %mul3A_228 : i32
    "tpu.region"() ({
      %run_scoped3A = tpu.sem_alloc : memref<!tpu.dma_semaphore, #tpu.memory_space<semaphore_mem>>
      %dma_start3A_230 = tpu.memref_slice %arg5[%mul3A_229] : memref<16384xf32, #tpu.memory_space<hbm>> -> memref<512xf32, #tpu.memory_space<hbm>>
      %dma_start3A_231 = tpu.memref_slice %arg5[%mul3A_229] : memref<16384xf32, #tpu.memory_space<hbm>> -> memref<512xf32, #tpu.memory_space<hbm>>
      tpu.enqueue_dma source(%arg9 : memref<512xf32, #tpu.memory_space<vmem>>) target(%dma_start3A_231 : memref<512xf32, #tpu.memory_space<hbm>>) target_semaphore(%run_scoped3A : memref<!tpu.dma_semaphore, #tpu.memory_space<semaphore_mem>>)
      %dma_wait3A_232 = tpu.memref_slice %arg5[%mul3A_229] : memref<16384xf32, #tpu.memory_space<hbm>> -> memref<512xf32, #tpu.memory_space<hbm>>
      %dma_wait3A_233 = tpu.memref_slice %arg5[%mul3A_229] : memref<16384xf32, #tpu.memory_space<hbm>> -> memref<512xf32, #tpu.memory_space<hbm>>
      tpu.wait_dma2 semaphore(%run_scoped3A : memref<!tpu.dma_semaphore, #tpu.memory_space<semaphore_mem>>) src(%arg9 : memref<512xf32, #tpu.memory_space<vmem>>) dst(%dma_wait3A_233 : memref<512xf32, #tpu.memory_space<hbm>>)
      tpu.yield
    }) : () -> ()
    return
  }
}

#map = affine_map<(d0, d1) -> (0)>
#map1 = affine_map<(d0, d1) -> (0, 0)>
module attributes {stable_mosaic.version = 14 : i64} {
  func.func @_gather_body(%arg0: i32, %arg1: i32, %arg2: memref<903168xf32, #tpu.memory_space<hbm>>, %arg3: memref<3328x128xi32, #tpu.memory_space<hbm>>, %arg4: memref<16384xf32, #tpu.memory_space<hbm>>, %arg5: memref<16384xf32, #tpu.memory_space<hbm>>, %arg6: memref<36x128xi32, #tpu.memory_space<vmem>>, %arg7: memref<4608xf32, #tpu.memory_space<vmem>>, %arg8: memref<512xf32, #tpu.memory_space<vmem>>, %arg9: memref<512xf32, #tpu.memory_space<vmem>>, %arg10: memref<!tpu.dma_semaphore, #tpu.memory_space<semaphore_mem>>) attributes {dimension_semantics = [#tpu.dimension_semantics<core_parallel>, #tpu.dimension_semantics<subcore_parallel>], iteration_bounds = array<i64: 2, 16>, scalar_prefetch = 0 : i64, scratch_operands = 5 : i64, tpu.core_type = #tpu.core_type<sc_vector_subcore>, window_params = [{transform_indices = #map}, {transform_indices = #map1}, {transform_indices = #map}, {transform_indices = #map}]} {
    %mul3A = arith.constant 2 : i32
    %mul3A_0 = arith.muli %arg1, %mul3A : i32
    %add3A = arith.addi %mul3A_0, %arg0 : i32
    %mul3A_1 = arith.constant 4 : i32
    %mul3A_2 = arith.muli %add3A, %mul3A_1 : i32
    %add3A_3 = arith.constant 2176 : i32
    %add3A_4 = arith.addi %add3A_3, %mul3A_2 : i32
    %dma_start3A = arith.constant 0 : i32
    %dma_start3A_5 = arith.constant 0 : i32
    %dma_start3A_6 = tpu.memref_slice %arg6[%dma_start3A, %dma_start3A_5] : memref<36x128xi32, #tpu.memory_space<vmem>> -> memref<4x128xi32, #tpu.memory_space<vmem>>
    %dma_start3A_7 = arith.constant 0 : i32
    %dma_start3A_8 = tpu.memref_slice %arg3[%add3A_4, %dma_start3A_7] : memref<3328x128xi32, #tpu.memory_space<hbm>> -> memref<4x128xi32, #tpu.memory_space<hbm>>
    %dma_start3A_9 = arith.constant 0 : i32
    %dma_start3A_10 = arith.constant 0 : i32
    %dma_start3A_11 = tpu.memref_slice %arg6[%dma_start3A_9, %dma_start3A_10] : memref<36x128xi32, #tpu.memory_space<vmem>> -> memref<4x128xi32, #tpu.memory_space<vmem>>
    %dma_start3A_12 = arith.constant 0 : i32
    %dma_start3A_13 = tpu.memref_slice %arg3[%add3A_4, %dma_start3A_12] : memref<3328x128xi32, #tpu.memory_space<hbm>> -> memref<4x128xi32, #tpu.memory_space<hbm>>
    tpu.enqueue_dma source(%dma_start3A_13 : memref<4x128xi32, #tpu.memory_space<hbm>>) target(%dma_start3A_11 : memref<4x128xi32, #tpu.memory_space<vmem>>) target_semaphore(%arg10 : memref<!tpu.dma_semaphore, #tpu.memory_space<semaphore_mem>>)
    %mul3A_14 = arith.constant 4 : i32
    %mul3A_15 = arith.muli %add3A, %mul3A_14 : i32
    %add3A_16 = arith.constant 2304 : i32
    %add3A_17 = arith.addi %add3A_16, %mul3A_15 : i32
    %dma_start3A_18 = arith.constant 4 : i32
    %dma_start3A_19 = arith.constant 0 : i32
    %dma_start3A_20 = tpu.memref_slice %arg6[%dma_start3A_18, %dma_start3A_19] : memref<36x128xi32, #tpu.memory_space<vmem>> -> memref<4x128xi32, #tpu.memory_space<vmem>>
    %dma_start3A_21 = arith.constant 0 : i32
    %dma_start3A_22 = tpu.memref_slice %arg3[%add3A_17, %dma_start3A_21] : memref<3328x128xi32, #tpu.memory_space<hbm>> -> memref<4x128xi32, #tpu.memory_space<hbm>>
    %dma_start3A_23 = arith.constant 4 : i32
    %dma_start3A_24 = arith.constant 0 : i32
    %dma_start3A_25 = tpu.memref_slice %arg6[%dma_start3A_23, %dma_start3A_24] : memref<36x128xi32, #tpu.memory_space<vmem>> -> memref<4x128xi32, #tpu.memory_space<vmem>>
    %dma_start3A_26 = arith.constant 0 : i32
    %dma_start3A_27 = tpu.memref_slice %arg3[%add3A_17, %dma_start3A_26] : memref<3328x128xi32, #tpu.memory_space<hbm>> -> memref<4x128xi32, #tpu.memory_space<hbm>>
    tpu.enqueue_dma source(%dma_start3A_27 : memref<4x128xi32, #tpu.memory_space<hbm>>) target(%dma_start3A_25 : memref<4x128xi32, #tpu.memory_space<vmem>>) target_semaphore(%arg10 : memref<!tpu.dma_semaphore, #tpu.memory_space<semaphore_mem>>)
    %mul3A_28 = arith.constant 4 : i32
    %mul3A_29 = arith.muli %add3A, %mul3A_28 : i32
    %add3A_30 = arith.constant 2432 : i32
    %add3A_31 = arith.addi %add3A_30, %mul3A_29 : i32
    %dma_start3A_32 = arith.constant 8 : i32
    %dma_start3A_33 = arith.constant 0 : i32
    %dma_start3A_34 = tpu.memref_slice %arg6[%dma_start3A_32, %dma_start3A_33] : memref<36x128xi32, #tpu.memory_space<vmem>> -> memref<4x128xi32, #tpu.memory_space<vmem>>
    %dma_start3A_35 = arith.constant 0 : i32
    %dma_start3A_36 = tpu.memref_slice %arg3[%add3A_31, %dma_start3A_35] : memref<3328x128xi32, #tpu.memory_space<hbm>> -> memref<4x128xi32, #tpu.memory_space<hbm>>
    %dma_start3A_37 = arith.constant 8 : i32
    %dma_start3A_38 = arith.constant 0 : i32
    %dma_start3A_39 = tpu.memref_slice %arg6[%dma_start3A_37, %dma_start3A_38] : memref<36x128xi32, #tpu.memory_space<vmem>> -> memref<4x128xi32, #tpu.memory_space<vmem>>
    %dma_start3A_40 = arith.constant 0 : i32
    %dma_start3A_41 = tpu.memref_slice %arg3[%add3A_31, %dma_start3A_40] : memref<3328x128xi32, #tpu.memory_space<hbm>> -> memref<4x128xi32, #tpu.memory_space<hbm>>
    tpu.enqueue_dma source(%dma_start3A_41 : memref<4x128xi32, #tpu.memory_space<hbm>>) target(%dma_start3A_39 : memref<4x128xi32, #tpu.memory_space<vmem>>) target_semaphore(%arg10 : memref<!tpu.dma_semaphore, #tpu.memory_space<semaphore_mem>>)
    %mul3A_42 = arith.constant 4 : i32
    %mul3A_43 = arith.muli %add3A, %mul3A_42 : i32
    %add3A_44 = arith.constant 2560 : i32
    %add3A_45 = arith.addi %add3A_44, %mul3A_43 : i32
    %dma_start3A_46 = arith.constant 12 : i32
    %dma_start3A_47 = arith.constant 0 : i32
    %dma_start3A_48 = tpu.memref_slice %arg6[%dma_start3A_46, %dma_start3A_47] : memref<36x128xi32, #tpu.memory_space<vmem>> -> memref<4x128xi32, #tpu.memory_space<vmem>>
    %dma_start3A_49 = arith.constant 0 : i32
    %dma_start3A_50 = tpu.memref_slice %arg3[%add3A_45, %dma_start3A_49] : memref<3328x128xi32, #tpu.memory_space<hbm>> -> memref<4x128xi32, #tpu.memory_space<hbm>>
    %dma_start3A_51 = arith.constant 12 : i32
    %dma_start3A_52 = arith.constant 0 : i32
    %dma_start3A_53 = tpu.memref_slice %arg6[%dma_start3A_51, %dma_start3A_52] : memref<36x128xi32, #tpu.memory_space<vmem>> -> memref<4x128xi32, #tpu.memory_space<vmem>>
    %dma_start3A_54 = arith.constant 0 : i32
    %dma_start3A_55 = tpu.memref_slice %arg3[%add3A_45, %dma_start3A_54] : memref<3328x128xi32, #tpu.memory_space<hbm>> -> memref<4x128xi32, #tpu.memory_space<hbm>>
    tpu.enqueue_dma source(%dma_start3A_55 : memref<4x128xi32, #tpu.memory_space<hbm>>) target(%dma_start3A_53 : memref<4x128xi32, #tpu.memory_space<vmem>>) target_semaphore(%arg10 : memref<!tpu.dma_semaphore, #tpu.memory_space<semaphore_mem>>)
    %mul3A_56 = arith.constant 4 : i32
    %mul3A_57 = arith.muli %add3A, %mul3A_56 : i32
    %add3A_58 = arith.constant 2688 : i32
    %add3A_59 = arith.addi %add3A_58, %mul3A_57 : i32
    %dma_start3A_60 = arith.constant 16 : i32
    %dma_start3A_61 = arith.constant 0 : i32
    %dma_start3A_62 = tpu.memref_slice %arg6[%dma_start3A_60, %dma_start3A_61] : memref<36x128xi32, #tpu.memory_space<vmem>> -> memref<4x128xi32, #tpu.memory_space<vmem>>
    %dma_start3A_63 = arith.constant 0 : i32
    %dma_start3A_64 = tpu.memref_slice %arg3[%add3A_59, %dma_start3A_63] : memref<3328x128xi32, #tpu.memory_space<hbm>> -> memref<4x128xi32, #tpu.memory_space<hbm>>
    %dma_start3A_65 = arith.constant 16 : i32
    %dma_start3A_66 = arith.constant 0 : i32
    %dma_start3A_67 = tpu.memref_slice %arg6[%dma_start3A_65, %dma_start3A_66] : memref<36x128xi32, #tpu.memory_space<vmem>> -> memref<4x128xi32, #tpu.memory_space<vmem>>
    %dma_start3A_68 = arith.constant 0 : i32
    %dma_start3A_69 = tpu.memref_slice %arg3[%add3A_59, %dma_start3A_68] : memref<3328x128xi32, #tpu.memory_space<hbm>> -> memref<4x128xi32, #tpu.memory_space<hbm>>
    tpu.enqueue_dma source(%dma_start3A_69 : memref<4x128xi32, #tpu.memory_space<hbm>>) target(%dma_start3A_67 : memref<4x128xi32, #tpu.memory_space<vmem>>) target_semaphore(%arg10 : memref<!tpu.dma_semaphore, #tpu.memory_space<semaphore_mem>>)
    %mul3A_70 = arith.constant 4 : i32
    %mul3A_71 = arith.muli %add3A, %mul3A_70 : i32
    %add3A_72 = arith.constant 2816 : i32
    %add3A_73 = arith.addi %add3A_72, %mul3A_71 : i32
    %dma_start3A_74 = arith.constant 20 : i32
    %dma_start3A_75 = arith.constant 0 : i32
    %dma_start3A_76 = tpu.memref_slice %arg6[%dma_start3A_74, %dma_start3A_75] : memref<36x128xi32, #tpu.memory_space<vmem>> -> memref<4x128xi32, #tpu.memory_space<vmem>>
    %dma_start3A_77 = arith.constant 0 : i32
    %dma_start3A_78 = tpu.memref_slice %arg3[%add3A_73, %dma_start3A_77] : memref<3328x128xi32, #tpu.memory_space<hbm>> -> memref<4x128xi32, #tpu.memory_space<hbm>>
    %dma_start3A_79 = arith.constant 20 : i32
    %dma_start3A_80 = arith.constant 0 : i32
    %dma_start3A_81 = tpu.memref_slice %arg6[%dma_start3A_79, %dma_start3A_80] : memref<36x128xi32, #tpu.memory_space<vmem>> -> memref<4x128xi32, #tpu.memory_space<vmem>>
    %dma_start3A_82 = arith.constant 0 : i32
    %dma_start3A_83 = tpu.memref_slice %arg3[%add3A_73, %dma_start3A_82] : memref<3328x128xi32, #tpu.memory_space<hbm>> -> memref<4x128xi32, #tpu.memory_space<hbm>>
    tpu.enqueue_dma source(%dma_start3A_83 : memref<4x128xi32, #tpu.memory_space<hbm>>) target(%dma_start3A_81 : memref<4x128xi32, #tpu.memory_space<vmem>>) target_semaphore(%arg10 : memref<!tpu.dma_semaphore, #tpu.memory_space<semaphore_mem>>)
    %mul3A_84 = arith.constant 4 : i32
    %mul3A_85 = arith.muli %add3A, %mul3A_84 : i32
    %add3A_86 = arith.constant 2944 : i32
    %add3A_87 = arith.addi %add3A_86, %mul3A_85 : i32
    %dma_start3A_88 = arith.constant 24 : i32
    %dma_start3A_89 = arith.constant 0 : i32
    %dma_start3A_90 = tpu.memref_slice %arg6[%dma_start3A_88, %dma_start3A_89] : memref<36x128xi32, #tpu.memory_space<vmem>> -> memref<4x128xi32, #tpu.memory_space<vmem>>
    %dma_start3A_91 = arith.constant 0 : i32
    %dma_start3A_92 = tpu.memref_slice %arg3[%add3A_87, %dma_start3A_91] : memref<3328x128xi32, #tpu.memory_space<hbm>> -> memref<4x128xi32, #tpu.memory_space<hbm>>
    %dma_start3A_93 = arith.constant 24 : i32
    %dma_start3A_94 = arith.constant 0 : i32
    %dma_start3A_95 = tpu.memref_slice %arg6[%dma_start3A_93, %dma_start3A_94] : memref<36x128xi32, #tpu.memory_space<vmem>> -> memref<4x128xi32, #tpu.memory_space<vmem>>
    %dma_start3A_96 = arith.constant 0 : i32
    %dma_start3A_97 = tpu.memref_slice %arg3[%add3A_87, %dma_start3A_96] : memref<3328x128xi32, #tpu.memory_space<hbm>> -> memref<4x128xi32, #tpu.memory_space<hbm>>
    tpu.enqueue_dma source(%dma_start3A_97 : memref<4x128xi32, #tpu.memory_space<hbm>>) target(%dma_start3A_95 : memref<4x128xi32, #tpu.memory_space<vmem>>) target_semaphore(%arg10 : memref<!tpu.dma_semaphore, #tpu.memory_space<semaphore_mem>>)
    %mul3A_98 = arith.constant 4 : i32
    %mul3A_99 = arith.muli %add3A, %mul3A_98 : i32
    %add3A_100 = arith.constant 3072 : i32
    %add3A_101 = arith.addi %add3A_100, %mul3A_99 : i32
    %dma_start3A_102 = arith.constant 28 : i32
    %dma_start3A_103 = arith.constant 0 : i32
    %dma_start3A_104 = tpu.memref_slice %arg6[%dma_start3A_102, %dma_start3A_103] : memref<36x128xi32, #tpu.memory_space<vmem>> -> memref<4x128xi32, #tpu.memory_space<vmem>>
    %dma_start3A_105 = arith.constant 0 : i32
    %dma_start3A_106 = tpu.memref_slice %arg3[%add3A_101, %dma_start3A_105] : memref<3328x128xi32, #tpu.memory_space<hbm>> -> memref<4x128xi32, #tpu.memory_space<hbm>>
    %dma_start3A_107 = arith.constant 28 : i32
    %dma_start3A_108 = arith.constant 0 : i32
    %dma_start3A_109 = tpu.memref_slice %arg6[%dma_start3A_107, %dma_start3A_108] : memref<36x128xi32, #tpu.memory_space<vmem>> -> memref<4x128xi32, #tpu.memory_space<vmem>>
    %dma_start3A_110 = arith.constant 0 : i32
    %dma_start3A_111 = tpu.memref_slice %arg3[%add3A_101, %dma_start3A_110] : memref<3328x128xi32, #tpu.memory_space<hbm>> -> memref<4x128xi32, #tpu.memory_space<hbm>>
    tpu.enqueue_dma source(%dma_start3A_111 : memref<4x128xi32, #tpu.memory_space<hbm>>) target(%dma_start3A_109 : memref<4x128xi32, #tpu.memory_space<vmem>>) target_semaphore(%arg10 : memref<!tpu.dma_semaphore, #tpu.memory_space<semaphore_mem>>)
    %mul3A_112 = arith.constant 4 : i32
    %mul3A_113 = arith.muli %add3A, %mul3A_112 : i32
    %add3A_114 = arith.constant 3200 : i32
    %add3A_115 = arith.addi %add3A_114, %mul3A_113 : i32
    %dma_start3A_116 = arith.constant 32 : i32
    %dma_start3A_117 = arith.constant 0 : i32
    %dma_start3A_118 = tpu.memref_slice %arg6[%dma_start3A_116, %dma_start3A_117] : memref<36x128xi32, #tpu.memory_space<vmem>> -> memref<4x128xi32, #tpu.memory_space<vmem>>
    %dma_start3A_119 = arith.constant 0 : i32
    %dma_start3A_120 = tpu.memref_slice %arg3[%add3A_115, %dma_start3A_119] : memref<3328x128xi32, #tpu.memory_space<hbm>> -> memref<4x128xi32, #tpu.memory_space<hbm>>
    %dma_start3A_121 = arith.constant 32 : i32
    %dma_start3A_122 = arith.constant 0 : i32
    %dma_start3A_123 = tpu.memref_slice %arg6[%dma_start3A_121, %dma_start3A_122] : memref<36x128xi32, #tpu.memory_space<vmem>> -> memref<4x128xi32, #tpu.memory_space<vmem>>
    %dma_start3A_124 = arith.constant 0 : i32
    %dma_start3A_125 = tpu.memref_slice %arg3[%add3A_115, %dma_start3A_124] : memref<3328x128xi32, #tpu.memory_space<hbm>> -> memref<4x128xi32, #tpu.memory_space<hbm>>
    tpu.enqueue_dma source(%dma_start3A_125 : memref<4x128xi32, #tpu.memory_space<hbm>>) target(%dma_start3A_123 : memref<4x128xi32, #tpu.memory_space<vmem>>) target_semaphore(%arg10 : memref<!tpu.dma_semaphore, #tpu.memory_space<semaphore_mem>>)
    %mul3A_126 = arith.constant 512 : i32
    %mul3A_127 = arith.muli %add3A, %mul3A_126 : i32
    "tpu.region"() ({
      %run_scoped3A = tpu.sem_alloc : memref<!tpu.dma_semaphore, #tpu.memory_space<semaphore_mem>>
      %dma_start3A_230 = tpu.memref_slice %arg4[%mul3A_127] : memref<16384xf32, #tpu.memory_space<hbm>> -> memref<512xf32, #tpu.memory_space<hbm>>
      %dma_start3A_231 = tpu.memref_slice %arg4[%mul3A_127] : memref<16384xf32, #tpu.memory_space<hbm>> -> memref<512xf32, #tpu.memory_space<hbm>>
      tpu.enqueue_dma source(%dma_start3A_231 : memref<512xf32, #tpu.memory_space<hbm>>) target(%arg8 : memref<512xf32, #tpu.memory_space<vmem>>) target_semaphore(%run_scoped3A : memref<!tpu.dma_semaphore, #tpu.memory_space<semaphore_mem>>)
      %dma_wait3A_232 = tpu.memref_slice %arg4[%mul3A_127] : memref<16384xf32, #tpu.memory_space<hbm>> -> memref<512xf32, #tpu.memory_space<hbm>>
      %dma_wait3A_233 = tpu.memref_slice %arg4[%mul3A_127] : memref<16384xf32, #tpu.memory_space<hbm>> -> memref<512xf32, #tpu.memory_space<hbm>>
      tpu.wait_dma2 semaphore(%run_scoped3A : memref<!tpu.dma_semaphore, #tpu.memory_space<semaphore_mem>>) src(%dma_wait3A_233 : memref<512xf32, #tpu.memory_space<hbm>>) dst(%arg8 : memref<512xf32, #tpu.memory_space<vmem>>)
      tpu.yield
    }) : () -> ()
    %dma_wait3A = arith.constant 0 : i32
    %dma_wait3A_128 = arith.constant 0 : i32
    %dma_wait3A_129 = tpu.memref_slice %arg6[%dma_wait3A, %dma_wait3A_128] : memref<36x128xi32, #tpu.memory_space<vmem>> -> memref<4x128xi32, #tpu.memory_space<vmem>>
    %dma_wait3A_130 = arith.constant 0 : i32
    %dma_wait3A_131 = tpu.memref_slice %arg3[%add3A_4, %dma_wait3A_130] : memref<3328x128xi32, #tpu.memory_space<hbm>> -> memref<4x128xi32, #tpu.memory_space<hbm>>
    %dma_wait3A_132 = arith.constant 0 : i32
    %dma_wait3A_133 = arith.constant 0 : i32
    %dma_wait3A_134 = tpu.memref_slice %arg6[%dma_wait3A_132, %dma_wait3A_133] : memref<36x128xi32, #tpu.memory_space<vmem>> -> memref<4x128xi32, #tpu.memory_space<vmem>>
    %dma_wait3A_135 = arith.constant 0 : i32
    %dma_wait3A_136 = tpu.memref_slice %arg3[%add3A_4, %dma_wait3A_135] : memref<3328x128xi32, #tpu.memory_space<hbm>> -> memref<4x128xi32, #tpu.memory_space<hbm>>
    tpu.wait_dma2 semaphore(%arg10 : memref<!tpu.dma_semaphore, #tpu.memory_space<semaphore_mem>>) src(%dma_wait3A_136 : memref<4x128xi32, #tpu.memory_space<hbm>>) dst(%dma_wait3A_134 : memref<4x128xi32, #tpu.memory_space<vmem>>)
    %dma_wait3A_137 = arith.constant 4 : i32
    %dma_wait3A_138 = arith.constant 0 : i32
    %dma_wait3A_139 = tpu.memref_slice %arg6[%dma_wait3A_137, %dma_wait3A_138] : memref<36x128xi32, #tpu.memory_space<vmem>> -> memref<4x128xi32, #tpu.memory_space<vmem>>
    %dma_wait3A_140 = arith.constant 0 : i32
    %dma_wait3A_141 = tpu.memref_slice %arg3[%add3A_17, %dma_wait3A_140] : memref<3328x128xi32, #tpu.memory_space<hbm>> -> memref<4x128xi32, #tpu.memory_space<hbm>>
    %dma_wait3A_142 = arith.constant 4 : i32
    %dma_wait3A_143 = arith.constant 0 : i32
    %dma_wait3A_144 = tpu.memref_slice %arg6[%dma_wait3A_142, %dma_wait3A_143] : memref<36x128xi32, #tpu.memory_space<vmem>> -> memref<4x128xi32, #tpu.memory_space<vmem>>
    %dma_wait3A_145 = arith.constant 0 : i32
    %dma_wait3A_146 = tpu.memref_slice %arg3[%add3A_17, %dma_wait3A_145] : memref<3328x128xi32, #tpu.memory_space<hbm>> -> memref<4x128xi32, #tpu.memory_space<hbm>>
    tpu.wait_dma2 semaphore(%arg10 : memref<!tpu.dma_semaphore, #tpu.memory_space<semaphore_mem>>) src(%dma_wait3A_146 : memref<4x128xi32, #tpu.memory_space<hbm>>) dst(%dma_wait3A_144 : memref<4x128xi32, #tpu.memory_space<vmem>>)
    %dma_wait3A_147 = arith.constant 8 : i32
    %dma_wait3A_148 = arith.constant 0 : i32
    %dma_wait3A_149 = tpu.memref_slice %arg6[%dma_wait3A_147, %dma_wait3A_148] : memref<36x128xi32, #tpu.memory_space<vmem>> -> memref<4x128xi32, #tpu.memory_space<vmem>>
    %dma_wait3A_150 = arith.constant 0 : i32
    %dma_wait3A_151 = tpu.memref_slice %arg3[%add3A_31, %dma_wait3A_150] : memref<3328x128xi32, #tpu.memory_space<hbm>> -> memref<4x128xi32, #tpu.memory_space<hbm>>
    %dma_wait3A_152 = arith.constant 8 : i32
    %dma_wait3A_153 = arith.constant 0 : i32
    %dma_wait3A_154 = tpu.memref_slice %arg6[%dma_wait3A_152, %dma_wait3A_153] : memref<36x128xi32, #tpu.memory_space<vmem>> -> memref<4x128xi32, #tpu.memory_space<vmem>>
    %dma_wait3A_155 = arith.constant 0 : i32
    %dma_wait3A_156 = tpu.memref_slice %arg3[%add3A_31, %dma_wait3A_155] : memref<3328x128xi32, #tpu.memory_space<hbm>> -> memref<4x128xi32, #tpu.memory_space<hbm>>
    tpu.wait_dma2 semaphore(%arg10 : memref<!tpu.dma_semaphore, #tpu.memory_space<semaphore_mem>>) src(%dma_wait3A_156 : memref<4x128xi32, #tpu.memory_space<hbm>>) dst(%dma_wait3A_154 : memref<4x128xi32, #tpu.memory_space<vmem>>)
    %dma_wait3A_157 = arith.constant 12 : i32
    %dma_wait3A_158 = arith.constant 0 : i32
    %dma_wait3A_159 = tpu.memref_slice %arg6[%dma_wait3A_157, %dma_wait3A_158] : memref<36x128xi32, #tpu.memory_space<vmem>> -> memref<4x128xi32, #tpu.memory_space<vmem>>
    %dma_wait3A_160 = arith.constant 0 : i32
    %dma_wait3A_161 = tpu.memref_slice %arg3[%add3A_45, %dma_wait3A_160] : memref<3328x128xi32, #tpu.memory_space<hbm>> -> memref<4x128xi32, #tpu.memory_space<hbm>>
    %dma_wait3A_162 = arith.constant 12 : i32
    %dma_wait3A_163 = arith.constant 0 : i32
    %dma_wait3A_164 = tpu.memref_slice %arg6[%dma_wait3A_162, %dma_wait3A_163] : memref<36x128xi32, #tpu.memory_space<vmem>> -> memref<4x128xi32, #tpu.memory_space<vmem>>
    %dma_wait3A_165 = arith.constant 0 : i32
    %dma_wait3A_166 = tpu.memref_slice %arg3[%add3A_45, %dma_wait3A_165] : memref<3328x128xi32, #tpu.memory_space<hbm>> -> memref<4x128xi32, #tpu.memory_space<hbm>>
    tpu.wait_dma2 semaphore(%arg10 : memref<!tpu.dma_semaphore, #tpu.memory_space<semaphore_mem>>) src(%dma_wait3A_166 : memref<4x128xi32, #tpu.memory_space<hbm>>) dst(%dma_wait3A_164 : memref<4x128xi32, #tpu.memory_space<vmem>>)
    %dma_wait3A_167 = arith.constant 16 : i32
    %dma_wait3A_168 = arith.constant 0 : i32
    %dma_wait3A_169 = tpu.memref_slice %arg6[%dma_wait3A_167, %dma_wait3A_168] : memref<36x128xi32, #tpu.memory_space<vmem>> -> memref<4x128xi32, #tpu.memory_space<vmem>>
    %dma_wait3A_170 = arith.constant 0 : i32
    %dma_wait3A_171 = tpu.memref_slice %arg3[%add3A_59, %dma_wait3A_170] : memref<3328x128xi32, #tpu.memory_space<hbm>> -> memref<4x128xi32, #tpu.memory_space<hbm>>
    %dma_wait3A_172 = arith.constant 16 : i32
    %dma_wait3A_173 = arith.constant 0 : i32
    %dma_wait3A_174 = tpu.memref_slice %arg6[%dma_wait3A_172, %dma_wait3A_173] : memref<36x128xi32, #tpu.memory_space<vmem>> -> memref<4x128xi32, #tpu.memory_space<vmem>>
    %dma_wait3A_175 = arith.constant 0 : i32
    %dma_wait3A_176 = tpu.memref_slice %arg3[%add3A_59, %dma_wait3A_175] : memref<3328x128xi32, #tpu.memory_space<hbm>> -> memref<4x128xi32, #tpu.memory_space<hbm>>
    tpu.wait_dma2 semaphore(%arg10 : memref<!tpu.dma_semaphore, #tpu.memory_space<semaphore_mem>>) src(%dma_wait3A_176 : memref<4x128xi32, #tpu.memory_space<hbm>>) dst(%dma_wait3A_174 : memref<4x128xi32, #tpu.memory_space<vmem>>)
    %dma_wait3A_177 = arith.constant 20 : i32
    %dma_wait3A_178 = arith.constant 0 : i32
    %dma_wait3A_179 = tpu.memref_slice %arg6[%dma_wait3A_177, %dma_wait3A_178] : memref<36x128xi32, #tpu.memory_space<vmem>> -> memref<4x128xi32, #tpu.memory_space<vmem>>
    %dma_wait3A_180 = arith.constant 0 : i32
    %dma_wait3A_181 = tpu.memref_slice %arg3[%add3A_73, %dma_wait3A_180] : memref<3328x128xi32, #tpu.memory_space<hbm>> -> memref<4x128xi32, #tpu.memory_space<hbm>>
    %dma_wait3A_182 = arith.constant 20 : i32
    %dma_wait3A_183 = arith.constant 0 : i32
    %dma_wait3A_184 = tpu.memref_slice %arg6[%dma_wait3A_182, %dma_wait3A_183] : memref<36x128xi32, #tpu.memory_space<vmem>> -> memref<4x128xi32, #tpu.memory_space<vmem>>
    %dma_wait3A_185 = arith.constant 0 : i32
    %dma_wait3A_186 = tpu.memref_slice %arg3[%add3A_73, %dma_wait3A_185] : memref<3328x128xi32, #tpu.memory_space<hbm>> -> memref<4x128xi32, #tpu.memory_space<hbm>>
    tpu.wait_dma2 semaphore(%arg10 : memref<!tpu.dma_semaphore, #tpu.memory_space<semaphore_mem>>) src(%dma_wait3A_186 : memref<4x128xi32, #tpu.memory_space<hbm>>) dst(%dma_wait3A_184 : memref<4x128xi32, #tpu.memory_space<vmem>>)
    %dma_wait3A_187 = arith.constant 24 : i32
    %dma_wait3A_188 = arith.constant 0 : i32
    %dma_wait3A_189 = tpu.memref_slice %arg6[%dma_wait3A_187, %dma_wait3A_188] : memref<36x128xi32, #tpu.memory_space<vmem>> -> memref<4x128xi32, #tpu.memory_space<vmem>>
    %dma_wait3A_190 = arith.constant 0 : i32
    %dma_wait3A_191 = tpu.memref_slice %arg3[%add3A_87, %dma_wait3A_190] : memref<3328x128xi32, #tpu.memory_space<hbm>> -> memref<4x128xi32, #tpu.memory_space<hbm>>
    %dma_wait3A_192 = arith.constant 24 : i32
    %dma_wait3A_193 = arith.constant 0 : i32
    %dma_wait3A_194 = tpu.memref_slice %arg6[%dma_wait3A_192, %dma_wait3A_193] : memref<36x128xi32, #tpu.memory_space<vmem>> -> memref<4x128xi32, #tpu.memory_space<vmem>>
    %dma_wait3A_195 = arith.constant 0 : i32
    %dma_wait3A_196 = tpu.memref_slice %arg3[%add3A_87, %dma_wait3A_195] : memref<3328x128xi32, #tpu.memory_space<hbm>> -> memref<4x128xi32, #tpu.memory_space<hbm>>
    tpu.wait_dma2 semaphore(%arg10 : memref<!tpu.dma_semaphore, #tpu.memory_space<semaphore_mem>>) src(%dma_wait3A_196 : memref<4x128xi32, #tpu.memory_space<hbm>>) dst(%dma_wait3A_194 : memref<4x128xi32, #tpu.memory_space<vmem>>)
    %dma_wait3A_197 = arith.constant 28 : i32
    %dma_wait3A_198 = arith.constant 0 : i32
    %dma_wait3A_199 = tpu.memref_slice %arg6[%dma_wait3A_197, %dma_wait3A_198] : memref<36x128xi32, #tpu.memory_space<vmem>> -> memref<4x128xi32, #tpu.memory_space<vmem>>
    %dma_wait3A_200 = arith.constant 0 : i32
    %dma_wait3A_201 = tpu.memref_slice %arg3[%add3A_101, %dma_wait3A_200] : memref<3328x128xi32, #tpu.memory_space<hbm>> -> memref<4x128xi32, #tpu.memory_space<hbm>>
    %dma_wait3A_202 = arith.constant 28 : i32
    %dma_wait3A_203 = arith.constant 0 : i32
    %dma_wait3A_204 = tpu.memref_slice %arg6[%dma_wait3A_202, %dma_wait3A_203] : memref<36x128xi32, #tpu.memory_space<vmem>> -> memref<4x128xi32, #tpu.memory_space<vmem>>
    %dma_wait3A_205 = arith.constant 0 : i32
    %dma_wait3A_206 = tpu.memref_slice %arg3[%add3A_101, %dma_wait3A_205] : memref<3328x128xi32, #tpu.memory_space<hbm>> -> memref<4x128xi32, #tpu.memory_space<hbm>>
    tpu.wait_dma2 semaphore(%arg10 : memref<!tpu.dma_semaphore, #tpu.memory_space<semaphore_mem>>) src(%dma_wait3A_206 : memref<4x128xi32, #tpu.memory_space<hbm>>) dst(%dma_wait3A_204 : memref<4x128xi32, #tpu.memory_space<vmem>>)
    %dma_wait3A_207 = arith.constant 32 : i32
    %dma_wait3A_208 = arith.constant 0 : i32
    %dma_wait3A_209 = tpu.memref_slice %arg6[%dma_wait3A_207, %dma_wait3A_208] : memref<36x128xi32, #tpu.memory_space<vmem>> -> memref<4x128xi32, #tpu.memory_space<vmem>>
    %dma_wait3A_210 = arith.constant 0 : i32
    %dma_wait3A_211 = tpu.memref_slice %arg3[%add3A_115, %dma_wait3A_210] : memref<3328x128xi32, #tpu.memory_space<hbm>> -> memref<4x128xi32, #tpu.memory_space<hbm>>
    %dma_wait3A_212 = arith.constant 32 : i32
    %dma_wait3A_213 = arith.constant 0 : i32
    %dma_wait3A_214 = tpu.memref_slice %arg6[%dma_wait3A_212, %dma_wait3A_213] : memref<36x128xi32, #tpu.memory_space<vmem>> -> memref<4x128xi32, #tpu.memory_space<vmem>>
    %dma_wait3A_215 = arith.constant 0 : i32
    %dma_wait3A_216 = tpu.memref_slice %arg3[%add3A_115, %dma_wait3A_215] : memref<3328x128xi32, #tpu.memory_space<hbm>> -> memref<4x128xi32, #tpu.memory_space<hbm>>
    tpu.wait_dma2 semaphore(%arg10 : memref<!tpu.dma_semaphore, #tpu.memory_space<semaphore_mem>>) src(%dma_wait3A_216 : memref<4x128xi32, #tpu.memory_space<hbm>>) dst(%dma_wait3A_214 : memref<4x128xi32, #tpu.memory_space<vmem>>)
    %scan3A = arith.constant 0 : i32
    %scan3A_217 = arith.constant 0 : i32
    %scan3A_218 = arith.constant 9 : i32
    %scan3A_219 = arith.addi %scan3A_217, %scan3A_218 : i32
    %scan3A_220 = arith.constant 1 : i32
    scf.for %scan3A_230 = %scan3A_217 to %scan3A_219 step %scan3A_220  : i32 {
      %mul3A_231 = arith.constant 4 : i32
      %mul3A_232 = arith.muli %scan3A_230, %mul3A_231 : i32
      %add3A_233 = arith.constant 0 : i32
      %add3A_234 = arith.addi %mul3A_232, %add3A_233 : i32
      %mul3A_235 = arith.constant 4 : i32
      %mul3A_236 = arith.muli %scan3A_230, %mul3A_235 : i32
      %add3A_237 = arith.constant 0 : i32
      %add3A_238 = arith.addi %mul3A_236, %add3A_237 : i32
      %mul3A_239 = arith.constant 128 : i32
      %mul3A_240 = arith.muli %add3A_238, %mul3A_239 : i32
      %dma_start3A_241 = tpu.memref_slice %arg7[%mul3A_240] : memref<4608xf32, #tpu.memory_space<vmem>> -> memref<128xf32, #tpu.memory_space<vmem>>
      %dma_start3A_242 = arith.constant 0 : i32
      %dma_start3A_243 = tpu.memref_slice %arg6[%add3A_234, %dma_start3A_242] : memref<36x128xi32, #tpu.memory_space<vmem>> -> memref<1x128xi32, #tpu.memory_space<vmem>>
      %dma_start3A_244 = tpu.memref_squeeze %dma_start3A_243 : memref<1x128xi32, #tpu.memory_space<vmem>> -> memref<128xi32, #tpu.memory_space<vmem>>
      %dma_start3A_245 = arith.constant 0 : i32
      %dma_start3A_246 = tpu.memref_slice %arg2[%dma_start3A_245] : memref<903168xf32, #tpu.memory_space<hbm>> -> memref<903168xf32, #tpu.memory_space<hbm>>
      tpu.enqueue_indirect_dma source(%dma_start3A_246 : memref<903168xf32, #tpu.memory_space<hbm>>) target(%dma_start3A_241 : memref<128xf32, #tpu.memory_space<vmem>>) offsets(%dma_start3A_244 : memref<128xi32, #tpu.memory_space<vmem>>) semaphore(%arg10 : memref<!tpu.dma_semaphore, #tpu.memory_space<semaphore_mem>>)
      %mul3A_247 = arith.constant 4 : i32
      %mul3A_248 = arith.muli %scan3A_230, %mul3A_247 : i32
      %add3A_249 = arith.constant 1 : i32
      %add3A_250 = arith.addi %mul3A_248, %add3A_249 : i32
      %mul3A_251 = arith.constant 4 : i32
      %mul3A_252 = arith.muli %scan3A_230, %mul3A_251 : i32
      %add3A_253 = arith.constant 1 : i32
      %add3A_254 = arith.addi %mul3A_252, %add3A_253 : i32
      %mul3A_255 = arith.constant 128 : i32
      %mul3A_256 = arith.muli %add3A_254, %mul3A_255 : i32
      %dma_start3A_257 = tpu.memref_slice %arg7[%mul3A_256] : memref<4608xf32, #tpu.memory_space<vmem>> -> memref<128xf32, #tpu.memory_space<vmem>>
      %dma_start3A_258 = arith.constant 0 : i32
      %dma_start3A_259 = tpu.memref_slice %arg6[%add3A_250, %dma_start3A_258] : memref<36x128xi32, #tpu.memory_space<vmem>> -> memref<1x128xi32, #tpu.memory_space<vmem>>
      %dma_start3A_260 = tpu.memref_squeeze %dma_start3A_259 : memref<1x128xi32, #tpu.memory_space<vmem>> -> memref<128xi32, #tpu.memory_space<vmem>>
      %dma_start3A_261 = arith.constant 0 : i32
      %dma_start3A_262 = tpu.memref_slice %arg2[%dma_start3A_261] : memref<903168xf32, #tpu.memory_space<hbm>> -> memref<903168xf32, #tpu.memory_space<hbm>>
      tpu.enqueue_indirect_dma source(%dma_start3A_262 : memref<903168xf32, #tpu.memory_space<hbm>>) target(%dma_start3A_257 : memref<128xf32, #tpu.memory_space<vmem>>) offsets(%dma_start3A_260 : memref<128xi32, #tpu.memory_space<vmem>>) semaphore(%arg10 : memref<!tpu.dma_semaphore, #tpu.memory_space<semaphore_mem>>)
      %mul3A_263 = arith.constant 4 : i32
      %mul3A_264 = arith.muli %scan3A_230, %mul3A_263 : i32
      %add3A_265 = arith.constant 2 : i32
      %add3A_266 = arith.addi %mul3A_264, %add3A_265 : i32
      %mul3A_267 = arith.constant 4 : i32
      %mul3A_268 = arith.muli %scan3A_230, %mul3A_267 : i32
      %add3A_269 = arith.constant 2 : i32
      %add3A_270 = arith.addi %mul3A_268, %add3A_269 : i32
      %mul3A_271 = arith.constant 128 : i32
      %mul3A_272 = arith.muli %add3A_270, %mul3A_271 : i32
      %dma_start3A_273 = tpu.memref_slice %arg7[%mul3A_272] : memref<4608xf32, #tpu.memory_space<vmem>> -> memref<128xf32, #tpu.memory_space<vmem>>
      %dma_start3A_274 = arith.constant 0 : i32
      %dma_start3A_275 = tpu.memref_slice %arg6[%add3A_266, %dma_start3A_274] : memref<36x128xi32, #tpu.memory_space<vmem>> -> memref<1x128xi32, #tpu.memory_space<vmem>>
      %dma_start3A_276 = tpu.memref_squeeze %dma_start3A_275 : memref<1x128xi32, #tpu.memory_space<vmem>> -> memref<128xi32, #tpu.memory_space<vmem>>
      %dma_start3A_277 = arith.constant 0 : i32
      %dma_start3A_278 = tpu.memref_slice %arg2[%dma_start3A_277] : memref<903168xf32, #tpu.memory_space<hbm>> -> memref<903168xf32, #tpu.memory_space<hbm>>
      tpu.enqueue_indirect_dma source(%dma_start3A_278 : memref<903168xf32, #tpu.memory_space<hbm>>) target(%dma_start3A_273 : memref<128xf32, #tpu.memory_space<vmem>>) offsets(%dma_start3A_276 : memref<128xi32, #tpu.memory_space<vmem>>) semaphore(%arg10 : memref<!tpu.dma_semaphore, #tpu.memory_space<semaphore_mem>>)
      %mul3A_279 = arith.constant 4 : i32
      %mul3A_280 = arith.muli %scan3A_230, %mul3A_279 : i32
      %add3A_281 = arith.constant 3 : i32
      %add3A_282 = arith.addi %mul3A_280, %add3A_281 : i32
      %mul3A_283 = arith.constant 4 : i32
      %mul3A_284 = arith.muli %scan3A_230, %mul3A_283 : i32
      %add3A_285 = arith.constant 3 : i32
      %add3A_286 = arith.addi %mul3A_284, %add3A_285 : i32
      %mul3A_287 = arith.constant 128 : i32
      %mul3A_288 = arith.muli %add3A_286, %mul3A_287 : i32
      %dma_start3A_289 = tpu.memref_slice %arg7[%mul3A_288] : memref<4608xf32, #tpu.memory_space<vmem>> -> memref<128xf32, #tpu.memory_space<vmem>>
      %dma_start3A_290 = arith.constant 0 : i32
      %dma_start3A_291 = tpu.memref_slice %arg6[%add3A_282, %dma_start3A_290] : memref<36x128xi32, #tpu.memory_space<vmem>> -> memref<1x128xi32, #tpu.memory_space<vmem>>
      %dma_start3A_292 = tpu.memref_squeeze %dma_start3A_291 : memref<1x128xi32, #tpu.memory_space<vmem>> -> memref<128xi32, #tpu.memory_space<vmem>>
      %dma_start3A_293 = arith.constant 0 : i32
      %dma_start3A_294 = tpu.memref_slice %arg2[%dma_start3A_293] : memref<903168xf32, #tpu.memory_space<hbm>> -> memref<903168xf32, #tpu.memory_space<hbm>>
      tpu.enqueue_indirect_dma source(%dma_start3A_294 : memref<903168xf32, #tpu.memory_space<hbm>>) target(%dma_start3A_289 : memref<128xf32, #tpu.memory_space<vmem>>) offsets(%dma_start3A_292 : memref<128xi32, #tpu.memory_space<vmem>>) semaphore(%arg10 : memref<!tpu.dma_semaphore, #tpu.memory_space<semaphore_mem>>)
      %dma_wait3A_295 = tpu.memref_slice %arg7[%mul3A_240] : memref<4608xf32, #tpu.memory_space<vmem>> -> memref<128xf32, #tpu.memory_space<vmem>>
      %dma_wait3A_296 = arith.constant 0 : i32
      %dma_wait3A_297 = tpu.memref_slice %arg6[%add3A_234, %dma_wait3A_296] : memref<36x128xi32, #tpu.memory_space<vmem>> -> memref<1x128xi32, #tpu.memory_space<vmem>>
      %dma_wait3A_298 = tpu.memref_squeeze %dma_wait3A_297 : memref<1x128xi32, #tpu.memory_space<vmem>> -> memref<128xi32, #tpu.memory_space<vmem>>
      %dma_wait3A_299 = arith.constant 0 : i32
      %dma_wait3A_300 = tpu.memref_slice %arg2[%dma_wait3A_299] : memref<903168xf32, #tpu.memory_space<hbm>> -> memref<903168xf32, #tpu.memory_space<hbm>>
      tpu.wait_indirect_dma semaphore(%arg10 : memref<!tpu.dma_semaphore, #tpu.memory_space<semaphore_mem>>) src(%dma_wait3A_300 : memref<903168xf32, #tpu.memory_space<hbm>>) dst(%dma_wait3A_295 : memref<128xf32, #tpu.memory_space<vmem>>)
      %dma_wait3A_301 = tpu.memref_slice %arg7[%mul3A_256] : memref<4608xf32, #tpu.memory_space<vmem>> -> memref<128xf32, #tpu.memory_space<vmem>>
      %dma_wait3A_302 = arith.constant 0 : i32
      %dma_wait3A_303 = tpu.memref_slice %arg6[%add3A_250, %dma_wait3A_302] : memref<36x128xi32, #tpu.memory_space<vmem>> -> memref<1x128xi32, #tpu.memory_space<vmem>>
      %dma_wait3A_304 = tpu.memref_squeeze %dma_wait3A_303 : memref<1x128xi32, #tpu.memory_space<vmem>> -> memref<128xi32, #tpu.memory_space<vmem>>
      %dma_wait3A_305 = arith.constant 0 : i32
      %dma_wait3A_306 = tpu.memref_slice %arg2[%dma_wait3A_305] : memref<903168xf32, #tpu.memory_space<hbm>> -> memref<903168xf32, #tpu.memory_space<hbm>>
      tpu.wait_indirect_dma semaphore(%arg10 : memref<!tpu.dma_semaphore, #tpu.memory_space<semaphore_mem>>) src(%dma_wait3A_306 : memref<903168xf32, #tpu.memory_space<hbm>>) dst(%dma_wait3A_301 : memref<128xf32, #tpu.memory_space<vmem>>)
      %dma_wait3A_307 = tpu.memref_slice %arg7[%mul3A_272] : memref<4608xf32, #tpu.memory_space<vmem>> -> memref<128xf32, #tpu.memory_space<vmem>>
      %dma_wait3A_308 = arith.constant 0 : i32
      %dma_wait3A_309 = tpu.memref_slice %arg6[%add3A_266, %dma_wait3A_308] : memref<36x128xi32, #tpu.memory_space<vmem>> -> memref<1x128xi32, #tpu.memory_space<vmem>>
      %dma_wait3A_310 = tpu.memref_squeeze %dma_wait3A_309 : memref<1x128xi32, #tpu.memory_space<vmem>> -> memref<128xi32, #tpu.memory_space<vmem>>
      %dma_wait3A_311 = arith.constant 0 : i32
      %dma_wait3A_312 = tpu.memref_slice %arg2[%dma_wait3A_311] : memref<903168xf32, #tpu.memory_space<hbm>> -> memref<903168xf32, #tpu.memory_space<hbm>>
      tpu.wait_indirect_dma semaphore(%arg10 : memref<!tpu.dma_semaphore, #tpu.memory_space<semaphore_mem>>) src(%dma_wait3A_312 : memref<903168xf32, #tpu.memory_space<hbm>>) dst(%dma_wait3A_307 : memref<128xf32, #tpu.memory_space<vmem>>)
      %dma_wait3A_313 = tpu.memref_slice %arg7[%mul3A_288] : memref<4608xf32, #tpu.memory_space<vmem>> -> memref<128xf32, #tpu.memory_space<vmem>>
      %dma_wait3A_314 = arith.constant 0 : i32
      %dma_wait3A_315 = tpu.memref_slice %arg6[%add3A_282, %dma_wait3A_314] : memref<36x128xi32, #tpu.memory_space<vmem>> -> memref<1x128xi32, #tpu.memory_space<vmem>>
      %dma_wait3A_316 = tpu.memref_squeeze %dma_wait3A_315 : memref<1x128xi32, #tpu.memory_space<vmem>> -> memref<128xi32, #tpu.memory_space<vmem>>
      %dma_wait3A_317 = arith.constant 0 : i32
      %dma_wait3A_318 = tpu.memref_slice %arg2[%dma_wait3A_317] : memref<903168xf32, #tpu.memory_space<hbm>> -> memref<903168xf32, #tpu.memory_space<hbm>>
      tpu.wait_indirect_dma semaphore(%arg10 : memref<!tpu.dma_semaphore, #tpu.memory_space<semaphore_mem>>) src(%dma_wait3A_318 : memref<903168xf32, #tpu.memory_space<hbm>>) dst(%dma_wait3A_313 : memref<128xf32, #tpu.memory_space<vmem>>)
    }
    %scan3A_221 = arith.constant 9 : i32
    %scan3A_222 = arith.constant 0 : i32
    %scan3A_223 = arith.constant 0 : i32
    %scan3A_224 = arith.constant 32 : i32
    %scan3A_225 = arith.addi %scan3A_223, %scan3A_224 : i32
    %scan3A_226 = arith.constant 1 : i32
    scf.for %scan3A_230 = %scan3A_223 to %scan3A_225 step %scan3A_226  : i32 {
      %mul3A_231 = arith.constant 16 : i32
      %mul3A_232 = arith.muli %scan3A_230, %mul3A_231 : i32
      %get3A = arith.index_cast %mul3A_232 : i32 to index
      %get3A_233 = tpu.vector_load %arg8[%get3A] {strides = array<i32>} : memref<512xf32, #tpu.memory_space<vmem>>, vector<16xf32>,
      %mul3A_234 = arith.constant 16 : i32
      %mul3A_235 = arith.muli %scan3A_230, %mul3A_234 : i32
      %add3A_236 = arith.constant 0 : i32
      %add3A_237 = arith.addi %add3A_236, %mul3A_235 : i32
      %get3A_238 = arith.index_cast %add3A_237 : i32 to index
      %get3A_239 = tpu.vector_load %arg7[%get3A_238] {strides = array<i32>} : memref<4608xf32, #tpu.memory_space<vmem>>, vector<16xf32>,
      %add3A_240 = arith.addf %get3A_233, %get3A_239 : vector<16xf32>
      %mul3A_241 = arith.constant 16 : i32
      %mul3A_242 = arith.muli %scan3A_230, %mul3A_241 : i32
      %add3A_243 = arith.constant 512 : i32
      %add3A_244 = arith.addi %add3A_243, %mul3A_242 : i32
      %get3A_245 = arith.index_cast %add3A_244 : i32 to index
      %get3A_246 = tpu.vector_load %arg7[%get3A_245] {strides = array<i32>} : memref<4608xf32, #tpu.memory_space<vmem>>, vector<16xf32>,
      %add3A_247 = arith.addf %add3A_240, %get3A_246 : vector<16xf32>
      %mul3A_248 = arith.constant 16 : i32
      %mul3A_249 = arith.muli %scan3A_230, %mul3A_248 : i32
      %add3A_250 = arith.constant 1024 : i32
      %add3A_251 = arith.addi %add3A_250, %mul3A_249 : i32
      %get3A_252 = arith.index_cast %add3A_251 : i32 to index
      %get3A_253 = tpu.vector_load %arg7[%get3A_252] {strides = array<i32>} : memref<4608xf32, #tpu.memory_space<vmem>>, vector<16xf32>,
      %add3A_254 = arith.addf %add3A_247, %get3A_253 : vector<16xf32>
      %mul3A_255 = arith.constant 16 : i32
      %mul3A_256 = arith.muli %scan3A_230, %mul3A_255 : i32
      %add3A_257 = arith.constant 1536 : i32
      %add3A_258 = arith.addi %add3A_257, %mul3A_256 : i32
      %get3A_259 = arith.index_cast %add3A_258 : i32 to index
      %get3A_260 = tpu.vector_load %arg7[%get3A_259] {strides = array<i32>} : memref<4608xf32, #tpu.memory_space<vmem>>, vector<16xf32>,
      %add3A_261 = arith.addf %add3A_254, %get3A_260 : vector<16xf32>
      %mul3A_262 = arith.constant 16 : i32
      %mul3A_263 = arith.muli %scan3A_230, %mul3A_262 : i32
      %add3A_264 = arith.constant 2048 : i32
      %add3A_265 = arith.addi %add3A_264, %mul3A_263 : i32
      %get3A_266 = arith.index_cast %add3A_265 : i32 to index
      %get3A_267 = tpu.vector_load %arg7[%get3A_266] {strides = array<i32>} : memref<4608xf32, #tpu.memory_space<vmem>>, vector<16xf32>,
      %add3A_268 = arith.addf %add3A_261, %get3A_267 : vector<16xf32>
      %mul3A_269 = arith.constant 16 : i32
      %mul3A_270 = arith.muli %scan3A_230, %mul3A_269 : i32
      %add3A_271 = arith.constant 2560 : i32
      %add3A_272 = arith.addi %add3A_271, %mul3A_270 : i32
      %get3A_273 = arith.index_cast %add3A_272 : i32 to index
      %get3A_274 = tpu.vector_load %arg7[%get3A_273] {strides = array<i32>} : memref<4608xf32, #tpu.memory_space<vmem>>, vector<16xf32>,
      %add3A_275 = arith.addf %add3A_268, %get3A_274 : vector<16xf32>
      %mul3A_276 = arith.constant 16 : i32
      %mul3A_277 = arith.muli %scan3A_230, %mul3A_276 : i32
      %add3A_278 = arith.constant 3072 : i32
      %add3A_279 = arith.addi %add3A_278, %mul3A_277 : i32
      %get3A_280 = arith.index_cast %add3A_279 : i32 to index
      %get3A_281 = tpu.vector_load %arg7[%get3A_280] {strides = array<i32>} : memref<4608xf32, #tpu.memory_space<vmem>>, vector<16xf32>,
      %add3A_282 = arith.addf %add3A_275, %get3A_281 : vector<16xf32>
      %mul3A_283 = arith.constant 16 : i32
      %mul3A_284 = arith.muli %scan3A_230, %mul3A_283 : i32
      %add3A_285 = arith.constant 3584 : i32
      %add3A_286 = arith.addi %add3A_285, %mul3A_284 : i32
      %get3A_287 = arith.index_cast %add3A_286 : i32 to index
      %get3A_288 = tpu.vector_load %arg7[%get3A_287] {strides = array<i32>} : memref<4608xf32, #tpu.memory_space<vmem>>, vector<16xf32>,
      %add3A_289 = arith.addf %add3A_282, %get3A_288 : vector<16xf32>
      %mul3A_290 = arith.constant 16 : i32
      %mul3A_291 = arith.muli %scan3A_230, %mul3A_290 : i32
      %add3A_292 = arith.constant 4096 : i32
      %add3A_293 = arith.addi %add3A_292, %mul3A_291 : i32
      %get3A_294 = arith.index_cast %add3A_293 : i32 to index
      %get3A_295 = tpu.vector_load %arg7[%get3A_294] {strides = array<i32>} : memref<4608xf32, #tpu.memory_space<vmem>>, vector<16xf32>,
      %add3A_296 = arith.addf %add3A_289, %get3A_295 : vector<16xf32>
      %mul3A_297 = arith.constant 16 : i32
      %mul3A_298 = arith.muli %scan3A_230, %mul3A_297 : i32
      %swap3A = arith.index_cast %mul3A_298 : i32 to index
      %swap3A_299 = tpu.vector_load %arg9[%swap3A] {strides = array<i32>} : memref<512xf32, #tpu.memory_space<vmem>>, vector<16xf32>,
      tpu.vector_store %arg9[%swap3A], %add3A_296 {strides = array<i32>} : memref<512xf32, #tpu.memory_space<vmem>>, vector<16xf32>,
    }
    %scan3A_227 = arith.constant 32 : i32
    %mul3A_228 = arith.constant 512 : i32
    %mul3A_229 = arith.muli %add3A, %mul3A_228 : i32
    "tpu.region"() ({
      %run_scoped3A = tpu.sem_alloc : memref<!tpu.dma_semaphore, #tpu.memory_space<semaphore_mem>>
      %dma_start3A_230 = tpu.memref_slice %arg5[%mul3A_229] : memref<16384xf32, #tpu.memory_space<hbm>> -> memref<512xf32, #tpu.memory_space<hbm>>
      %dma_start3A_231 = tpu.memref_slice %arg5[%mul3A_229] : memref<16384xf32, #tpu.memory_space<hbm>> -> memref<512xf32, #tpu.memory_space<hbm>>
      tpu.enqueue_dma source(%arg9 : memref<512xf32, #tpu.memory_space<vmem>>) target(%dma_start3A_231 : memref<512xf32, #tpu.memory_space<hbm>>) target_semaphore(%run_scoped3A : memref<!tpu.dma_semaphore, #tpu.memory_space<semaphore_mem>>)
      %dma_wait3A_232 = tpu.memref_slice %arg5[%mul3A_229] : memref<16384xf32, #tpu.memory_space<hbm>> -> memref<512xf32, #tpu.memory_space<hbm>>
      %dma_wait3A_233 = tpu.memref_slice %arg5[%mul3A_229] : memref<16384xf32, #tpu.memory_space<hbm>> -> memref<512xf32, #tpu.memory_space<hbm>>
      tpu.wait_dma2 semaphore(%run_scoped3A : memref<!tpu.dma_semaphore, #tpu.memory_space<semaphore_mem>>) src(%arg9 : memref<512xf32, #tpu.memory_space<vmem>>) dst(%dma_wait3A_233 : memref<512xf32, #tpu.memory_space<hbm>>)
      tpu.yield
    }) : () -> ()
    return
  }
}

#map = affine_map<(d0, d1) -> (0)>
#map1 = affine_map<(d0, d1) -> (0, 0)>
module attributes {stable_mosaic.version = 14 : i64} {
  func.func @_gather_body(%arg0: i32, %arg1: i32, %arg2: memref<802816xf32, #tpu.memory_space<hbm>>, %arg3: memref<3328x128xi32, #tpu.memory_space<hbm>>, %arg4: memref<16384xf32, #tpu.memory_space<hbm>>, %arg5: memref<16384xf32, #tpu.memory_space<hbm>>, %arg6: memref<32x128xi32, #tpu.memory_space<vmem>>, %arg7: memref<4096xf32, #tpu.memory_space<vmem>>, %arg8: memref<512xf32, #tpu.memory_space<vmem>>, %arg9: memref<512xf32, #tpu.memory_space<vmem>>, %arg10: memref<!tpu.dma_semaphore, #tpu.memory_space<semaphore_mem>>) attributes {dimension_semantics = [#tpu.dimension_semantics<core_parallel>, #tpu.dimension_semantics<subcore_parallel>], iteration_bounds = array<i64: 2, 16>, scalar_prefetch = 0 : i64, scratch_operands = 5 : i64, tpu.core_type = #tpu.core_type<sc_vector_subcore>, window_params = [{transform_indices = #map}, {transform_indices = #map1}, {transform_indices = #map}, {transform_indices = #map}]} {
    %mul3A = arith.constant 2 : i32
    %mul3A_0 = arith.muli %arg1, %mul3A : i32
    %add3A = arith.addi %mul3A_0, %arg0 : i32
    %mul3A_1 = arith.constant 4 : i32
    %mul3A_2 = arith.muli %add3A, %mul3A_1 : i32
    %add3A_3 = arith.constant 0 : i32
    %add3A_4 = arith.addi %add3A_3, %mul3A_2 : i32
    %dma_start3A = arith.constant 0 : i32
    %dma_start3A_5 = arith.constant 0 : i32
    %dma_start3A_6 = tpu.memref_slice %arg6[%dma_start3A, %dma_start3A_5] : memref<32x128xi32, #tpu.memory_space<vmem>> -> memref<4x128xi32, #tpu.memory_space<vmem>>
    %dma_start3A_7 = arith.constant 0 : i32
    %dma_start3A_8 = tpu.memref_slice %arg3[%add3A_4, %dma_start3A_7] : memref<3328x128xi32, #tpu.memory_space<hbm>> -> memref<4x128xi32, #tpu.memory_space<hbm>>
    %dma_start3A_9 = arith.constant 0 : i32
    %dma_start3A_10 = arith.constant 0 : i32
    %dma_start3A_11 = tpu.memref_slice %arg6[%dma_start3A_9, %dma_start3A_10] : memref<32x128xi32, #tpu.memory_space<vmem>> -> memref<4x128xi32, #tpu.memory_space<vmem>>
    %dma_start3A_12 = arith.constant 0 : i32
    %dma_start3A_13 = tpu.memref_slice %arg3[%add3A_4, %dma_start3A_12] : memref<3328x128xi32, #tpu.memory_space<hbm>> -> memref<4x128xi32, #tpu.memory_space<hbm>>
    tpu.enqueue_dma source(%dma_start3A_13 : memref<4x128xi32, #tpu.memory_space<hbm>>) target(%dma_start3A_11 : memref<4x128xi32, #tpu.memory_space<vmem>>) target_semaphore(%arg10 : memref<!tpu.dma_semaphore, #tpu.memory_space<semaphore_mem>>)
    %mul3A_14 = arith.constant 4 : i32
    %mul3A_15 = arith.muli %add3A, %mul3A_14 : i32
    %add3A_16 = arith.constant 128 : i32
    %add3A_17 = arith.addi %add3A_16, %mul3A_15 : i32
    %dma_start3A_18 = arith.constant 4 : i32
    %dma_start3A_19 = arith.constant 0 : i32
    %dma_start3A_20 = tpu.memref_slice %arg6[%dma_start3A_18, %dma_start3A_19] : memref<32x128xi32, #tpu.memory_space<vmem>> -> memref<4x128xi32, #tpu.memory_space<vmem>>
    %dma_start3A_21 = arith.constant 0 : i32
    %dma_start3A_22 = tpu.memref_slice %arg3[%add3A_17, %dma_start3A_21] : memref<3328x128xi32, #tpu.memory_space<hbm>> -> memref<4x128xi32, #tpu.memory_space<hbm>>
    %dma_start3A_23 = arith.constant 4 : i32
    %dma_start3A_24 = arith.constant 0 : i32
    %dma_start3A_25 = tpu.memref_slice %arg6[%dma_start3A_23, %dma_start3A_24] : memref<32x128xi32, #tpu.memory_space<vmem>> -> memref<4x128xi32, #tpu.memory_space<vmem>>
    %dma_start3A_26 = arith.constant 0 : i32
    %dma_start3A_27 = tpu.memref_slice %arg3[%add3A_17, %dma_start3A_26] : memref<3328x128xi32, #tpu.memory_space<hbm>> -> memref<4x128xi32, #tpu.memory_space<hbm>>
    tpu.enqueue_dma source(%dma_start3A_27 : memref<4x128xi32, #tpu.memory_space<hbm>>) target(%dma_start3A_25 : memref<4x128xi32, #tpu.memory_space<vmem>>) target_semaphore(%arg10 : memref<!tpu.dma_semaphore, #tpu.memory_space<semaphore_mem>>)
    %mul3A_28 = arith.constant 4 : i32
    %mul3A_29 = arith.muli %add3A, %mul3A_28 : i32
    %add3A_30 = arith.constant 256 : i32
    %add3A_31 = arith.addi %add3A_30, %mul3A_29 : i32
    %dma_start3A_32 = arith.constant 8 : i32
    %dma_start3A_33 = arith.constant 0 : i32
    %dma_start3A_34 = tpu.memref_slice %arg6[%dma_start3A_32, %dma_start3A_33] : memref<32x128xi32, #tpu.memory_space<vmem>> -> memref<4x128xi32, #tpu.memory_space<vmem>>
    %dma_start3A_35 = arith.constant 0 : i32
    %dma_start3A_36 = tpu.memref_slice %arg3[%add3A_31, %dma_start3A_35] : memref<3328x128xi32, #tpu.memory_space<hbm>> -> memref<4x128xi32, #tpu.memory_space<hbm>>
    %dma_start3A_37 = arith.constant 8 : i32
    %dma_start3A_38 = arith.constant 0 : i32
    %dma_start3A_39 = tpu.memref_slice %arg6[%dma_start3A_37, %dma_start3A_38] : memref<32x128xi32, #tpu.memory_space<vmem>> -> memref<4x128xi32, #tpu.memory_space<vmem>>
    %dma_start3A_40 = arith.constant 0 : i32
    %dma_start3A_41 = tpu.memref_slice %arg3[%add3A_31, %dma_start3A_40] : memref<3328x128xi32, #tpu.memory_space<hbm>> -> memref<4x128xi32, #tpu.memory_space<hbm>>
    tpu.enqueue_dma source(%dma_start3A_41 : memref<4x128xi32, #tpu.memory_space<hbm>>) target(%dma_start3A_39 : memref<4x128xi32, #tpu.memory_space<vmem>>) target_semaphore(%arg10 : memref<!tpu.dma_semaphore, #tpu.memory_space<semaphore_mem>>)
    %mul3A_42 = arith.constant 4 : i32
    %mul3A_43 = arith.muli %add3A, %mul3A_42 : i32
    %add3A_44 = arith.constant 384 : i32
    %add3A_45 = arith.addi %add3A_44, %mul3A_43 : i32
    %dma_start3A_46 = arith.constant 12 : i32
    %dma_start3A_47 = arith.constant 0 : i32
    %dma_start3A_48 = tpu.memref_slice %arg6[%dma_start3A_46, %dma_start3A_47] : memref<32x128xi32, #tpu.memory_space<vmem>> -> memref<4x128xi32, #tpu.memory_space<vmem>>
    %dma_start3A_49 = arith.constant 0 : i32
    %dma_start3A_50 = tpu.memref_slice %arg3[%add3A_45, %dma_start3A_49] : memref<3328x128xi32, #tpu.memory_space<hbm>> -> memref<4x128xi32, #tpu.memory_space<hbm>>
    %dma_start3A_51 = arith.constant 12 : i32
    %dma_start3A_52 = arith.constant 0 : i32
    %dma_start3A_53 = tpu.memref_slice %arg6[%dma_start3A_51, %dma_start3A_52] : memref<32x128xi32, #tpu.memory_space<vmem>> -> memref<4x128xi32, #tpu.memory_space<vmem>>
    %dma_start3A_54 = arith.constant 0 : i32
    %dma_start3A_55 = tpu.memref_slice %arg3[%add3A_45, %dma_start3A_54] : memref<3328x128xi32, #tpu.memory_space<hbm>> -> memref<4x128xi32, #tpu.memory_space<hbm>>
    tpu.enqueue_dma source(%dma_start3A_55 : memref<4x128xi32, #tpu.memory_space<hbm>>) target(%dma_start3A_53 : memref<4x128xi32, #tpu.memory_space<vmem>>) target_semaphore(%arg10 : memref<!tpu.dma_semaphore, #tpu.memory_space<semaphore_mem>>)
    %mul3A_56 = arith.constant 4 : i32
    %mul3A_57 = arith.muli %add3A, %mul3A_56 : i32
    %add3A_58 = arith.constant 512 : i32
    %add3A_59 = arith.addi %add3A_58, %mul3A_57 : i32
    %dma_start3A_60 = arith.constant 16 : i32
    %dma_start3A_61 = arith.constant 0 : i32
    %dma_start3A_62 = tpu.memref_slice %arg6[%dma_start3A_60, %dma_start3A_61] : memref<32x128xi32, #tpu.memory_space<vmem>> -> memref<4x128xi32, #tpu.memory_space<vmem>>
    %dma_start3A_63 = arith.constant 0 : i32
    %dma_start3A_64 = tpu.memref_slice %arg3[%add3A_59, %dma_start3A_63] : memref<3328x128xi32, #tpu.memory_space<hbm>> -> memref<4x128xi32, #tpu.memory_space<hbm>>
    %dma_start3A_65 = arith.constant 16 : i32
    %dma_start3A_66 = arith.constant 0 : i32
    %dma_start3A_67 = tpu.memref_slice %arg6[%dma_start3A_65, %dma_start3A_66] : memref<32x128xi32, #tpu.memory_space<vmem>> -> memref<4x128xi32, #tpu.memory_space<vmem>>
    %dma_start3A_68 = arith.constant 0 : i32
    %dma_start3A_69 = tpu.memref_slice %arg3[%add3A_59, %dma_start3A_68] : memref<3328x128xi32, #tpu.memory_space<hbm>> -> memref<4x128xi32, #tpu.memory_space<hbm>>
    tpu.enqueue_dma source(%dma_start3A_69 : memref<4x128xi32, #tpu.memory_space<hbm>>) target(%dma_start3A_67 : memref<4x128xi32, #tpu.memory_space<vmem>>) target_semaphore(%arg10 : memref<!tpu.dma_semaphore, #tpu.memory_space<semaphore_mem>>)
    %mul3A_70 = arith.constant 4 : i32
    %mul3A_71 = arith.muli %add3A, %mul3A_70 : i32
    %add3A_72 = arith.constant 640 : i32
    %add3A_73 = arith.addi %add3A_72, %mul3A_71 : i32
    %dma_start3A_74 = arith.constant 20 : i32
    %dma_start3A_75 = arith.constant 0 : i32
    %dma_start3A_76 = tpu.memref_slice %arg6[%dma_start3A_74, %dma_start3A_75] : memref<32x128xi32, #tpu.memory_space<vmem>> -> memref<4x128xi32, #tpu.memory_space<vmem>>
    %dma_start3A_77 = arith.constant 0 : i32
    %dma_start3A_78 = tpu.memref_slice %arg3[%add3A_73, %dma_start3A_77] : memref<3328x128xi32, #tpu.memory_space<hbm>> -> memref<4x128xi32, #tpu.memory_space<hbm>>
    %dma_start3A_79 = arith.constant 20 : i32
    %dma_start3A_80 = arith.constant 0 : i32
    %dma_start3A_81 = tpu.memref_slice %arg6[%dma_start3A_79, %dma_start3A_80] : memref<32x128xi32, #tpu.memory_space<vmem>> -> memref<4x128xi32, #tpu.memory_space<vmem>>
    %dma_start3A_82 = arith.constant 0 : i32
    %dma_start3A_83 = tpu.memref_slice %arg3[%add3A_73, %dma_start3A_82] : memref<3328x128xi32, #tpu.memory_space<hbm>> -> memref<4x128xi32, #tpu.memory_space<hbm>>
    tpu.enqueue_dma source(%dma_start3A_83 : memref<4x128xi32, #tpu.memory_space<hbm>>) target(%dma_start3A_81 : memref<4x128xi32, #tpu.memory_space<vmem>>) target_semaphore(%arg10 : memref<!tpu.dma_semaphore, #tpu.memory_space<semaphore_mem>>)
    %mul3A_84 = arith.constant 4 : i32
    %mul3A_85 = arith.muli %add3A, %mul3A_84 : i32
    %add3A_86 = arith.constant 768 : i32
    %add3A_87 = arith.addi %add3A_86, %mul3A_85 : i32
    %dma_start3A_88 = arith.constant 24 : i32
    %dma_start3A_89 = arith.constant 0 : i32
    %dma_start3A_90 = tpu.memref_slice %arg6[%dma_start3A_88, %dma_start3A_89] : memref<32x128xi32, #tpu.memory_space<vmem>> -> memref<4x128xi32, #tpu.memory_space<vmem>>
    %dma_start3A_91 = arith.constant 0 : i32
    %dma_start3A_92 = tpu.memref_slice %arg3[%add3A_87, %dma_start3A_91] : memref<3328x128xi32, #tpu.memory_space<hbm>> -> memref<4x128xi32, #tpu.memory_space<hbm>>
    %dma_start3A_93 = arith.constant 24 : i32
    %dma_start3A_94 = arith.constant 0 : i32
    %dma_start3A_95 = tpu.memref_slice %arg6[%dma_start3A_93, %dma_start3A_94] : memref<32x128xi32, #tpu.memory_space<vmem>> -> memref<4x128xi32, #tpu.memory_space<vmem>>
    %dma_start3A_96 = arith.constant 0 : i32
    %dma_start3A_97 = tpu.memref_slice %arg3[%add3A_87, %dma_start3A_96] : memref<3328x128xi32, #tpu.memory_space<hbm>> -> memref<4x128xi32, #tpu.memory_space<hbm>>
    tpu.enqueue_dma source(%dma_start3A_97 : memref<4x128xi32, #tpu.memory_space<hbm>>) target(%dma_start3A_95 : memref<4x128xi32, #tpu.memory_space<vmem>>) target_semaphore(%arg10 : memref<!tpu.dma_semaphore, #tpu.memory_space<semaphore_mem>>)
    %mul3A_98 = arith.constant 4 : i32
    %mul3A_99 = arith.muli %add3A, %mul3A_98 : i32
    %add3A_100 = arith.constant 896 : i32
    %add3A_101 = arith.addi %add3A_100, %mul3A_99 : i32
    %dma_start3A_102 = arith.constant 28 : i32
    %dma_start3A_103 = arith.constant 0 : i32
    %dma_start3A_104 = tpu.memref_slice %arg6[%dma_start3A_102, %dma_start3A_103] : memref<32x128xi32, #tpu.memory_space<vmem>> -> memref<4x128xi32, #tpu.memory_space<vmem>>
    %dma_start3A_105 = arith.constant 0 : i32
    %dma_start3A_106 = tpu.memref_slice %arg3[%add3A_101, %dma_start3A_105] : memref<3328x128xi32, #tpu.memory_space<hbm>> -> memref<4x128xi32, #tpu.memory_space<hbm>>
    %dma_start3A_107 = arith.constant 28 : i32
    %dma_start3A_108 = arith.constant 0 : i32
    %dma_start3A_109 = tpu.memref_slice %arg6[%dma_start3A_107, %dma_start3A_108] : memref<32x128xi32, #tpu.memory_space<vmem>> -> memref<4x128xi32, #tpu.memory_space<vmem>>
    %dma_start3A_110 = arith.constant 0 : i32
    %dma_start3A_111 = tpu.memref_slice %arg3[%add3A_101, %dma_start3A_110] : memref<3328x128xi32, #tpu.memory_space<hbm>> -> memref<4x128xi32, #tpu.memory_space<hbm>>
    tpu.enqueue_dma source(%dma_start3A_111 : memref<4x128xi32, #tpu.memory_space<hbm>>) target(%dma_start3A_109 : memref<4x128xi32, #tpu.memory_space<vmem>>) target_semaphore(%arg10 : memref<!tpu.dma_semaphore, #tpu.memory_space<semaphore_mem>>)
    %mul3A_112 = arith.constant 512 : i32
    %mul3A_113 = arith.muli %add3A, %mul3A_112 : i32
    "tpu.region"() ({
      %run_scoped3A = tpu.sem_alloc : memref<!tpu.dma_semaphore, #tpu.memory_space<semaphore_mem>>
      %dma_start3A_206 = tpu.memref_slice %arg4[%mul3A_113] : memref<16384xf32, #tpu.memory_space<hbm>> -> memref<512xf32, #tpu.memory_space<hbm>>
      %dma_start3A_207 = tpu.memref_slice %arg4[%mul3A_113] : memref<16384xf32, #tpu.memory_space<hbm>> -> memref<512xf32, #tpu.memory_space<hbm>>
      tpu.enqueue_dma source(%dma_start3A_207 : memref<512xf32, #tpu.memory_space<hbm>>) target(%arg8 : memref<512xf32, #tpu.memory_space<vmem>>) target_semaphore(%run_scoped3A : memref<!tpu.dma_semaphore, #tpu.memory_space<semaphore_mem>>)
      %dma_wait3A_208 = tpu.memref_slice %arg4[%mul3A_113] : memref<16384xf32, #tpu.memory_space<hbm>> -> memref<512xf32, #tpu.memory_space<hbm>>
      %dma_wait3A_209 = tpu.memref_slice %arg4[%mul3A_113] : memref<16384xf32, #tpu.memory_space<hbm>> -> memref<512xf32, #tpu.memory_space<hbm>>
      tpu.wait_dma2 semaphore(%run_scoped3A : memref<!tpu.dma_semaphore, #tpu.memory_space<semaphore_mem>>) src(%dma_wait3A_209 : memref<512xf32, #tpu.memory_space<hbm>>) dst(%arg8 : memref<512xf32, #tpu.memory_space<vmem>>)
      tpu.yield
    }) : () -> ()
    %dma_wait3A = arith.constant 0 : i32
    %dma_wait3A_114 = arith.constant 0 : i32
    %dma_wait3A_115 = tpu.memref_slice %arg6[%dma_wait3A, %dma_wait3A_114] : memref<32x128xi32, #tpu.memory_space<vmem>> -> memref<4x128xi32, #tpu.memory_space<vmem>>
    %dma_wait3A_116 = arith.constant 0 : i32
    %dma_wait3A_117 = tpu.memref_slice %arg3[%add3A_4, %dma_wait3A_116] : memref<3328x128xi32, #tpu.memory_space<hbm>> -> memref<4x128xi32, #tpu.memory_space<hbm>>
    %dma_wait3A_118 = arith.constant 0 : i32
    %dma_wait3A_119 = arith.constant 0 : i32
    %dma_wait3A_120 = tpu.memref_slice %arg6[%dma_wait3A_118, %dma_wait3A_119] : memref<32x128xi32, #tpu.memory_space<vmem>> -> memref<4x128xi32, #tpu.memory_space<vmem>>
    %dma_wait3A_121 = arith.constant 0 : i32
    %dma_wait3A_122 = tpu.memref_slice %arg3[%add3A_4, %dma_wait3A_121] : memref<3328x128xi32, #tpu.memory_space<hbm>> -> memref<4x128xi32, #tpu.memory_space<hbm>>
    tpu.wait_dma2 semaphore(%arg10 : memref<!tpu.dma_semaphore, #tpu.memory_space<semaphore_mem>>) src(%dma_wait3A_122 : memref<4x128xi32, #tpu.memory_space<hbm>>) dst(%dma_wait3A_120 : memref<4x128xi32, #tpu.memory_space<vmem>>)
    %dma_wait3A_123 = arith.constant 4 : i32
    %dma_wait3A_124 = arith.constant 0 : i32
    %dma_wait3A_125 = tpu.memref_slice %arg6[%dma_wait3A_123, %dma_wait3A_124] : memref<32x128xi32, #tpu.memory_space<vmem>> -> memref<4x128xi32, #tpu.memory_space<vmem>>
    %dma_wait3A_126 = arith.constant 0 : i32
    %dma_wait3A_127 = tpu.memref_slice %arg3[%add3A_17, %dma_wait3A_126] : memref<3328x128xi32, #tpu.memory_space<hbm>> -> memref<4x128xi32, #tpu.memory_space<hbm>>
    %dma_wait3A_128 = arith.constant 4 : i32
    %dma_wait3A_129 = arith.constant 0 : i32
    %dma_wait3A_130 = tpu.memref_slice %arg6[%dma_wait3A_128, %dma_wait3A_129] : memref<32x128xi32, #tpu.memory_space<vmem>> -> memref<4x128xi32, #tpu.memory_space<vmem>>
    %dma_wait3A_131 = arith.constant 0 : i32
    %dma_wait3A_132 = tpu.memref_slice %arg3[%add3A_17, %dma_wait3A_131] : memref<3328x128xi32, #tpu.memory_space<hbm>> -> memref<4x128xi32, #tpu.memory_space<hbm>>
    tpu.wait_dma2 semaphore(%arg10 : memref<!tpu.dma_semaphore, #tpu.memory_space<semaphore_mem>>) src(%dma_wait3A_132 : memref<4x128xi32, #tpu.memory_space<hbm>>) dst(%dma_wait3A_130 : memref<4x128xi32, #tpu.memory_space<vmem>>)
    %dma_wait3A_133 = arith.constant 8 : i32
    %dma_wait3A_134 = arith.constant 0 : i32
    %dma_wait3A_135 = tpu.memref_slice %arg6[%dma_wait3A_133, %dma_wait3A_134] : memref<32x128xi32, #tpu.memory_space<vmem>> -> memref<4x128xi32, #tpu.memory_space<vmem>>
    %dma_wait3A_136 = arith.constant 0 : i32
    %dma_wait3A_137 = tpu.memref_slice %arg3[%add3A_31, %dma_wait3A_136] : memref<3328x128xi32, #tpu.memory_space<hbm>> -> memref<4x128xi32, #tpu.memory_space<hbm>>
    %dma_wait3A_138 = arith.constant 8 : i32
    %dma_wait3A_139 = arith.constant 0 : i32
    %dma_wait3A_140 = tpu.memref_slice %arg6[%dma_wait3A_138, %dma_wait3A_139] : memref<32x128xi32, #tpu.memory_space<vmem>> -> memref<4x128xi32, #tpu.memory_space<vmem>>
    %dma_wait3A_141 = arith.constant 0 : i32
    %dma_wait3A_142 = tpu.memref_slice %arg3[%add3A_31, %dma_wait3A_141] : memref<3328x128xi32, #tpu.memory_space<hbm>> -> memref<4x128xi32, #tpu.memory_space<hbm>>
    tpu.wait_dma2 semaphore(%arg10 : memref<!tpu.dma_semaphore, #tpu.memory_space<semaphore_mem>>) src(%dma_wait3A_142 : memref<4x128xi32, #tpu.memory_space<hbm>>) dst(%dma_wait3A_140 : memref<4x128xi32, #tpu.memory_space<vmem>>)
    %dma_wait3A_143 = arith.constant 12 : i32
    %dma_wait3A_144 = arith.constant 0 : i32
    %dma_wait3A_145 = tpu.memref_slice %arg6[%dma_wait3A_143, %dma_wait3A_144] : memref<32x128xi32, #tpu.memory_space<vmem>> -> memref<4x128xi32, #tpu.memory_space<vmem>>
    %dma_wait3A_146 = arith.constant 0 : i32
    %dma_wait3A_147 = tpu.memref_slice %arg3[%add3A_45, %dma_wait3A_146] : memref<3328x128xi32, #tpu.memory_space<hbm>> -> memref<4x128xi32, #tpu.memory_space<hbm>>
    %dma_wait3A_148 = arith.constant 12 : i32
    %dma_wait3A_149 = arith.constant 0 : i32
    %dma_wait3A_150 = tpu.memref_slice %arg6[%dma_wait3A_148, %dma_wait3A_149] : memref<32x128xi32, #tpu.memory_space<vmem>> -> memref<4x128xi32, #tpu.memory_space<vmem>>
    %dma_wait3A_151 = arith.constant 0 : i32
    %dma_wait3A_152 = tpu.memref_slice %arg3[%add3A_45, %dma_wait3A_151] : memref<3328x128xi32, #tpu.memory_space<hbm>> -> memref<4x128xi32, #tpu.memory_space<hbm>>
    tpu.wait_dma2 semaphore(%arg10 : memref<!tpu.dma_semaphore, #tpu.memory_space<semaphore_mem>>) src(%dma_wait3A_152 : memref<4x128xi32, #tpu.memory_space<hbm>>) dst(%dma_wait3A_150 : memref<4x128xi32, #tpu.memory_space<vmem>>)
    %dma_wait3A_153 = arith.constant 16 : i32
    %dma_wait3A_154 = arith.constant 0 : i32
    %dma_wait3A_155 = tpu.memref_slice %arg6[%dma_wait3A_153, %dma_wait3A_154] : memref<32x128xi32, #tpu.memory_space<vmem>> -> memref<4x128xi32, #tpu.memory_space<vmem>>
    %dma_wait3A_156 = arith.constant 0 : i32
    %dma_wait3A_157 = tpu.memref_slice %arg3[%add3A_59, %dma_wait3A_156] : memref<3328x128xi32, #tpu.memory_space<hbm>> -> memref<4x128xi32, #tpu.memory_space<hbm>>
    %dma_wait3A_158 = arith.constant 16 : i32
    %dma_wait3A_159 = arith.constant 0 : i32
    %dma_wait3A_160 = tpu.memref_slice %arg6[%dma_wait3A_158, %dma_wait3A_159] : memref<32x128xi32, #tpu.memory_space<vmem>> -> memref<4x128xi32, #tpu.memory_space<vmem>>
    %dma_wait3A_161 = arith.constant 0 : i32
    %dma_wait3A_162 = tpu.memref_slice %arg3[%add3A_59, %dma_wait3A_161] : memref<3328x128xi32, #tpu.memory_space<hbm>> -> memref<4x128xi32, #tpu.memory_space<hbm>>
    tpu.wait_dma2 semaphore(%arg10 : memref<!tpu.dma_semaphore, #tpu.memory_space<semaphore_mem>>) src(%dma_wait3A_162 : memref<4x128xi32, #tpu.memory_space<hbm>>) dst(%dma_wait3A_160 : memref<4x128xi32, #tpu.memory_space<vmem>>)
    %dma_wait3A_163 = arith.constant 20 : i32
    %dma_wait3A_164 = arith.constant 0 : i32
    %dma_wait3A_165 = tpu.memref_slice %arg6[%dma_wait3A_163, %dma_wait3A_164] : memref<32x128xi32, #tpu.memory_space<vmem>> -> memref<4x128xi32, #tpu.memory_space<vmem>>
    %dma_wait3A_166 = arith.constant 0 : i32
    %dma_wait3A_167 = tpu.memref_slice %arg3[%add3A_73, %dma_wait3A_166] : memref<3328x128xi32, #tpu.memory_space<hbm>> -> memref<4x128xi32, #tpu.memory_space<hbm>>
    %dma_wait3A_168 = arith.constant 20 : i32
    %dma_wait3A_169 = arith.constant 0 : i32
    %dma_wait3A_170 = tpu.memref_slice %arg6[%dma_wait3A_168, %dma_wait3A_169] : memref<32x128xi32, #tpu.memory_space<vmem>> -> memref<4x128xi32, #tpu.memory_space<vmem>>
    %dma_wait3A_171 = arith.constant 0 : i32
    %dma_wait3A_172 = tpu.memref_slice %arg3[%add3A_73, %dma_wait3A_171] : memref<3328x128xi32, #tpu.memory_space<hbm>> -> memref<4x128xi32, #tpu.memory_space<hbm>>
    tpu.wait_dma2 semaphore(%arg10 : memref<!tpu.dma_semaphore, #tpu.memory_space<semaphore_mem>>) src(%dma_wait3A_172 : memref<4x128xi32, #tpu.memory_space<hbm>>) dst(%dma_wait3A_170 : memref<4x128xi32, #tpu.memory_space<vmem>>)
    %dma_wait3A_173 = arith.constant 24 : i32
    %dma_wait3A_174 = arith.constant 0 : i32
    %dma_wait3A_175 = tpu.memref_slice %arg6[%dma_wait3A_173, %dma_wait3A_174] : memref<32x128xi32, #tpu.memory_space<vmem>> -> memref<4x128xi32, #tpu.memory_space<vmem>>
    %dma_wait3A_176 = arith.constant 0 : i32
    %dma_wait3A_177 = tpu.memref_slice %arg3[%add3A_87, %dma_wait3A_176] : memref<3328x128xi32, #tpu.memory_space<hbm>> -> memref<4x128xi32, #tpu.memory_space<hbm>>
    %dma_wait3A_178 = arith.constant 24 : i32
    %dma_wait3A_179 = arith.constant 0 : i32
    %dma_wait3A_180 = tpu.memref_slice %arg6[%dma_wait3A_178, %dma_wait3A_179] : memref<32x128xi32, #tpu.memory_space<vmem>> -> memref<4x128xi32, #tpu.memory_space<vmem>>
    %dma_wait3A_181 = arith.constant 0 : i32
    %dma_wait3A_182 = tpu.memref_slice %arg3[%add3A_87, %dma_wait3A_181] : memref<3328x128xi32, #tpu.memory_space<hbm>> -> memref<4x128xi32, #tpu.memory_space<hbm>>
    tpu.wait_dma2 semaphore(%arg10 : memref<!tpu.dma_semaphore, #tpu.memory_space<semaphore_mem>>) src(%dma_wait3A_182 : memref<4x128xi32, #tpu.memory_space<hbm>>) dst(%dma_wait3A_180 : memref<4x128xi32, #tpu.memory_space<vmem>>)
    %dma_wait3A_183 = arith.constant 28 : i32
    %dma_wait3A_184 = arith.constant 0 : i32
    %dma_wait3A_185 = tpu.memref_slice %arg6[%dma_wait3A_183, %dma_wait3A_184] : memref<32x128xi32, #tpu.memory_space<vmem>> -> memref<4x128xi32, #tpu.memory_space<vmem>>
    %dma_wait3A_186 = arith.constant 0 : i32
    %dma_wait3A_187 = tpu.memref_slice %arg3[%add3A_101, %dma_wait3A_186] : memref<3328x128xi32, #tpu.memory_space<hbm>> -> memref<4x128xi32, #tpu.memory_space<hbm>>
    %dma_wait3A_188 = arith.constant 28 : i32
    %dma_wait3A_189 = arith.constant 0 : i32
    %dma_wait3A_190 = tpu.memref_slice %arg6[%dma_wait3A_188, %dma_wait3A_189] : memref<32x128xi32, #tpu.memory_space<vmem>> -> memref<4x128xi32, #tpu.memory_space<vmem>>
    %dma_wait3A_191 = arith.constant 0 : i32
    %dma_wait3A_192 = tpu.memref_slice %arg3[%add3A_101, %dma_wait3A_191] : memref<3328x128xi32, #tpu.memory_space<hbm>> -> memref<4x128xi32, #tpu.memory_space<hbm>>
    tpu.wait_dma2 semaphore(%arg10 : memref<!tpu.dma_semaphore, #tpu.memory_space<semaphore_mem>>) src(%dma_wait3A_192 : memref<4x128xi32, #tpu.memory_space<hbm>>) dst(%dma_wait3A_190 : memref<4x128xi32, #tpu.memory_space<vmem>>)
    %scan3A = arith.constant 0 : i32
    %scan3A_193 = arith.constant 0 : i32
    %scan3A_194 = arith.constant 8 : i32
    %scan3A_195 = arith.addi %scan3A_193, %scan3A_194 : i32
    %scan3A_196 = arith.constant 1 : i32
    scf.for %scan3A_206 = %scan3A_193 to %scan3A_195 step %scan3A_196  : i32 {
      %mul3A_207 = arith.constant 4 : i32
      %mul3A_208 = arith.muli %scan3A_206, %mul3A_207 : i32
      %add3A_209 = arith.constant 0 : i32
      %add3A_210 = arith.addi %mul3A_208, %add3A_209 : i32
      %mul3A_211 = arith.constant 4 : i32
      %mul3A_212 = arith.muli %scan3A_206, %mul3A_211 : i32
      %add3A_213 = arith.constant 0 : i32
      %add3A_214 = arith.addi %mul3A_212, %add3A_213 : i32
      %mul3A_215 = arith.constant 128 : i32
      %mul3A_216 = arith.muli %add3A_214, %mul3A_215 : i32
      %dma_start3A_217 = tpu.memref_slice %arg7[%mul3A_216] : memref<4096xf32, #tpu.memory_space<vmem>> -> memref<128xf32, #tpu.memory_space<vmem>>
      %dma_start3A_218 = arith.constant 0 : i32
      %dma_start3A_219 = tpu.memref_slice %arg6[%add3A_210, %dma_start3A_218] : memref<32x128xi32, #tpu.memory_space<vmem>> -> memref<1x128xi32, #tpu.memory_space<vmem>>
      %dma_start3A_220 = tpu.memref_squeeze %dma_start3A_219 : memref<1x128xi32, #tpu.memory_space<vmem>> -> memref<128xi32, #tpu.memory_space<vmem>>
      %dma_start3A_221 = arith.constant 0 : i32
      %dma_start3A_222 = tpu.memref_slice %arg2[%dma_start3A_221] : memref<802816xf32, #tpu.memory_space<hbm>> -> memref<802816xf32, #tpu.memory_space<hbm>>
      tpu.enqueue_indirect_dma source(%dma_start3A_222 : memref<802816xf32, #tpu.memory_space<hbm>>) target(%dma_start3A_217 : memref<128xf32, #tpu.memory_space<vmem>>) offsets(%dma_start3A_220 : memref<128xi32, #tpu.memory_space<vmem>>) semaphore(%arg10 : memref<!tpu.dma_semaphore, #tpu.memory_space<semaphore_mem>>)
      %mul3A_223 = arith.constant 4 : i32
      %mul3A_224 = arith.muli %scan3A_206, %mul3A_223 : i32
      %add3A_225 = arith.constant 1 : i32
      %add3A_226 = arith.addi %mul3A_224, %add3A_225 : i32
      %mul3A_227 = arith.constant 4 : i32
      %mul3A_228 = arith.muli %scan3A_206, %mul3A_227 : i32
      %add3A_229 = arith.constant 1 : i32
      %add3A_230 = arith.addi %mul3A_228, %add3A_229 : i32
      %mul3A_231 = arith.constant 128 : i32
      %mul3A_232 = arith.muli %add3A_230, %mul3A_231 : i32
      %dma_start3A_233 = tpu.memref_slice %arg7[%mul3A_232] : memref<4096xf32, #tpu.memory_space<vmem>> -> memref<128xf32, #tpu.memory_space<vmem>>
      %dma_start3A_234 = arith.constant 0 : i32
      %dma_start3A_235 = tpu.memref_slice %arg6[%add3A_226, %dma_start3A_234] : memref<32x128xi32, #tpu.memory_space<vmem>> -> memref<1x128xi32, #tpu.memory_space<vmem>>
      %dma_start3A_236 = tpu.memref_squeeze %dma_start3A_235 : memref<1x128xi32, #tpu.memory_space<vmem>> -> memref<128xi32, #tpu.memory_space<vmem>>
      %dma_start3A_237 = arith.constant 0 : i32
      %dma_start3A_238 = tpu.memref_slice %arg2[%dma_start3A_237] : memref<802816xf32, #tpu.memory_space<hbm>> -> memref<802816xf32, #tpu.memory_space<hbm>>
      tpu.enqueue_indirect_dma source(%dma_start3A_238 : memref<802816xf32, #tpu.memory_space<hbm>>) target(%dma_start3A_233 : memref<128xf32, #tpu.memory_space<vmem>>) offsets(%dma_start3A_236 : memref<128xi32, #tpu.memory_space<vmem>>) semaphore(%arg10 : memref<!tpu.dma_semaphore, #tpu.memory_space<semaphore_mem>>)
      %mul3A_239 = arith.constant 4 : i32
      %mul3A_240 = arith.muli %scan3A_206, %mul3A_239 : i32
      %add3A_241 = arith.constant 2 : i32
      %add3A_242 = arith.addi %mul3A_240, %add3A_241 : i32
      %mul3A_243 = arith.constant 4 : i32
      %mul3A_244 = arith.muli %scan3A_206, %mul3A_243 : i32
      %add3A_245 = arith.constant 2 : i32
      %add3A_246 = arith.addi %mul3A_244, %add3A_245 : i32
      %mul3A_247 = arith.constant 128 : i32
      %mul3A_248 = arith.muli %add3A_246, %mul3A_247 : i32
      %dma_start3A_249 = tpu.memref_slice %arg7[%mul3A_248] : memref<4096xf32, #tpu.memory_space<vmem>> -> memref<128xf32, #tpu.memory_space<vmem>>
      %dma_start3A_250 = arith.constant 0 : i32
      %dma_start3A_251 = tpu.memref_slice %arg6[%add3A_242, %dma_start3A_250] : memref<32x128xi32, #tpu.memory_space<vmem>> -> memref<1x128xi32, #tpu.memory_space<vmem>>
      %dma_start3A_252 = tpu.memref_squeeze %dma_start3A_251 : memref<1x128xi32, #tpu.memory_space<vmem>> -> memref<128xi32, #tpu.memory_space<vmem>>
      %dma_start3A_253 = arith.constant 0 : i32
      %dma_start3A_254 = tpu.memref_slice %arg2[%dma_start3A_253] : memref<802816xf32, #tpu.memory_space<hbm>> -> memref<802816xf32, #tpu.memory_space<hbm>>
      tpu.enqueue_indirect_dma source(%dma_start3A_254 : memref<802816xf32, #tpu.memory_space<hbm>>) target(%dma_start3A_249 : memref<128xf32, #tpu.memory_space<vmem>>) offsets(%dma_start3A_252 : memref<128xi32, #tpu.memory_space<vmem>>) semaphore(%arg10 : memref<!tpu.dma_semaphore, #tpu.memory_space<semaphore_mem>>)
      %mul3A_255 = arith.constant 4 : i32
      %mul3A_256 = arith.muli %scan3A_206, %mul3A_255 : i32
      %add3A_257 = arith.constant 3 : i32
      %add3A_258 = arith.addi %mul3A_256, %add3A_257 : i32
      %mul3A_259 = arith.constant 4 : i32
      %mul3A_260 = arith.muli %scan3A_206, %mul3A_259 : i32
      %add3A_261 = arith.constant 3 : i32
      %add3A_262 = arith.addi %mul3A_260, %add3A_261 : i32
      %mul3A_263 = arith.constant 128 : i32
      %mul3A_264 = arith.muli %add3A_262, %mul3A_263 : i32
      %dma_start3A_265 = tpu.memref_slice %arg7[%mul3A_264] : memref<4096xf32, #tpu.memory_space<vmem>> -> memref<128xf32, #tpu.memory_space<vmem>>
      %dma_start3A_266 = arith.constant 0 : i32
      %dma_start3A_267 = tpu.memref_slice %arg6[%add3A_258, %dma_start3A_266] : memref<32x128xi32, #tpu.memory_space<vmem>> -> memref<1x128xi32, #tpu.memory_space<vmem>>
      %dma_start3A_268 = tpu.memref_squeeze %dma_start3A_267 : memref<1x128xi32, #tpu.memory_space<vmem>> -> memref<128xi32, #tpu.memory_space<vmem>>
      %dma_start3A_269 = arith.constant 0 : i32
      %dma_start3A_270 = tpu.memref_slice %arg2[%dma_start3A_269] : memref<802816xf32, #tpu.memory_space<hbm>> -> memref<802816xf32, #tpu.memory_space<hbm>>
      tpu.enqueue_indirect_dma source(%dma_start3A_270 : memref<802816xf32, #tpu.memory_space<hbm>>) target(%dma_start3A_265 : memref<128xf32, #tpu.memory_space<vmem>>) offsets(%dma_start3A_268 : memref<128xi32, #tpu.memory_space<vmem>>) semaphore(%arg10 : memref<!tpu.dma_semaphore, #tpu.memory_space<semaphore_mem>>)
      %dma_wait3A_271 = tpu.memref_slice %arg7[%mul3A_216] : memref<4096xf32, #tpu.memory_space<vmem>> -> memref<128xf32, #tpu.memory_space<vmem>>
      %dma_wait3A_272 = arith.constant 0 : i32
      %dma_wait3A_273 = tpu.memref_slice %arg6[%add3A_210, %dma_wait3A_272] : memref<32x128xi32, #tpu.memory_space<vmem>> -> memref<1x128xi32, #tpu.memory_space<vmem>>
      %dma_wait3A_274 = tpu.memref_squeeze %dma_wait3A_273 : memref<1x128xi32, #tpu.memory_space<vmem>> -> memref<128xi32, #tpu.memory_space<vmem>>
      %dma_wait3A_275 = arith.constant 0 : i32
      %dma_wait3A_276 = tpu.memref_slice %arg2[%dma_wait3A_275] : memref<802816xf32, #tpu.memory_space<hbm>> -> memref<802816xf32, #tpu.memory_space<hbm>>
      tpu.wait_indirect_dma semaphore(%arg10 : memref<!tpu.dma_semaphore, #tpu.memory_space<semaphore_mem>>) src(%dma_wait3A_276 : memref<802816xf32, #tpu.memory_space<hbm>>) dst(%dma_wait3A_271 : memref<128xf32, #tpu.memory_space<vmem>>)
      %dma_wait3A_277 = tpu.memref_slice %arg7[%mul3A_232] : memref<4096xf32, #tpu.memory_space<vmem>> -> memref<128xf32, #tpu.memory_space<vmem>>
      %dma_wait3A_278 = arith.constant 0 : i32
      %dma_wait3A_279 = tpu.memref_slice %arg6[%add3A_226, %dma_wait3A_278] : memref<32x128xi32, #tpu.memory_space<vmem>> -> memref<1x128xi32, #tpu.memory_space<vmem>>
      %dma_wait3A_280 = tpu.memref_squeeze %dma_wait3A_279 : memref<1x128xi32, #tpu.memory_space<vmem>> -> memref<128xi32, #tpu.memory_space<vmem>>
      %dma_wait3A_281 = arith.constant 0 : i32
      %dma_wait3A_282 = tpu.memref_slice %arg2[%dma_wait3A_281] : memref<802816xf32, #tpu.memory_space<hbm>> -> memref<802816xf32, #tpu.memory_space<hbm>>
      tpu.wait_indirect_dma semaphore(%arg10 : memref<!tpu.dma_semaphore, #tpu.memory_space<semaphore_mem>>) src(%dma_wait3A_282 : memref<802816xf32, #tpu.memory_space<hbm>>) dst(%dma_wait3A_277 : memref<128xf32, #tpu.memory_space<vmem>>)
      %dma_wait3A_283 = tpu.memref_slice %arg7[%mul3A_248] : memref<4096xf32, #tpu.memory_space<vmem>> -> memref<128xf32, #tpu.memory_space<vmem>>
      %dma_wait3A_284 = arith.constant 0 : i32
      %dma_wait3A_285 = tpu.memref_slice %arg6[%add3A_242, %dma_wait3A_284] : memref<32x128xi32, #tpu.memory_space<vmem>> -> memref<1x128xi32, #tpu.memory_space<vmem>>
      %dma_wait3A_286 = tpu.memref_squeeze %dma_wait3A_285 : memref<1x128xi32, #tpu.memory_space<vmem>> -> memref<128xi32, #tpu.memory_space<vmem>>
      %dma_wait3A_287 = arith.constant 0 : i32
      %dma_wait3A_288 = tpu.memref_slice %arg2[%dma_wait3A_287] : memref<802816xf32, #tpu.memory_space<hbm>> -> memref<802816xf32, #tpu.memory_space<hbm>>
      tpu.wait_indirect_dma semaphore(%arg10 : memref<!tpu.dma_semaphore, #tpu.memory_space<semaphore_mem>>) src(%dma_wait3A_288 : memref<802816xf32, #tpu.memory_space<hbm>>) dst(%dma_wait3A_283 : memref<128xf32, #tpu.memory_space<vmem>>)
      %dma_wait3A_289 = tpu.memref_slice %arg7[%mul3A_264] : memref<4096xf32, #tpu.memory_space<vmem>> -> memref<128xf32, #tpu.memory_space<vmem>>
      %dma_wait3A_290 = arith.constant 0 : i32
      %dma_wait3A_291 = tpu.memref_slice %arg6[%add3A_258, %dma_wait3A_290] : memref<32x128xi32, #tpu.memory_space<vmem>> -> memref<1x128xi32, #tpu.memory_space<vmem>>
      %dma_wait3A_292 = tpu.memref_squeeze %dma_wait3A_291 : memref<1x128xi32, #tpu.memory_space<vmem>> -> memref<128xi32, #tpu.memory_space<vmem>>
      %dma_wait3A_293 = arith.constant 0 : i32
      %dma_wait3A_294 = tpu.memref_slice %arg2[%dma_wait3A_293] : memref<802816xf32, #tpu.memory_space<hbm>> -> memref<802816xf32, #tpu.memory_space<hbm>>
      tpu.wait_indirect_dma semaphore(%arg10 : memref<!tpu.dma_semaphore, #tpu.memory_space<semaphore_mem>>) src(%dma_wait3A_294 : memref<802816xf32, #tpu.memory_space<hbm>>) dst(%dma_wait3A_289 : memref<128xf32, #tpu.memory_space<vmem>>)
    }
    %scan3A_197 = arith.constant 8 : i32
    %scan3A_198 = arith.constant 0 : i32
    %scan3A_199 = arith.constant 0 : i32
    %scan3A_200 = arith.constant 32 : i32
    %scan3A_201 = arith.addi %scan3A_199, %scan3A_200 : i32
    %scan3A_202 = arith.constant 1 : i32
    scf.for %scan3A_206 = %scan3A_199 to %scan3A_201 step %scan3A_202  : i32 {
      %mul3A_207 = arith.constant 16 : i32
      %mul3A_208 = arith.muli %scan3A_206, %mul3A_207 : i32
      %get3A = arith.index_cast %mul3A_208 : i32 to index
      %get3A_209 = tpu.vector_load %arg8[%get3A] {strides = array<i32>} : memref<512xf32, #tpu.memory_space<vmem>>, vector<16xf32>,
      %mul3A_210 = arith.constant 16 : i32
      %mul3A_211 = arith.muli %scan3A_206, %mul3A_210 : i32
      %add3A_212 = arith.constant 0 : i32
      %add3A_213 = arith.addi %add3A_212, %mul3A_211 : i32
      %get3A_214 = arith.index_cast %add3A_213 : i32 to index
      %get3A_215 = tpu.vector_load %arg7[%get3A_214] {strides = array<i32>} : memref<4096xf32, #tpu.memory_space<vmem>>, vector<16xf32>,
      %add3A_216 = arith.addf %get3A_209, %get3A_215 : vector<16xf32>
      %mul3A_217 = arith.constant 16 : i32
      %mul3A_218 = arith.muli %scan3A_206, %mul3A_217 : i32
      %add3A_219 = arith.constant 512 : i32
      %add3A_220 = arith.addi %add3A_219, %mul3A_218 : i32
      %get3A_221 = arith.index_cast %add3A_220 : i32 to index
      %get3A_222 = tpu.vector_load %arg7[%get3A_221] {strides = array<i32>} : memref<4096xf32, #tpu.memory_space<vmem>>, vector<16xf32>,
      %add3A_223 = arith.addf %add3A_216, %get3A_222 : vector<16xf32>
      %mul3A_224 = arith.constant 16 : i32
      %mul3A_225 = arith.muli %scan3A_206, %mul3A_224 : i32
      %add3A_226 = arith.constant 1024 : i32
      %add3A_227 = arith.addi %add3A_226, %mul3A_225 : i32
      %get3A_228 = arith.index_cast %add3A_227 : i32 to index
      %get3A_229 = tpu.vector_load %arg7[%get3A_228] {strides = array<i32>} : memref<4096xf32, #tpu.memory_space<vmem>>, vector<16xf32>,
      %add3A_230 = arith.addf %add3A_223, %get3A_229 : vector<16xf32>
      %mul3A_231 = arith.constant 16 : i32
      %mul3A_232 = arith.muli %scan3A_206, %mul3A_231 : i32
      %add3A_233 = arith.constant 1536 : i32
      %add3A_234 = arith.addi %add3A_233, %mul3A_232 : i32
      %get3A_235 = arith.index_cast %add3A_234 : i32 to index
      %get3A_236 = tpu.vector_load %arg7[%get3A_235] {strides = array<i32>} : memref<4096xf32, #tpu.memory_space<vmem>>, vector<16xf32>,
      %add3A_237 = arith.addf %add3A_230, %get3A_236 : vector<16xf32>
      %mul3A_238 = arith.constant 16 : i32
      %mul3A_239 = arith.muli %scan3A_206, %mul3A_238 : i32
      %add3A_240 = arith.constant 2048 : i32
      %add3A_241 = arith.addi %add3A_240, %mul3A_239 : i32
      %get3A_242 = arith.index_cast %add3A_241 : i32 to index
      %get3A_243 = tpu.vector_load %arg7[%get3A_242] {strides = array<i32>} : memref<4096xf32, #tpu.memory_space<vmem>>, vector<16xf32>,
      %add3A_244 = arith.addf %add3A_237, %get3A_243 : vector<16xf32>
      %mul3A_245 = arith.constant 16 : i32
      %mul3A_246 = arith.muli %scan3A_206, %mul3A_245 : i32
      %add3A_247 = arith.constant 2560 : i32
      %add3A_248 = arith.addi %add3A_247, %mul3A_246 : i32
      %get3A_249 = arith.index_cast %add3A_248 : i32 to index
      %get3A_250 = tpu.vector_load %arg7[%get3A_249] {strides = array<i32>} : memref<4096xf32, #tpu.memory_space<vmem>>, vector<16xf32>,
      %add3A_251 = arith.addf %add3A_244, %get3A_250 : vector<16xf32>
      %mul3A_252 = arith.constant 16 : i32
      %mul3A_253 = arith.muli %scan3A_206, %mul3A_252 : i32
      %add3A_254 = arith.constant 3072 : i32
      %add3A_255 = arith.addi %add3A_254, %mul3A_253 : i32
      %get3A_256 = arith.index_cast %add3A_255 : i32 to index
      %get3A_257 = tpu.vector_load %arg7[%get3A_256] {strides = array<i32>} : memref<4096xf32, #tpu.memory_space<vmem>>, vector<16xf32>,
      %add3A_258 = arith.addf %add3A_251, %get3A_257 : vector<16xf32>
      %mul3A_259 = arith.constant 16 : i32
      %mul3A_260 = arith.muli %scan3A_206, %mul3A_259 : i32
      %add3A_261 = arith.constant 3584 : i32
      %add3A_262 = arith.addi %add3A_261, %mul3A_260 : i32
      %get3A_263 = arith.index_cast %add3A_262 : i32 to index
      %get3A_264 = tpu.vector_load %arg7[%get3A_263] {strides = array<i32>} : memref<4096xf32, #tpu.memory_space<vmem>>, vector<16xf32>,
      %add3A_265 = arith.addf %add3A_258, %get3A_264 : vector<16xf32>
      %mul3A_266 = arith.constant 16 : i32
      %mul3A_267 = arith.muli %scan3A_206, %mul3A_266 : i32
      %swap3A = arith.index_cast %mul3A_267 : i32 to index
      %swap3A_268 = tpu.vector_load %arg9[%swap3A] {strides = array<i32>} : memref<512xf32, #tpu.memory_space<vmem>>, vector<16xf32>,
      tpu.vector_store %arg9[%swap3A], %add3A_265 {strides = array<i32>} : memref<512xf32, #tpu.memory_space<vmem>>, vector<16xf32>,
    }
    %scan3A_203 = arith.constant 32 : i32
    %mul3A_204 = arith.constant 512 : i32
    %mul3A_205 = arith.muli %add3A, %mul3A_204 : i32
    "tpu.region"() ({
      %run_scoped3A = tpu.sem_alloc : memref<!tpu.dma_semaphore, #tpu.memory_space<semaphore_mem>>
      %dma_start3A_206 = tpu.memref_slice %arg5[%mul3A_205] : memref<16384xf32, #tpu.memory_space<hbm>> -> memref<512xf32, #tpu.memory_space<hbm>>
      %dma_start3A_207 = tpu.memref_slice %arg5[%mul3A_205] : memref<16384xf32, #tpu.memory_space<hbm>> -> memref<512xf32, #tpu.memory_space<hbm>>
      tpu.enqueue_dma source(%arg9 : memref<512xf32, #tpu.memory_space<vmem>>) target(%dma_start3A_207 : memref<512xf32, #tpu.memory_space<hbm>>) target_semaphore(%run_scoped3A : memref<!tpu.dma_semaphore, #tpu.memory_space<semaphore_mem>>)
      %dma_wait3A_208 = tpu.memref_slice %arg5[%mul3A_205] : memref<16384xf32, #tpu.memory_space<hbm>> -> memref<512xf32, #tpu.memory_space<hbm>>
      %dma_wait3A_209 = tpu.memref_slice %arg5[%mul3A_205] : memref<16384xf32, #tpu.memory_space<hbm>> -> memref<512xf32, #tpu.memory_space<hbm>>
      tpu.wait_dma2 semaphore(%run_scoped3A : memref<!tpu.dma_semaphore, #tpu.memory_space<semaphore_mem>>) src(%arg9 : memref<512xf32, #tpu.memory_space<vmem>>) dst(%dma_wait3A_209 : memref<512xf32, #tpu.memory_space<hbm>>)
      tpu.yield
    }) : () -> ()
    return
  }
}

module attributes {stable_mosaic.version = 14 : i64} {
  func.func @_idx_body(%arg0: memref<26x16384xi32, #tpu.memory_space<vmem>>, %arg1: memref<425984xi32, #tpu.memory_space<vmem>>) attributes {dimension_semantics = [], scalar_prefetch = 0 : i64, scratch_operands = 0 : i64, tpu.core_type = #tpu.core_type<tc>} {
    %get3A = arith.constant 0 : index
    %get3A_0 = arith.constant 0 : index
    %get3A_1 = vector.load %arg0[%get3A, %get3A_0] : memref<26x16384xi32, #tpu.memory_space<vmem>>, vector<26x16384xi32>
    %iota3A = tpu.iota {dimensions = array<i32: 0>} : vector<26x16384xi32>
    %lt3A = arith.constant 8 : i32
    %lt3A_2 = vector.broadcast %lt3A : i32 to vector<26x16384xi32>
    %lt3A_3 = arith.cmpi slt, %iota3A, %lt3A_2 : vector<26x16384xi32>
    %lt3A_4 = arith.constant 17 : i32
    %lt3A_5 = vector.broadcast %lt3A_4 : i32 to vector<26x16384xi32>
    %lt3A_6 = arith.cmpi slt, %iota3A, %lt3A_5 : vector<26x16384xi32>
    %sub3A = arith.constant 8 : i32
    %sub3A_7 = vector.broadcast %sub3A : i32 to vector<26x16384xi32>
    %sub3A_8 = arith.subi %iota3A, %sub3A_7 : vector<26x16384xi32>
    %sub3A_9 = arith.constant 17 : i32
    %sub3A_10 = vector.broadcast %sub3A_9 : i32 to vector<26x16384xi32>
    %sub3A_11 = arith.subi %iota3A, %sub3A_10 : vector<26x16384xi32>
    %select_n3A = arith.select %lt3A_6, %sub3A_8, %sub3A_11 : vector<26x16384xi1>, vector<26x16384xi32>
    %select_n3A_12 = arith.select %lt3A_3, %iota3A, %select_n3A : vector<26x16384xi1>, vector<26x16384xi32>
    %mul3A = arith.constant 100352 : i32
    %mul3A_13 = vector.broadcast %mul3A : i32 to vector<26x16384xi32>
    %mul3A_14 = arith.muli %select_n3A_12, %mul3A_13 : vector<26x16384xi32>
    %add3A = arith.addi %get3A_1, %mul3A_14 : vector<26x16384xi32>
    %reshape3A = vector.shape_cast %add3A : vector<26x16384xi32> to vector<425984xi32>
    %swap3A = arith.constant 0 : index
    %swap3A_15 = vector.load %arg1[%swap3A] : memref<425984xi32, #tpu.memory_space<vmem>>, vector<425984xi32>
    tpu.vector_store %arg1[%swap3A], %reshape3A {strides = array<i32>} : memref<425984xi32, #tpu.memory_space<vmem>>, vector<425984xi32>,
    return
  }
}

module attributes {stable_mosaic.version = 14 : i64} {
  func.func @_scores_body(%arg0: i32, %arg1: memref<1x16x100000xf32, #tpu.memory_space<vmem>>, %arg2: memref<26x16xf32, #tpu.memory_space<vmem>>, %arg3: memref<100352xf32, #tpu.memory_space<vmem>>) attributes {dimension_semantics = [#tpu.dimension_semantics<arbitrary>], iteration_bounds = array<i64: 8>, scalar_prefetch = 0 : i64, scratch_operands = 0 : i64, tpu.core_type = #tpu.core_type<tc>, window_params = [{transform_indices = @transform_0, window_bounds = array<i64: 1, 16, 100000>}, {pipeline_mode = #tpu.pipeline_mode<synchronous>, transform_indices = @transform_1, window_bounds = array<i64: 26, 16>}, {transform_indices = @transform_2, window_bounds = array<i64: 100352>}]} {
    %get3A = arith.constant 0 : index
    %get3A_0 = arith.constant 0 : index
    %get3A_1 = arith.constant 0 : index
    %get3A_2 = vector.load %arg1[%get3A, %get3A_0, %get3A_1] : memref<1x16x100000xf32, #tpu.memory_space<vmem>>, vector<1x16x100000xf32>
    %get3A_3 = vector.shape_cast %get3A_2 : vector<1x16x100000xf32> to vector<16x100000xf32>
    %add3A = arith.constant 0 : i32
    %add3A_4 = arith.addi %add3A, %arg0 : i32
    %get3A_5 = arith.index_cast %add3A_4 : i32 to index
    %get3A_6 = arith.constant 0 : index
    %get3A_7 = vector.load %arg2[%get3A_5, %get3A_6] : memref<26x16xf32, #tpu.memory_space<vmem>>, vector<1x16xf32>
    %get3A_8 = vector.shape_cast %get3A_7 : vector<1x16xf32> to vector<16xf32>
    %broadcast_in_dim3A = vector.shape_cast %get3A_8 : vector<16xf32> to vector<16x1xf32>
    %mul3A = vector.broadcast %broadcast_in_dim3A : vector<16x1xf32> to vector<16x100000xf32>
    %mul3A_9 = arith.mulf %get3A_3, %mul3A : vector<16x100000xf32>
    %reduce_sum3A = arith.constant dense<0.000000e+00> : vector<100000xf32>
    %reduce_sum3A_10 = vector.multi_reduction <add>, %mul3A_9, %reduce_sum3A [0] : vector<16x100000xf32> to vector<100000xf32>
    %broadcast_in_dim3A_11 = arith.constant 0.000000e+00 : f32
    %broadcast_in_dim3A_12 = vector.broadcast %broadcast_in_dim3A_11 : f32 to vector<352xf32>
    %concatenate3A = tpu.concatenate %reduce_sum3A_10, %broadcast_in_dim3A_12 in 0 : vector<100000xf32>, vector<352xf32> -> vector<100352xf32>
    %swap3A = arith.constant 0 : index
    %swap3A_13 = vector.load %arg3[%swap3A] : memref<100352xf32, #tpu.memory_space<vmem>>, vector<100352xf32>
    tpu.vector_store %arg3[%swap3A], %concatenate3A {strides = array<i32>} : memref<100352xf32, #tpu.memory_space<vmem>>, vector<100352xf32>,
    return
  }
  func.func @transform_0(%arg0: i32) -> (i32, i32, i32) {
    %add3A = arith.constant 0 : i32
    %add3A_0 = arith.addi %arg0, %add3A : i32
    %c0_i32 = arith.constant 0 : i32
    %c0_i32_1 = arith.constant 0 : i32
    %c0_i32_2 = arith.constant 0 : i32
    return %add3A_0, %c0_i32, %c0_i32_1 : i32, i32, i32
  }
  func.func @transform_1(%arg0: i32) -> (i32, i32) {
    %c0_i32 = arith.constant 0 : i32
    %c0_i32_0 = arith.constant 0 : i32
    %c0_i32_1 = arith.constant 0 : i32
    return %c0_i32, %c0_i32_0 : i32, i32
  }
  func.func @transform_2(%arg0: i32) -> i32 {
    %c0_i32 = arith.constant 0 : i32
    return %arg0 : i32
  }
}

module attributes {stable_mosaic.version = 14 : i64} {
  func.func @_scores_body(%arg0: i32, %arg1: memref<1x16x100000xf32, #tpu.memory_space<vmem>>, %arg2: memref<26x16xf32, #tpu.memory_space<vmem>>, %arg3: memref<100352xf32, #tpu.memory_space<vmem>>) attributes {dimension_semantics = [#tpu.dimension_semantics<arbitrary>], iteration_bounds = array<i64: 9>, scalar_prefetch = 0 : i64, scratch_operands = 0 : i64, tpu.core_type = #tpu.core_type<tc>, window_params = [{transform_indices = @transform_0, window_bounds = array<i64: 1, 16, 100000>}, {pipeline_mode = #tpu.pipeline_mode<synchronous>, transform_indices = @transform_1, window_bounds = array<i64: 26, 16>}, {transform_indices = @transform_2, window_bounds = array<i64: 100352>}]} {
    %get3A = arith.constant 0 : index
    %get3A_0 = arith.constant 0 : index
    %get3A_1 = arith.constant 0 : index
    %get3A_2 = vector.load %arg1[%get3A, %get3A_0, %get3A_1] : memref<1x16x100000xf32, #tpu.memory_space<vmem>>, vector<1x16x100000xf32>
    %get3A_3 = vector.shape_cast %get3A_2 : vector<1x16x100000xf32> to vector<16x100000xf32>
    %add3A = arith.constant 8 : i32
    %add3A_4 = arith.addi %add3A, %arg0 : i32
    %get3A_5 = arith.index_cast %add3A_4 : i32 to index
    %get3A_6 = arith.constant 0 : index
    %get3A_7 = vector.load %arg2[%get3A_5, %get3A_6] : memref<26x16xf32, #tpu.memory_space<vmem>>, vector<1x16xf32>
    %get3A_8 = vector.shape_cast %get3A_7 : vector<1x16xf32> to vector<16xf32>
    %broadcast_in_dim3A = vector.shape_cast %get3A_8 : vector<16xf32> to vector<16x1xf32>
    %mul3A = vector.broadcast %broadcast_in_dim3A : vector<16x1xf32> to vector<16x100000xf32>
    %mul3A_9 = arith.mulf %get3A_3, %mul3A : vector<16x100000xf32>
    %reduce_sum3A = arith.constant dense<0.000000e+00> : vector<100000xf32>
    %reduce_sum3A_10 = vector.multi_reduction <add>, %mul3A_9, %reduce_sum3A [0] : vector<16x100000xf32> to vector<100000xf32>
    %broadcast_in_dim3A_11 = arith.constant 0.000000e+00 : f32
    %broadcast_in_dim3A_12 = vector.broadcast %broadcast_in_dim3A_11 : f32 to vector<352xf32>
    %concatenate3A = tpu.concatenate %reduce_sum3A_10, %broadcast_in_dim3A_12 in 0 : vector<100000xf32>, vector<352xf32> -> vector<100352xf32>
    %swap3A = arith.constant 0 : index
    %swap3A_13 = vector.load %arg3[%swap3A] : memref<100352xf32, #tpu.memory_space<vmem>>, vector<100352xf32>
    tpu.vector_store %arg3[%swap3A], %concatenate3A {strides = array<i32>} : memref<100352xf32, #tpu.memory_space<vmem>>, vector<100352xf32>,
    return
  }
  func.func @transform_0(%arg0: i32) -> (i32, i32, i32) {
    %add3A = arith.constant 8 : i32
    %add3A_0 = arith.addi %arg0, %add3A : i32
    %c0_i32 = arith.constant 0 : i32
    %c0_i32_1 = arith.constant 0 : i32
    %c0_i32_2 = arith.constant 0 : i32
    return %add3A_0, %c0_i32, %c0_i32_1 : i32, i32, i32
  }
  func.func @transform_1(%arg0: i32) -> (i32, i32) {
    %c0_i32 = arith.constant 0 : i32
    %c0_i32_0 = arith.constant 0 : i32
    %c0_i32_1 = arith.constant 0 : i32
    return %c0_i32, %c0_i32_0 : i32, i32
  }
  func.func @transform_2(%arg0: i32) -> i32 {
    %c0_i32 = arith.constant 0 : i32
    return %arg0 : i32
  }
}

module attributes {stable_mosaic.version = 14 : i64} {
  func.func @_numpart_body(%arg0: memref<13x16384xf32, #tpu.memory_space<vmem>>, %arg1: memref<16xf32, #tpu.memory_space<vmem>>, %arg2: memref<16384xf32, #tpu.memory_space<vmem>>) attributes {dimension_semantics = [], scalar_prefetch = 0 : i64, scratch_operands = 0 : i64, tpu.core_type = #tpu.core_type<tc>} {
    %get3A = arith.constant 13 : index
    %get3A_0 = vector.load %arg1[%get3A] : memref<16xf32, #tpu.memory_space<vmem>>, vector<1xf32>
    %get3A_1 = vector.extract %get3A_0[0] : f32 from vector<1xf32>
    %broadcast_in_dim3A = vector.broadcast %get3A_1 : f32 to vector<16384xf32>
    %get3A_2 = arith.constant 0 : index
    %get3A_3 = arith.constant 0 : index
    %get3A_4 = vector.load %arg0[%get3A_2, %get3A_3] : memref<13x16384xf32, #tpu.memory_space<vmem>>, vector<1x16384xf32>
    %get3A_5 = vector.shape_cast %get3A_4 : vector<1x16384xf32> to vector<16384xf32>
    %get3A_6 = arith.constant 0 : index
    %get3A_7 = vector.load %arg1[%get3A_6] : memref<16xf32, #tpu.memory_space<vmem>>, vector<1xf32>
    %get3A_8 = vector.extract %get3A_7[0] : f32 from vector<1xf32>
    %mul3A = vector.broadcast %get3A_8 : f32 to vector<16384xf32>
    %mul3A_9 = arith.mulf %get3A_5, %mul3A : vector<16384xf32>
    %add3A = arith.addf %broadcast_in_dim3A, %mul3A_9 : vector<16384xf32>
    %get3A_10 = arith.constant 1 : index
    %get3A_11 = arith.constant 0 : index
    %get3A_12 = vector.load %arg0[%get3A_10, %get3A_11] : memref<13x16384xf32, #tpu.memory_space<vmem>>, vector<1x16384xf32>
    %get3A_13 = vector.shape_cast %get3A_12 : vector<1x16384xf32> to vector<16384xf32>
    %get3A_14 = arith.constant 1 : index
    %get3A_15 = vector.load %arg1[%get3A_14] : memref<16xf32, #tpu.memory_space<vmem>>, vector<1xf32>
    %get3A_16 = vector.extract %get3A_15[0] : f32 from vector<1xf32>
    %mul3A_17 = vector.broadcast %get3A_16 : f32 to vector<16384xf32>
    %mul3A_18 = arith.mulf %get3A_13, %mul3A_17 : vector<16384xf32>
    %add3A_19 = arith.addf %add3A, %mul3A_18 : vector<16384xf32>
    %get3A_20 = arith.constant 2 : index
    %get3A_21 = arith.constant 0 : index
    %get3A_22 = vector.load %arg0[%get3A_20, %get3A_21] : memref<13x16384xf32, #tpu.memory_space<vmem>>, vector<1x16384xf32>
    %get3A_23 = vector.shape_cast %get3A_22 : vector<1x16384xf32> to vector<16384xf32>
    %get3A_24 = arith.constant 2 : index
    %get3A_25 = vector.load %arg1[%get3A_24] : memref<16xf32, #tpu.memory_space<vmem>>, vector<1xf32>
    %get3A_26 = vector.extract %get3A_25[0] : f32 from vector<1xf32>
    %mul3A_27 = vector.broadcast %get3A_26 : f32 to vector<16384xf32>
    %mul3A_28 = arith.mulf %get3A_23, %mul3A_27 : vector<16384xf32>
    %add3A_29 = arith.addf %add3A_19, %mul3A_28 : vector<16384xf32>
    %get3A_30 = arith.constant 3 : index
    %get3A_31 = arith.constant 0 : index
    %get3A_32 = vector.load %arg0[%get3A_30, %get3A_31] : memref<13x16384xf32, #tpu.memory_space<vmem>>, vector<1x16384xf32>
    %get3A_33 = vector.shape_cast %get3A_32 : vector<1x16384xf32> to vector<16384xf32>
    %get3A_34 = arith.constant 3 : index
    %get3A_35 = vector.load %arg1[%get3A_34] : memref<16xf32, #tpu.memory_space<vmem>>, vector<1xf32>
    %get3A_36 = vector.extract %get3A_35[0] : f32 from vector<1xf32>
    %mul3A_37 = vector.broadcast %get3A_36 : f32 to vector<16384xf32>
    %mul3A_38 = arith.mulf %get3A_33, %mul3A_37 : vector<16384xf32>
    %add3A_39 = arith.addf %add3A_29, %mul3A_38 : vector<16384xf32>
    %get3A_40 = arith.constant 4 : index
    %get3A_41 = arith.constant 0 : index
    %get3A_42 = vector.load %arg0[%get3A_40, %get3A_41] : memref<13x16384xf32, #tpu.memory_space<vmem>>, vector<1x16384xf32>
    %get3A_43 = vector.shape_cast %get3A_42 : vector<1x16384xf32> to vector<16384xf32>
    %get3A_44 = arith.constant 4 : index
    %get3A_45 = vector.load %arg1[%get3A_44] : memref<16xf32, #tpu.memory_space<vmem>>, vector<1xf32>
    %get3A_46 = vector.extract %get3A_45[0] : f32 from vector<1xf32>
    %mul3A_47 = vector.broadcast %get3A_46 : f32 to vector<16384xf32>
    %mul3A_48 = arith.mulf %get3A_43, %mul3A_47 : vector<16384xf32>
    %add3A_49 = arith.addf %add3A_39, %mul3A_48 : vector<16384xf32>
    %get3A_50 = arith.constant 5 : index
    %get3A_51 = arith.constant 0 : index
    %get3A_52 = vector.load %arg0[%get3A_50, %get3A_51] : memref<13x16384xf32, #tpu.memory_space<vmem>>, vector<1x16384xf32>
    %get3A_53 = vector.shape_cast %get3A_52 : vector<1x16384xf32> to vector<16384xf32>
    %get3A_54 = arith.constant 5 : index
    %get3A_55 = vector.load %arg1[%get3A_54] : memref<16xf32, #tpu.memory_space<vmem>>, vector<1xf32>
    %get3A_56 = vector.extract %get3A_55[0] : f32 from vector<1xf32>
    %mul3A_57 = vector.broadcast %get3A_56 : f32 to vector<16384xf32>
    %mul3A_58 = arith.mulf %get3A_53, %mul3A_57 : vector<16384xf32>
    %add3A_59 = arith.addf %add3A_49, %mul3A_58 : vector<16384xf32>
    %get3A_60 = arith.constant 6 : index
    %get3A_61 = arith.constant 0 : index
    %get3A_62 = vector.load %arg0[%get3A_60, %get3A_61] : memref<13x16384xf32, #tpu.memory_space<vmem>>, vector<1x16384xf32>
    %get3A_63 = vector.shape_cast %get3A_62 : vector<1x16384xf32> to vector<16384xf32>
    %get3A_64 = arith.constant 6 : index
    %get3A_65 = vector.load %arg1[%get3A_64] : memref<16xf32, #tpu.memory_space<vmem>>, vector<1xf32>
    %get3A_66 = vector.extract %get3A_65[0] : f32 from vector<1xf32>
    %mul3A_67 = vector.broadcast %get3A_66 : f32 to vector<16384xf32>
    %mul3A_68 = arith.mulf %get3A_63, %mul3A_67 : vector<16384xf32>
    %add3A_69 = arith.addf %add3A_59, %mul3A_68 : vector<16384xf32>
    %get3A_70 = arith.constant 7 : index
    %get3A_71 = arith.constant 0 : index
    %get3A_72 = vector.load %arg0[%get3A_70, %get3A_71] : memref<13x16384xf32, #tpu.memory_space<vmem>>, vector<1x16384xf32>
    %get3A_73 = vector.shape_cast %get3A_72 : vector<1x16384xf32> to vector<16384xf32>
    %get3A_74 = arith.constant 7 : index
    %get3A_75 = vector.load %arg1[%get3A_74] : memref<16xf32, #tpu.memory_space<vmem>>, vector<1xf32>
    %get3A_76 = vector.extract %get3A_75[0] : f32 from vector<1xf32>
    %mul3A_77 = vector.broadcast %get3A_76 : f32 to vector<16384xf32>
    %mul3A_78 = arith.mulf %get3A_73, %mul3A_77 : vector<16384xf32>
    %add3A_79 = arith.addf %add3A_69, %mul3A_78 : vector<16384xf32>
    %get3A_80 = arith.constant 8 : index
    %get3A_81 = arith.constant 0 : index
    %get3A_82 = vector.load %arg0[%get3A_80, %get3A_81] : memref<13x16384xf32, #tpu.memory_space<vmem>>, vector<1x16384xf32>
    %get3A_83 = vector.shape_cast %get3A_82 : vector<1x16384xf32> to vector<16384xf32>
    %get3A_84 = arith.constant 8 : index
    %get3A_85 = vector.load %arg1[%get3A_84] : memref<16xf32, #tpu.memory_space<vmem>>, vector<1xf32>
    %get3A_86 = vector.extract %get3A_85[0] : f32 from vector<1xf32>
    %mul3A_87 = vector.broadcast %get3A_86 : f32 to vector<16384xf32>
    %mul3A_88 = arith.mulf %get3A_83, %mul3A_87 : vector<16384xf32>
    %add3A_89 = arith.addf %add3A_79, %mul3A_88 : vector<16384xf32>
    %get3A_90 = arith.constant 9 : index
    %get3A_91 = arith.constant 0 : index
    %get3A_92 = vector.load %arg0[%get3A_90, %get3A_91] : memref<13x16384xf32, #tpu.memory_space<vmem>>, vector<1x16384xf32>
    %get3A_93 = vector.shape_cast %get3A_92 : vector<1x16384xf32> to vector<16384xf32>
    %get3A_94 = arith.constant 9 : index
    %get3A_95 = vector.load %arg1[%get3A_94] : memref<16xf32, #tpu.memory_space<vmem>>, vector<1xf32>
    %get3A_96 = vector.extract %get3A_95[0] : f32 from vector<1xf32>
    %mul3A_97 = vector.broadcast %get3A_96 : f32 to vector<16384xf32>
    %mul3A_98 = arith.mulf %get3A_93, %mul3A_97 : vector<16384xf32>
    %add3A_99 = arith.addf %add3A_89, %mul3A_98 : vector<16384xf32>
    %get3A_100 = arith.constant 10 : index
    %get3A_101 = arith.constant 0 : index
    %get3A_102 = vector.load %arg0[%get3A_100, %get3A_101] : memref<13x16384xf32, #tpu.memory_space<vmem>>, vector<1x16384xf32>
    %get3A_103 = vector.shape_cast %get3A_102 : vector<1x16384xf32> to vector<16384xf32>
    %get3A_104 = arith.constant 10 : index
    %get3A_105 = vector.load %arg1[%get3A_104] : memref<16xf32, #tpu.memory_space<vmem>>, vector<1xf32>
    %get3A_106 = vector.extract %get3A_105[0] : f32 from vector<1xf32>
    %mul3A_107 = vector.broadcast %get3A_106 : f32 to vector<16384xf32>
    %mul3A_108 = arith.mulf %get3A_103, %mul3A_107 : vector<16384xf32>
    %add3A_109 = arith.addf %add3A_99, %mul3A_108 : vector<16384xf32>
    %get3A_110 = arith.constant 11 : index
    %get3A_111 = arith.constant 0 : index
    %get3A_112 = vector.load %arg0[%get3A_110, %get3A_111] : memref<13x16384xf32, #tpu.memory_space<vmem>>, vector<1x16384xf32>
    %get3A_113 = vector.shape_cast %get3A_112 : vector<1x16384xf32> to vector<16384xf32>
    %get3A_114 = arith.constant 11 : index
    %get3A_115 = vector.load %arg1[%get3A_114] : memref<16xf32, #tpu.memory_space<vmem>>, vector<1xf32>
    %get3A_116 = vector.extract %get3A_115[0] : f32 from vector<1xf32>
    %mul3A_117 = vector.broadcast %get3A_116 : f32 to vector<16384xf32>
    %mul3A_118 = arith.mulf %get3A_113, %mul3A_117 : vector<16384xf32>
    %add3A_119 = arith.addf %add3A_109, %mul3A_118 : vector<16384xf32>
    %get3A_120 = arith.constant 12 : index
    %get3A_121 = arith.constant 0 : index
    %get3A_122 = vector.load %arg0[%get3A_120, %get3A_121] : memref<13x16384xf32, #tpu.memory_space<vmem>>, vector<1x16384xf32>
    %get3A_123 = vector.shape_cast %get3A_122 : vector<1x16384xf32> to vector<16384xf32>
    %get3A_124 = arith.constant 12 : index
    %get3A_125 = vector.load %arg1[%get3A_124] : memref<16xf32, #tpu.memory_space<vmem>>, vector<1xf32>
    %get3A_126 = vector.extract %get3A_125[0] : f32 from vector<1xf32>
    %mul3A_127 = vector.broadcast %get3A_126 : f32 to vector<16384xf32>
    %mul3A_128 = arith.mulf %get3A_123, %mul3A_127 : vector<16384xf32>
    %add3A_129 = arith.addf %add3A_119, %mul3A_128 : vector<16384xf32>
    %swap3A = arith.constant 0 : index
    %swap3A_130 = vector.load %arg2[%swap3A] : memref<16384xf32, #tpu.memory_space<vmem>>, vector<16384xf32>
    tpu.vector_store %arg2[%swap3A], %add3A_129 {strides = array<i32>} : memref<16384xf32, #tpu.memory_space<vmem>>, vector<16384xf32>,
    return
  }
}

module attributes {stable_mosaic.version = 14 : i64} {
  func.func @_scores_body(%arg0: i32, %arg1: memref<1x16x100000xf32, #tpu.memory_space<vmem>>, %arg2: memref<26x16xf32, #tpu.memory_space<vmem>>, %arg3: memref<100352xf32, #tpu.memory_space<vmem>>) attributes {dimension_semantics = [#tpu.dimension_semantics<arbitrary>], iteration_bounds = array<i64: 9>, scalar_prefetch = 0 : i64, scratch_operands = 0 : i64, tpu.core_type = #tpu.core_type<tc>, window_params = [{transform_indices = @transform_0, window_bounds = array<i64: 1, 16, 100000>}, {pipeline_mode = #tpu.pipeline_mode<synchronous>, transform_indices = @transform_1, window_bounds = array<i64: 26, 16>}, {transform_indices = @transform_2, window_bounds = array<i64: 100352>}]} {
    %get3A = arith.constant 0 : index
    %get3A_0 = arith.constant 0 : index
    %get3A_1 = arith.constant 0 : index
    %get3A_2 = vector.load %arg1[%get3A, %get3A_0, %get3A_1] : memref<1x16x100000xf32, #tpu.memory_space<vmem>>, vector<1x16x100000xf32>
    %get3A_3 = vector.shape_cast %get3A_2 : vector<1x16x100000xf32> to vector<16x100000xf32>
    %add3A = arith.constant 17 : i32
    %add3A_4 = arith.addi %add3A, %arg0 : i32
    %get3A_5 = arith.index_cast %add3A_4 : i32 to index
    %get3A_6 = arith.constant 0 : index
    %get3A_7 = vector.load %arg2[%get3A_5, %get3A_6] : memref<26x16xf32, #tpu.memory_space<vmem>>, vector<1x16xf32>
    %get3A_8 = vector.shape_cast %get3A_7 : vector<1x16xf32> to vector<16xf32>
    %broadcast_in_dim3A = vector.shape_cast %get3A_8 : vector<16xf32> to vector<16x1xf32>
    %mul3A = vector.broadcast %broadcast_in_dim3A : vector<16x1xf32> to vector<16x100000xf32>
    %mul3A_9 = arith.mulf %get3A_3, %mul3A : vector<16x100000xf32>
    %reduce_sum3A = arith.constant dense<0.000000e+00> : vector<100000xf32>
    %reduce_sum3A_10 = vector.multi_reduction <add>, %mul3A_9, %reduce_sum3A [0] : vector<16x100000xf32> to vector<100000xf32>
    %broadcast_in_dim3A_11 = arith.constant 0.000000e+00 : f32
    %broadcast_in_dim3A_12 = vector.broadcast %broadcast_in_dim3A_11 : f32 to vector<352xf32>
    %concatenate3A = tpu.concatenate %reduce_sum3A_10, %broadcast_in_dim3A_12 in 0 : vector<100000xf32>, vector<352xf32> -> vector<100352xf32>
    %swap3A = arith.constant 0 : index
    %swap3A_13 = vector.load %arg3[%swap3A] : memref<100352xf32, #tpu.memory_space<vmem>>, vector<100352xf32>
    tpu.vector_store %arg3[%swap3A], %concatenate3A {strides = array<i32>} : memref<100352xf32, #tpu.memory_space<vmem>>, vector<100352xf32>,
    return
  }
  func.func @transform_0(%arg0: i32) -> (i32, i32, i32) {
    %add3A = arith.constant 17 : i32
    %add3A_0 = arith.addi %arg0, %add3A : i32
    %c0_i32 = arith.constant 0 : i32
    %c0_i32_1 = arith.constant 0 : i32
    %c0_i32_2 = arith.constant 0 : i32
    return %add3A_0, %c0_i32, %c0_i32_1 : i32, i32, i32
  }
  func.func @transform_1(%arg0: i32) -> (i32, i32) {
    %c0_i32 = arith.constant 0 : i32
    %c0_i32_0 = arith.constant 0 : i32
    %c0_i32_1 = arith.constant 0 : i32
    return %c0_i32, %c0_i32_0 : i32, i32
  }
  func.func @transform_2(%arg0: i32) -> i32 {
    %c0_i32 = arith.constant 0 : i32
    return %arg0 : i32
  }
}

</mosaic_0001>

<sc_bundles>
// kernel: kernel.10.cloned.1.call-start
scs
__scs_entry_jumppad:
0x0: {  	(pc) =	sbr.rel $0x88, $3  }
0x1: {  	(tag) =	ssettag $0x0;
	lr =	simm.s32 $0x1  }
0x2: {  	[smem:$0x3F9A] =	sst lr;
	_ =	strace $0xD0000000  }
0x3: {  	_ = 	snop  }
0x4: {  	_ = 	snop  }
0x5: {  	_ = 	snop  }
0x6: {  	_ = 	snop  }
0x7: {  	_ = 	snop  }
__scs_overlays_trampoline_lowered:
0x8: {  	[smem:$0x3FA9] =	sst s0  }
0x9: {  	[smem:$0x3FAA] =	sst s1  }
0xa: {  	[smem:$0x3FAB] =	sst s2  }
0xb: {  	[smem:$0x3FAC] =	sst s3  }
0xc: {  	[smem:$0x3FAD] =	sst s4  }
0xd: {  	[smem:$0x3FAE] =	sst s5  }
0xe: {  	[smem:$0x3FAF] =	sst s6  }
0xf: {  	[smem:$0x3FB0] =	sst s7  }
0x10: {  	[smem:$0x3FB1] =	sst s8  }
0x11: {  	[smem:$0x3FB2] =	sst s9;
	s0 =	simm.s32 @!p0 $0x0  }
0x12: {  	s1 =	sld [smem:$0x3F98];
	s0 =	simm.s32 @p0 $0x1  }
0x13: {  	[smem:$0x3FB3] =	sst s0;
	s0 =	simm.s32 @!p1 $0x0  }
0x14: {  	s2 =	sld [smem:$0x3F97];
	s0 =	simm.s32 @p1 $0x1  }
0x15: {  	[smem:$0x3FB4] =	sst s0;
	s0 =	simm.s32 @!p2 $0x0  }
0x16: {  	s3 =	sld [smem:$0x3FDB];
	s0 =	simm.s32 @p2 $0x1  }
0x17: {  	s4 =	simm.s32 $0x1BF5;
	[smem:$0x3FB6] =	sst s0  }
0x18: {  	s0 =	sld [smem:$0x3F99];
	_ =	swait.ge [sflag:s4], $0x0  }
0x19: {  	s7 =	sld [smem:$0x3F9A]  }
0x1a: {  	s8 =	sadd.s32 $0xFFFFE003, lr  }
0x1b: {  	s9 =	sadd.s32 $0xFFFFFEF7, lr;
	s5 =	simm.s32 $0xFFFFFFFF;
	p2 =	slt.u32 s8, $0xFFFFF086  }
0x1c: {  	p1 =	slt.u32 s9, $0xF7A;
	s5 =	simm.s32 @!p2 $0x0  }
0x1d: {  	s5 =	simm.s32 @p1 $0x1;
	p0 =	seq.s32 s7, s2  }
0x1e: {  	s7 =	smul.u32 @!p0 $0xF7A, s2;
	p2 =	seq.s32 @!p0 s5, $0x0  }
0x1f: {  	s9 =	smul.u32 $0xF7A, s1;
	s8 =	simm.s32 @!p0 $0x1BF5;
	p2 =	por !p2, p0  }
0x20: {  	[sflag:s8] =	ssyncset.s32 @!p0 $0xFFFFF086;
	s6 =	sadd.s32 @!p0 s3, s7;
	s7 =	simm.s32 @!p0 $0x108  }
0x21: {  	s3 =	sadd.s32 s3, s9;
	s6 =	sadd.s32 @!p0 $0x88, s6;
	s7 =	simm.s32 @p2 $0x1082  }
0x22: {  	[simem:s7], [sflag:s8] =	dma.local @!p0 [hbm:s6], $0xF7A  }
0x23: {  	s9 =	sor.u32 $0xD0000000, s2;
	s6 =	simm.s32 $0x108;
	_ =	swait.ge @!p0 [sflag:s8], $0x0  }
0x24: {  	s3 =	sadd.s32 $0x88, s3;
	s6 =	simm.s32 @!p1 $0x1082;
	[sflag:s4] =	ssyncset.s32 $0xFFFFF086  }
0x25: {  	[simem:s6], [sflag:s4] =	dma.local [hbm:s3], $0xF7A  }
0x26: {  	[smem:$0x3F9A] =	sst s1;
	(tag) =	ssettag s2;
	_ =	strace s9  }
0x27: {  	s1 =	sld [smem:$0x3FAA]  }
0x28: {  	s2 =	sld [smem:$0x3FAB]  }
0x29: {  	s4 =	sld [smem:$0x3FAD]  }
0x2a: {  	p0 =	seq.s32 s5, $0x0;
	s5 =	sld [smem:$0x3FAE]  }
0x2b: {  	s6 =	sld [smem:$0x3FAF]  }
0x2c: {  	s7 =	sld [smem:$0x3FB0]  }
0x2d: {  	s3 =	simm.s32 $0x108;
	s8 =	sld [smem:$0x3FB1]  }
0x2e: {  	s3 =	simm.s32 @!p0 $0x1082;
	s9 =	sld [smem:$0x3FB2]  }
0x2f: {  	lr =	sadd.s32 s0, s3;
	s0 =	sld [smem:$0x3FA9]  }
0x30: {  	s3 =	sld [smem:$0x3FAC]  }
0x31: {  	[smem:$0x3FB5] =	sst s10  }
0x32: {  	s10 =	sld [smem:$0x3FB3];
	_ =	sdelay $0x3  }
0x33: {  	p0 =	seq.s32 s10, $0x1;
	s10 =	sld [smem:$0x3FB5];
	_ =	sdelay $0x3  }
0x34: {  	[smem:$0x3FB5] =	sst s10  }
0x35: {  	s10 =	sld [smem:$0x3FB4];
	_ =	sdelay $0x3  }
0x36: {  	p1 =	seq.s32 s10, $0x1;
	s10 =	sld [smem:$0x3FB5];
	_ =	sdelay $0x3  }
0x37: {  	[smem:$0x3FB5] =	sst s10  }
0x38: {  	s10 =	sld [smem:$0x3FB6]  }
0x39: {  	_ = 	snop;
	(pc) =	sbr.ind lr, $3  }
0x3a: {  	_ = 	snop  }
0x3b: {  	_ = 	snop  }
0x3c: {  	p2 =	seq.s32 s10, $0x1;
	s10 =	sld [smem:$0x3FB5]  }
0x3d: {  	_ =	shalt  }
0x3e: {  	_ =	shalt  }
0x3f: {  	_ =	shalt  }
0x40: {  	_ =	shalt  }
0x41: {  	_ =	shalt  }
0x42: {  	_ =	shalt  }
0x43: {  	_ =	shalt  }
0x44: {  	_ =	shalt  }
0x45: {  	_ =	shalt  }
0x46: {  	_ =	shalt  }
0x47: {  	_ =	shalt  }
0x48: {  	_ =	shalt  }
0x49: {  	_ =	shalt  }
0x4a: {  	_ =	shalt  }
0x4b: {  	_ =	shalt  }
0x4c: {  	_ =	shalt  }
0x4d: {  	_ =	shalt  }
0x4e: {  	_ =	shalt  }
0x4f: {  	_ =	shalt  }
0x50: {  	_ =	shalt  }
0x51: {  	_ =	shalt  }
0x52: {  	_ =	shalt  }
0x53: {  	_ =	shalt  }
0x54: {  	_ =	shalt  }
0x55: {  	_ =	shalt  }
0x56: {  	_ =	shalt  }
0x57: {  	_ =	shalt  }
0x58: {  	_ =	shalt  }
0x59: {  	_ =	shalt  }
0x5a: {  	_ =	shalt  }
0x5b: {  	_ =	shalt  }
0x5c: {  	_ =	shalt  }
0x5d: {  	_ =	shalt  }
0x5e: {  	_ =	shalt  }
0x5f: {  	_ =	shalt  }
0x60: {  	_ =	shalt  }
0x61: {  	_ =	shalt  }
0x62: {  	_ =	shalt  }
0x63: {  	_ =	shalt  }
0x64: {  	_ =	shalt  }
0x65: {  	_ =	shalt  }
0x66: {  	_ =	shalt  }
0x67: {  	_ =	shalt  }
0x68: {  	_ =	shalt  }
0x69: {  	_ =	shalt  }
0x6a: {  	_ =	shalt  }
0x6b: {  	_ =	shalt  }
0x6c: {  	_ =	shalt  }
0x6d: {  	_ =	shalt  }
0x6e: {  	_ =	shalt  }
0x6f: {  	_ =	shalt  }
0x70: {  	_ =	shalt  }
0x71: {  	_ =	shalt  }
0x72: {  	_ =	shalt  }
0x73: {  	_ =	shalt  }
0x74: {  	_ =	shalt  }
0x75: {  	_ =	shalt  }
0x76: {  	_ =	shalt  }
0x77: {  	_ =	shalt  }
0x78: {  	_ =	shalt  }
0x79: {  	_ =	shalt  }
0x7a: {  	_ =	shalt  }
0x7b: {  	_ =	shalt  }
0x7c: {  	_ =	shalt  }
0x7d: {  	_ =	shalt  }
0x7e: {  	_ =	shalt  }
0x7f: {  	_ =	shalt  }
0x80: {  	_ =	shalt  }
0x81: {  	_ =	shalt  }
0x82: {  	_ =	shalt  }
0x83: {  	_ =	shalt  }
0x84: {  	_ =	shalt  }
0x85: {  	_ =	shalt  }
0x86: {  	_ =	shalt  }
0x87: {  	_ =	shalt  }
.Lfunc_end0:
.L_simem_size_0:
called_computation_lowered:
.L_overlay_start_0:
0x88: {  	s2 =	sld [smem:$0x3FD9]  }
0x89: {  	s3 =	sld [smem:$0x3FFE];
	_ =	sdelay $0x1  }
0x8a: {  	s1 =	srdreg.scid  }
0x8b: {  	s0 =	sand.u32 $0x1, s1  }
0x8c: {  	s17 =	sshll.u32 s0, $0xA;
	s2 =	sadd.s32 s3, s2  }
0x8d: {  	s2 =	sadd.s32 s2, s17  }
0x8e: {  	[smem:$0x3FC1] =	sst s2  }
0x8f: {  	_ = 	snop  }
0x90: {  	s2 =	sld [smem:$0x3FD0];
	(tm) =	ssettm $0x1  }
0x91: {  	s18 =	sld [smem:$0x3FFB];
	_ =	sdelay $0x3  }
0x92: {  	_ =	strace s18  }
0x93: {  	s3 =	sld [smem:$0x3FFC];
	_ =	sdelay $0x3  }
0x94: {  	_ =	strace s3  }
0x95: {  	s3 =	sld [smem:$0x3FFD];
	_ =	sdelay $0x3  }
0x96: {  	_ =	strace s3  }
0x97: {  	_ =	strace $0x8FFFFFFF  }
0x98: {  	s19 =	sld [smem:$0x3FDB];
	_ =	sdelay $0x1  }
0x99: {  	s4 =	simm.s32 $_scs_section_size  }
0x9a: {  	s5 =	simm.s32 $_size__tile_overlayer_lowered;
	s6 =	simm.s32 $_tile_overlayer_lowered  }
0x9b: {  	s22 =	simm.s32 $0x1BFF;
	s21 =	sshll.u32 s6, $0x1;
	s3 =	sadd.s32 s4, s19  }
0x9c: {  	s7 =	simm.s32 $0x0;
	s20 =	sshll.u32 s5, $0x1;
	s5 =	sadd.s32 s21, s3  }
0x9d: {  	[timem:s7], [sflag:s22] =	dma.local [hbm:s5], s20  }
0x9e: {  	_ =	swait.ge [sflag:s22], s20  }
0x9f: {  	s4 =	ssub.s32 $0x0, s20;
	[sflag:s22] =	ssyncset.done $0x0  }
0xa0: {  	[sflag:s22] =	ssyncadd.s32 s4;
	_ =	sdelay $0x1  }
0xa1: {  	s23 =	simm.s32 $0x1B8B  }
0xa2: {  	_ =	swait.ge [sflag:s23], $0x1  }
0xa3: {  	[sflag:s23] =	ssyncset.done $0x0  }
0xa4: {  	s25 =	simm.s32 $0x1B8E;
	s24 =	sld [smem:$0x3FFE];
	[sflag:s23] =	ssyncadd.s32 $0xFFFFFFFF  }
0xa5: {  	s26 =	simm.s32 $execute0_lowered;
	[smem:$0x3FD2] =	sst s25  }
0xa6: {  	s5 =	sshll.u32 s26, $0x1;
	_ =	strace $0x80000046;
	[dreg:$0x1] =	wrdreg $0xFFFFFFFF  }
0xa7: {  	s28 =	simm.s32 $_size_execute0_lowered;
	s3 =	sadd.s32 s3, s5;
	[dreg:$0x0] =	wrdreg $0x0  }
0xa8: {  	s5 =	sshll.u32 s28, $0x1;
	[dreg:$0x2] =	wrdreg s3  }
0xa9: {  	[dreg:$0x3] =	wrdreg s5  }
0xaa: {  	[dreg:$0x4] =	wrdreg $0xC0  }
0xab: {  	_ =	task [dreg:s7], $0x5FFFF  }
0xac: {  	[dreg:$0x1] =	wrdreg $0xFFFFFFFF  }
0xad: {  	[dreg:$0x0] =	wrdreg $0x60  }
0xae: {  	[dreg:$0x2] =	wrdreg s24  }
0xaf: {  	[dreg:$0x3] =	wrdreg s2  }
0xb0: {  	[dreg:$0x4] =	wrdreg $0x9  }
0xb1: {  	_ =	task.clear_ibuf [dreg:s7], $0x5FFFF;
	_ =	strace $0x90000046  }
0xb2: {  	s29 =	simm.s32 $0x9;
	_ =	strace $0x80000048  }
0xb3: {  	_ =	swait.ge [sflag:s29], $0x1  }
0xb4: {  	[sflag:s29] =	ssyncadd.s32 $0xFFFFFFFF  }
0xb5: {  	_ =	strace $0x90000048  }
0xb6: {  	_ =	sfence  }
0xb7: {  	s30 =	sld [smem:$0x0];
	_ =	sdelay $0x2  }
0xb8: {  	s31 =	sshll.u32 s1, $0xD;
	s1 =	sshrl.u32 s1, $0x2  }
0xb9: {  	s3 =	sand.u32 $0x4000, s31;
	s1 =	sadd.s32 s1, s30  }
0xba: {  	s0 =	sor.u32 s3, s0;
	s1 =	sshll.u32 s1, $0x11  }
0xbb: {  	s0 =	sor.u32 s1, s0  }
0xbc: {  	s0 =	sadd.s32 $0x8F2B, s0  }
0xbd: {  	[sflag:s0] =	ssyncadd.remote.s32 $0x1  }
0xbe: {  	_ =	sfence.sel $0xFFFF  }
0xbf: {  	[dreg:$0x0] =	wrdreg $0xFFFFFFFF;
	(pc) =	sbr.abs _section_cstart, $3  }
0xc0: {  	[dreg:$0x1] =	wrdreg $0xFFFFFFFF  }
0xc1: {  	_ =	task.clear_ibuf [dreg:s7], $0x2FFFF;
	_ =	strace $0x9FFFFFFF  }
0xc2: {  	(tm) =	ssettm $0x7FFFFFFF  }
0xc3: {  	_ =	shalt  }
tec
execute0_lowered:
.L_overlay_start_1:
0x0: {  	(tag) =	ssettag $0x1  }
0x1: {  	s0 =	rddreg [dreg:$0x0]  }
0x2: {  	s1 =	rddreg [dreg:$0x1]  }
0x3: {  	s2 =	srdreg.scid;
	s4 =	stileid.u32;
	s15 =	simm.s32 $0x200  }
0x4: {  	s16 =	simm.s32 $0x400;
	s17 =	simm.s32 $0x600;
	s18 =	simm.s32 $0x800  }
0x5: {  	s19 =	simm.s32 $0xA00;
	s20 =	simm.s32 $0xC00;
	s21 =	simm.s32 $0xE00  }
0x6: {  	s23 =	simm.s32 $0x2;
	s24 =	simm.s32 $0x1;
	s25 =	simm.s32 $0x80  }
0x7: {  	s22 =	simm.s32 $0x2200;
	s26 =	simm.s32 $0x0;
	s3 =	sand.u32 $0x1, s2  }
0x8: {  	s2 =	simm.s32 $0x0;
	s4 =	sshll.u32 s4, $0x7;
	s5 =	sshll.u32 s3, $0x6  }
0x9: {  	[smem:$0x7FF] =	sst s2;
	s29 =	ssub.s32 $0x2, s3;
	s3 =	sadd.s32 $0xE800, s0  }
0xa: {  	s12 =	sor.u32 s5, s4;
	_ =	strace $0x80000047;
	s30 =	sshrl.u32 s29, $0x1  }
0xb: {  	s13 =	sadd.s32 s12, s0;
	s31 =	ssub.s32 s29, s30;
	s12 =	sadd.s32 s1, s12  }
0xc: {  	s0 =	simm.s32 $0xF80;
	s1 =	simm.s32 $0x1F80;
	s4 =	sadd.s32 $0x1800, s13  }
0xd: {  	s5 =	sadd.s32 $0x2000, s13;
	s6 =	sadd.s32 $0x2800, s13;
	s7 =	sadd.s32 $0x3000, s13  }
0xe: {  	s8 =	sadd.s32 $0x3800, s13;
	s9 =	sadd.s32 $0x4000, s13;
	s10 =	sadd.s32 $0x4800, s13  }
0xf: {  	s11 =	sadd.s32 $0x5000, s13;
	s13 =	sadd.s32 $0x27000, s13;
	s14 =	smax.u32 s31, $0x1  }
.LBB2_1:
0x10: {  	[tilespmem:s2], [sflag:$0x1] =	stream.linear.gather [hbm4b:s4+s2], $0x200, $0x38;
	[tilespmem:$0x2400] =	vst v63  }
0x11: {  	_ = 	snop  }
0x12: {  	[tilespmem:s15], [sflag:$0x1] =	stream.linear.gather [hbm4b:s5+s2], $0x200, $0x38;
	[tilespmem:$0x2400] =	vst v63  }
0x13: {  	_ = 	snop  }
0x14: {  	[tilespmem:s16], [sflag:$0x1] =	stream.linear.gather [hbm4b:s6+s2], $0x200, $0x38;
	[tilespmem:$0x2400] =	vst v63  }
0x15: {  	_ = 	snop  }
0x16: {  	[tilespmem:s17], [sflag:$0x1] =	stream.linear.gather [hbm4b:s7+s2], $0x200, $0x38;
	[tilespmem:$0x2400] =	vst v63  }
0x17: {  	_ = 	snop  }
0x18: {  	[tilespmem:s18], [sflag:$0x1] =	stream.linear.gather [hbm4b:s8+s2], $0x200, $0x38;
	[tilespmem:$0x2400] =	vst v63  }
0x19: {  	_ = 	snop  }
0x1a: {  	[tilespmem:s19], [sflag:$0x1] =	stream.linear.gather [hbm4b:s9+s2], $0x200, $0x38;
	[tilespmem:$0x2400] =	vst v63  }
0x1b: {  	_ = 	snop  }
0x1c: {  	[tilespmem:s20], [sflag:$0x1] =	stream.linear.gather [hbm4b:s10+s2], $0x200, $0x38;
	[tilespmem:$0x2400] =	vst v63  }
0x1d: {  	_ = 	snop  }
0x1e: {  	[tilespmem:s21], [sflag:$0x1] =	stream.linear.gather [hbm4b:s11+s2], $0x200, $0x38;
	[tilespmem:$0x2400] =	vst v63  }
0x1f: {  	s28 =	simm.s32 $0x2000  }
0x20: {  	[tilespmem:s28], [sflag:$0x2] =	stream.linear.gather [hbm4b:s12+s2], $0x200, $0x38;
	[tilespmem:$0x2400] =	vst v63  }
0x21: {  	_ =	swait.ge [sflag:s23], $0x200  }
0x22: {  	[sflag:s23] =	ssyncset.done $0x0  }
0x23: {  	[sflag:s23] =	ssyncadd.s32 $0xFFFFFE00  }
0x24: {  	_ =	swait.ge [sflag:s24], $0x200  }
0x25: {  	[sflag:s24] =	ssyncset.done $0x0  }
0x26: {  	[sflag:s24] =	ssyncadd.s32 $0xFFFFFE00  }
0x27: {  	_ =	swait.ge [sflag:s24], $0x200  }
0x28: {  	[sflag:s24] =	ssyncset.done $0x0  }
0x29: {  	[sflag:s24] =	ssyncadd.s32 $0xFFFFFE00  }
0x2a: {  	_ =	swait.ge [sflag:s24], $0x200  }
0x2b: {  	[sflag:s24] =	ssyncset.done $0x0  }
0x2c: {  	[sflag:s24] =	ssyncadd.s32 $0xFFFFFE00  }
0x2d: {  	_ =	swait.ge [sflag:s24], $0x200  }
0x2e: {  	[sflag:s24] =	ssyncset.done $0x0  }
0x2f: {  	[sflag:s24] =	ssyncadd.s32 $0xFFFFFE00  }
0x30: {  	_ =	swait.ge [sflag:s24], $0x200  }
0x31: {  	[sflag:s24] =	ssyncset.done $0x0  }
0x32: {  	[sflag:s24] =	ssyncadd.s32 $0xFFFFFE00  }
0x33: {  	_ =	swait.ge [sflag:s24], $0x200  }
0x34: {  	[sflag:s24] =	ssyncset.done $0x0  }
0x35: {  	[sflag:s24] =	ssyncadd.s32 $0xFFFFFE00  }
0x36: {  	_ =	swait.ge [sflag:s24], $0x200  }
0x37: {  	[sflag:s24] =	ssyncset.done $0x0  }
0x38: {  	[sflag:s24] =	ssyncadd.s32 $0xFFFFFE00  }
0x39: {  	_ =	swait.ge [sflag:s24], $0x200  }
0x3a: {  	[sflag:s24] =	ssyncset.done $0x0  }
0x3b: {  	s28 =	simm.s32 $0x1000;
	[sflag:s24] =	ssyncadd.s32 $0xFFFFFE00  }
0x3c: {  	[tilespmem:s28], [sflag:$0x1] =	stream.indirect.gather [hbm4b:s3+s25], $0x1, s2, s25, $0xb8;
	[tilespmem:$0x2400] =	vst v63  }
0x3d: {  	s28 =	simm.s32 $0x1080  }
0x3e: {  	[tilespmem:s28], [sflag:$0x1] =	stream.indirect.gather [hbm4b:s3+s25], $0x1, s25, s25, $0xb8;
	[tilespmem:$0x2400] =	vst v63  }
0x3f: {  	s29 =	simm.s32 $0x1100;
	s28 =	simm.s32 $0x100  }
0x40: {  	[tilespmem:s29], [sflag:$0x1] =	stream.indirect.gather [hbm4b:s3+s25], $0x1, s28, s25, $0xb8;
	[tilespmem:$0x2400] =	vst v63  }
0x41: {  	s28 =	simm.s32 $0x180;
	s29 =	simm.s32 $0x1180  }
0x42: {  	[tilespmem:s29], [sflag:$0x1] =	stream.indirect.gather [hbm4b:s3+s25], $0x1, s28, s25, $0xb8;
	[tilespmem:$0x2400] =	vst v63  }
0x43: {  	_ =	swait.ge [sflag:s24], $0x80  }
0x44: {  	[sflag:s24] =	ssyncset.done $0x0  }
0x45: {  	[sflag:s24] =	ssyncadd.s32 $0xFFFFFF80  }
0x46: {  	_ =	swait.ge [sflag:s24], $0x80  }
0x47: {  	[sflag:s24] =	ssyncset.done $0x0  }
0x48: {  	[sflag:s24] =	ssyncadd.s32 $0xFFFFFF80  }
0x49: {  	_ =	swait.ge [sflag:s24], $0x80  }
0x4a: {  	[sflag:s24] =	ssyncset.done $0x0  }
0x4b: {  	[sflag:s24] =	ssyncadd.s32 $0xFFFFFF80  }
0x4c: {  	_ =	swait.ge [sflag:s24], $0x80  }
0x4d: {  	[sflag:s24] =	ssyncset.done $0x0  }
0x4e: {  	s28 =	simm.s32 $0x1200;
	[sflag:s24] =	ssyncadd.s32 $0xFFFFFF80  }
0x4f: {  	[tilespmem:s28], [sflag:$0x1] =	stream.indirect.gather [hbm4b:s3+s25], $0x1, s15, s25, $0xb8;
	[tilespmem:$0x2400] =	vst v63  }
0x50: {  	s29 =	simm.s32 $0x1280;
	s28 =	simm.s32 $0x280  }
0x51: {  	[tilespmem:s29], [sflag:$0x1] =	stream.indirect.gather [hbm4b:s3+s25], $0x1, s28, s25, $0xb8;
	[tilespmem:$0x2400] =	vst v63  }
0x52: {  	s28 =	simm.s32 $0x300;
	s29 =	simm.s32 $0x1300  }
0x53: {  	[tilespmem:s29], [sflag:$0x1] =	stream.indirect.gather [hbm4b:s3+s25], $0x1, s28, s25, $0xb8;
	[tilespmem:$0x2400] =	vst v63  }
0x54: {  	s28 =	simm.s32 $0x380;
	s29 =	simm.s32 $0x1380  }
0x55: {  	[tilespmem:s29], [sflag:$0x1] =	stream.indirect.gather [hbm4b:s3+s25], $0x1, s28, s25, $0xb8;
	[tilespmem:$0x2400] =	vst v63  }
0x56: {  	_ =	swait.ge [sflag:s24], $0x80  }
0x57: {  	[sflag:s24] =	ssyncset.done $0x0  }
0x58: {  	[sflag:s24] =	ssyncadd.s32 $0xFFFFFF80  }
0x59: {  	_ =	swait.ge [sflag:s24], $0x80  }
0x5a: {  	[sflag:s24] =	ssyncset.done $0x0  }
0x5b: {  	[sflag:s24] =	ssyncadd.s32 $0xFFFFFF80  }
0x5c: {  	_ =	swait.ge [sflag:s24], $0x80  }
0x5d: {  	[sflag:s24] =	ssyncset.done $0x0  }
0x5e: {  	[sflag:s24] =	ssyncadd.s32 $0xFFFFFF80  }
0x5f: {  	_ =	swait.ge [sflag:s24], $0x80  }
0x60: {  	[sflag:s24] =	ssyncset.done $0x0  }
0x61: {  	s28 =	simm.s32 $0x1400;
	[sflag:s24] =	ssyncadd.s32 $0xFFFFFF80  }
0x62: {  	[tilespmem:s28], [sflag:$0x1] =	stream.indirect.gather [hbm4b:s3+s25], $0x1, s16, s25, $0xb8;
	[tilespmem:$0x2400] =	vst v63  }
0x63: {  	s29 =	simm.s32 $0x1480;
	s28 =	simm.s32 $0x480  }
0x64: {  	[tilespmem:s29], [sflag:$0x1] =	stream.indirect.gather [hbm4b:s3+s25], $0x1, s28, s25, $0xb8;
	[tilespmem:$0x2400] =	vst v63  }
0x65: {  	s28 =	simm.s32 $0x500;
	s29 =	simm.s32 $0x1500  }
0x66: {  	[tilespmem:s29], [sflag:$0x1] =	stream.indirect.gather [hbm4b:s3+s25], $0x1, s28, s25, $0xb8;
	[tilespmem:$0x2400] =	vst v63  }
0x67: {  	s28 =	simm.s32 $0x580;
	s29 =	simm.s32 $0x1580  }
0x68: {  	[tilespmem:s29], [sflag:$0x1] =	stream.indirect.gather [hbm4b:s3+s25], $0x1, s28, s25, $0xb8;
	[tilespmem:$0x2400] =	vst v63  }
0x69: {  	_ =	swait.ge [sflag:s24], $0x80  }
0x6a: {  	[sflag:s24] =	ssyncset.done $0x0  }
0x6b: {  	[sflag:s24] =	ssyncadd.s32 $0xFFFFFF80  }
0x6c: {  	_ =	swait.ge [sflag:s24], $0x80  }
0x6d: {  	[sflag:s24] =	ssyncset.done $0x0  }
0x6e: {  	[sflag:s24] =	ssyncadd.s32 $0xFFFFFF80  }
0x6f: {  	_ =	swait.ge [sflag:s24], $0x80  }
0x70: {  	[sflag:s24] =	ssyncset.done $0x0  }
0x71: {  	[sflag:s24] =	ssyncadd.s32 $0xFFFFFF80  }
0x72: {  	_ =	swait.ge [sflag:s24], $0x80  }
0x73: {  	[sflag:s24] =	ssyncset.done $0x0  }
0x74: {  	s28 =	simm.s32 $0x1600;
	[sflag:s24] =	ssyncadd.s32 $0xFFFFFF80  }
0x75: {  	[tilespmem:s28], [sflag:$0x1] =	stream.indirect.gather [hbm4b:s3+s25], $0x1, s17, s25, $0xb8;
	[tilespmem:$0x2400] =	vst v63  }
0x76: {  	s29 =	simm.s32 $0x1680;
	s28 =	simm.s32 $0x680  }
0x77: {  	[tilespmem:s29], [sflag:$0x1] =	stream.indirect.gather [hbm4b:s3+s25], $0x1, s28, s25, $0xb8;
	[tilespmem:$0x2400] =	vst v63  }
0x78: {  	s28 =	simm.s32 $0x700;
	s29 =	simm.s32 $0x1700  }
0x79: {  	[tilespmem:s29], [sflag:$0x1] =	stream.indirect.gather [hbm4b:s3+s25], $0x1, s28, s25, $0xb8;
	[tilespmem:$0x2400] =	vst v63  }
0x7a: {  	s28 =	simm.s32 $0x780;
	s29 =	simm.s32 $0x1780  }
0x7b: {  	[tilespmem:s29], [sflag:$0x1] =	stream.indirect.gather [hbm4b:s3+s25], $0x1, s28, s25, $0xb8;
	[tilespmem:$0x2400] =	vst v63  }
0x7c: {  	_ =	swait.ge [sflag:s24], $0x80  }
0x7d: {  	[sflag:s24] =	ssyncset.done $0x0  }
0x7e: {  	[sflag:s24] =	ssyncadd.s32 $0xFFFFFF80  }
0x7f: {  	_ =	swait.ge [sflag:s24], $0x80  }
0x80: {  	[sflag:s24] =	ssyncset.done $0x0  }
0x81: {  	[sflag:s24] =	ssyncadd.s32 $0xFFFFFF80  }
0x82: {  	_ =	swait.ge [sflag:s24], $0x80  }
0x83: {  	[sflag:s24] =	ssyncset.done $0x0  }
0x84: {  	[sflag:s24] =	ssyncadd.s32 $0xFFFFFF80  }
0x85: {  	_ =	swait.ge [sflag:s24], $0x80  }
0x86: {  	[sflag:s24] =	ssyncset.done $0x0  }
0x87: {  	s28 =	simm.s32 $0x1800;
	[sflag:s24] =	ssyncadd.s32 $0xFFFFFF80  }
0x88: {  	[tilespmem:s28], [sflag:$0x1] =	stream.indirect.gather [hbm4b:s3+s25], $0x1, s18, s25, $0xb8;
	[tilespmem:$0x2400] =	vst v63  }
0x89: {  	s29 =	simm.s32 $0x1880;
	s28 =	simm.s32 $0x880  }
0x8a: {  	[tilespmem:s29], [sflag:$0x1] =	stream.indirect.gather [hbm4b:s3+s25], $0x1, s28, s25, $0xb8;
	[tilespmem:$0x2400] =	vst v63  }
0x8b: {  	s28 =	simm.s32 $0x900;
	s29 =	simm.s32 $0x1900  }
0x8c: {  	[tilespmem:s29], [sflag:$0x1] =	stream.indirect.gather [hbm4b:s3+s25], $0x1, s28, s25, $0xb8;
	[tilespmem:$0x2400] =	vst v63  }
0x8d: {  	s28 =	simm.s32 $0x980;
	s29 =	simm.s32 $0x1980  }
0x8e: {  	[tilespmem:s29], [sflag:$0x1] =	stream.indirect.gather [hbm4b:s3+s25], $0x1, s28, s25, $0xb8;
	[tilespmem:$0x2400] =	vst v63  }
0x8f: {  	_ =	swait.ge [sflag:s24], $0x80  }
0x90: {  	[sflag:s24] =	ssyncset.done $0x0  }
0x91: {  	[sflag:s24] =	ssyncadd.s32 $0xFFFFFF80  }
0x92: {  	_ =	swait.ge [sflag:s24], $0x80  }
0x93: {  	[sflag:s24] =	ssyncset.done $0x0  }
0x94: {  	[sflag:s24] =	ssyncadd.s32 $0xFFFFFF80  }
0x95: {  	_ =	swait.ge [sflag:s24], $0x80  }
0x96: {  	[sflag:s24] =	ssyncset.done $0x0  }
0x97: {  	[sflag:s24] =	ssyncadd.s32 $0xFFFFFF80  }
0x98: {  	_ =	swait.ge [sflag:s24], $0x80  }
0x99: {  	[sflag:s24] =	ssyncset.done $0x0  }
0x9a: {  	s28 =	simm.s32 $0x1A00;
	[sflag:s24] =	ssyncadd.s32 $0xFFFFFF80  }
0x9b: {  	[tilespmem:s28], [sflag:$0x1] =	stream.indirect.gather [hbm4b:s3+s25], $0x1, s19, s25, $0xb8;
	[tilespmem:$0x2400] =	vst v63  }
0x9c: {  	s29 =	simm.s32 $0x1A80;
	s28 =	simm.s32 $0xA80  }
0x9d: {  	[tilespmem:s29], [sflag:$0x1] =	stream.indirect.gather [hbm4b:s3+s25], $0x1, s28, s25, $0xb8;
	[tilespmem:$0x2400] =	vst v63  }
0x9e: {  	s28 =	simm.s32 $0xB00;
	s29 =	simm.s32 $0x1B00  }
0x9f: {  	[tilespmem:s29], [sflag:$0x1] =	stream.indirect.gather [hbm4b:s3+s25], $0x1, s28, s25, $0xb8;
	[tilespmem:$0x2400] =	vst v63  }
0xa0: {  	s28 =	simm.s32 $0xB80;
	s29 =	simm.s32 $0x1B80  }
0xa1: {  	[tilespmem:s29], [sflag:$0x1] =	stream.indirect.gather [hbm4b:s3+s25], $0x1, s28, s25, $0xb8;
	[tilespmem:$0x2400] =	vst v63  }
0xa2: {  	_ =	swait.ge [sflag:s24], $0x80  }
0xa3: {  	[sflag:s24] =	ssyncset.done $0x0  }
0xa4: {  	[sflag:s24] =	ssyncadd.s32 $0xFFFFFF80  }
0xa5: {  	_ =	swait.ge [sflag:s24], $0x80  }
0xa6: {  	[sflag:s24] =	ssyncset.done $0x0  }
0xa7: {  	[sflag:s24] =	ssyncadd.s32 $0xFFFFFF80  }
0xa8: {  	_ =	swait.ge [sflag:s24], $0x80  }
0xa9: {  	[sflag:s24] =	ssyncset.done $0x0  }
0xaa: {  	[sflag:s24] =	ssyncadd.s32 $0xFFFFFF80  }
0xab: {  	_ =	swait.ge [sflag:s24], $0x80  }
0xac: {  	[sflag:s24] =	ssyncset.done $0x0  }
0xad: {  	s28 =	simm.s32 $0x1C00;
	[sflag:s24] =	ssyncadd.s32 $0xFFFFFF80  }
0xae: {  	[tilespmem:s28], [sflag:$0x1] =	stream.indirect.gather [hbm4b:s3+s25], $0x1, s20, s25, $0xb8;
	[tilespmem:$0x2400] =	vst v63  }
0xaf: {  	s29 =	simm.s32 $0x1C80;
	s28 =	simm.s32 $0xC80  }
0xb0: {  	[tilespmem:s29], [sflag:$0x1] =	stream.indirect.gather [hbm4b:s3+s25], $0x1, s28, s25, $0xb8;
	[tilespmem:$0x2400] =	vst v63  }
0xb1: {  	s28 =	simm.s32 $0xD00;
	s29 =	simm.s32 $0x1D00  }
0xb2: {  	[tilespmem:s29], [sflag:$0x1] =	stream.indirect.gather [hbm4b:s3+s25], $0x1, s28, s25, $0xb8;
	[tilespmem:$0x2400] =	vst v63  }
0xb3: {  	s28 =	simm.s32 $0xD80;
	s29 =	simm.s32 $0x1D80  }
0xb4: {  	[tilespmem:s29], [sflag:$0x1] =	stream.indirect.gather [hbm4b:s3+s25], $0x1, s28, s25, $0xb8;
	[tilespmem:$0x2400] =	vst v63  }
0xb5: {  	_ =	swait.ge [sflag:s24], $0x80  }
0xb6: {  	[sflag:s24] =	ssyncset.done $0x0  }
0xb7: {  	[sflag:s24] =	ssyncadd.s32 $0xFFFFFF80  }
0xb8: {  	_ =	swait.ge [sflag:s24], $0x80  }
0xb9: {  	[sflag:s24] =	ssyncset.done $0x0  }
0xba: {  	[sflag:s24] =	ssyncadd.s32 $0xFFFFFF80  }
0xbb: {  	_ =	swait.ge [sflag:s24], $0x80  }
0xbc: {  	[sflag:s24] =	ssyncset.done $0x0  }
0xbd: {  	[sflag:s24] =	ssyncadd.s32 $0xFFFFFF80  }
0xbe: {  	_ =	swait.ge [sflag:s24], $0x80  }
0xbf: {  	[sflag:s24] =	ssyncset.done $0x0  }
0xc0: {  	s28 =	simm.s32 $0x1E00;
	[sflag:s24] =	ssyncadd.s32 $0xFFFFFF80  }
0xc1: {  	[tilespmem:s28], [sflag:$0x1] =	stream.indirect.gather [hbm4b:s3+s25], $0x1, s21, s25, $0xb8;
	[tilespmem:$0x2400] =	vst v63  }
0xc2: {  	s29 =	simm.s32 $0x1E80;
	s28 =	simm.s32 $0xE80  }
0xc3: {  	[tilespmem:s29], [sflag:$0x1] =	stream.indirect.gather [hbm4b:s3+s25], $0x1, s28, s25, $0xb8;
	[tilespmem:$0x2400] =	vst v63  }
0xc4: {  	s28 =	simm.s32 $0xF00;
	s29 =	simm.s32 $0x1F00  }
0xc5: {  	[tilespmem:s29], [sflag:$0x1] =	stream.indirect.gather [hbm4b:s3+s25], $0x1, s28, s25, $0xb8;
	[tilespmem:$0x2400] =	vst v63  }
0xc6: {  	_ = 	snop  }
0xc7: {  	[tilespmem:s1], [sflag:$0x1] =	stream.indirect.gather [hbm4b:s3+s25], $0x1, s0, s25, $0xb8;
	[tilespmem:$0x2400] =	vst v63  }
0xc8: {  	_ =	swait.ge [sflag:s24], $0x80  }
0xc9: {  	[sflag:s24] =	ssyncset.done $0x0  }
0xca: {  	[sflag:s24] =	ssyncadd.s32 $0xFFFFFF80  }
0xcb: {  	_ =	swait.ge [sflag:s24], $0x80  }
0xcc: {  	[sflag:s24] =	ssyncset.done $0x0  }
0xcd: {  	[sflag:s24] =	ssyncadd.s32 $0xFFFFFF80  }
0xce: {  	_ =	swait.ge [sflag:s24], $0x80  }
0xcf: {  	[sflag:s24] =	ssyncset.done $0x0  }
0xd0: {  	[sflag:s24] =	ssyncadd.s32 $0xFFFFFF80  }
0xd1: {  	_ =	swait.ge [sflag:s24], $0x80  }
0xd2: {  	[sflag:s24] =	ssyncset.done $0x0  }
0xd3: {  	s29 =	simm.s32 $0x0;
	[sflag:s24] =	ssyncadd.s32 $0xFFFFFF80  }
0xd4: {  	v0 =	vld [tilespmem:s29+$0x2000]  }
0xd5: {  	v1 =	vld [tilespmem:s29+$0x1000];
	_ =	sdelay $0x1  }
0xd6: {  	v2 =	vld [tilespmem:s29+$0x1200];
	_ =	sdelay $0x1  }
0xd7: {  	v3 =	vld [tilespmem:s29+$0x1400]  }
0xd8: {  	v0 =	vadd.f32 v1, v0  }
0xd9: {  	v1 =	vld [tilespmem:s29+$0x1600]  }
0xda: {  	s28 =	simm.s32 $0x10;
	v4 =	vld [tilespmem:s29+$0x1800];
	v0 =	vadd.f32 v2, v0  }
0xdb: {  	v5 =	vld [tilespmem:s28+$0x2000]  }
0xdc: {  	v6 =	vld [tilespmem:s28+$0x1000];
	v0 =	vadd.f32 v3, v0  }
0xdd: {  	v7 =	vld [tilespmem:s29+$0x1A00]  }
0xde: {  	v8 =	vld [tilespmem:s28+$0x1200];
	v0 =	vadd.f32 v1, v0  }
0xdf: {  	v9 =	vld [tilespmem:s29+$0x1C00]  }
0xe0: {  	v2 =	vld [tilespmem:s28+$0x1400];
	v0 =	vadd.f32 v4, v0  }
0xe1: {  	v1 =	vadd.f32 v6, v5;
	v4 =	vld [tilespmem:s29+$0x1E00]  }
0xe2: {  	s30 =	simm.s32 $0x20;
	v3 =	vld [tilespmem:s28+$0x1600];
	v6 =	vadd.f32 v7, v0  }
0xe3: {  	v5 =	vadd.f32 v8, v1;
	v1 =	vld [tilespmem:s30+$0x2000]  }
0xe4: {  	s31 =	simm.s32 $0xC0;
	v0 =	vld [tilespmem:s28+$0x1800];
	v6 =	vadd.f32 v9, v6  }
.LBB2_2:
0xe5: {  	p0 =	sne.s32 s31, $0x7C0;
	v7 =	vld [tilespmem:s30+$0x1000];
	v2 =	vadd.f32 v2, v5  }
0xe6: {  	v5 =	vld [tilespmem:s28+$0x1A00];
	v4 =	vadd.f32 v4, v6  }
0xe7: {  	v6 =	vld [tilespmem:s30+$0x1200];
	v3 =	vadd.f32 v3, v2  }
0xe8: {  	v8 =	vld [tilespmem:s28+$0x1C00];
	[tilespmem:s29+$0x2200] =	vst v4;
	s29 =	smov.u32 s28;
	s28 =	smov.u32 s30  }
.Ltmp0:
0xe9: {  	v2 =	vld [tilespmem:s28+$0x1400];
	v0 =	vadd.f32 v0, v3;
	(pc) =	sbr.rel @p0 .LBB2_2-.Ltmp0, $4  }
0xea: {  	v1 =	vadd.f32 v7, v1;
	v4 =	vld [tilespmem:s29+$0x1E00]  }
0xeb: {  	v3 =	vld [tilespmem:s28+$0x1600];
	v7 =	vadd.f32 v5, v0  }
0xec: {  	s30 =	sshra.s32 s31, $0x2;
	v5 =	vadd.f32 v6, v1;
	v0 =	vld [tilespmem:s28+$0x1800]  }
0xed: {  	s31 =	sadd.s32 $0x40, s31;
	v1 =	vld [tilespmem:s30+$0x2000];
	v6 =	vadd.f32 v8, v7  }
0xee: {  	v7 =	vld [tilespmem:s30+$0x1000]  }
0xef: {  	v8 =	vld [tilespmem:s28+$0x1A00];
	v2 =	vadd.f32 v2, v5;
	v4 =	vadd.f32 v4, v6  }
0xf0: {  	v55 =	vld [tilespmem:s30+$0x1200]  }
0xf1: {  	v56 =	vld [tilespmem:s28+$0x1C00];
	v2 =	vadd.f32 v3, v2;
	[tilespmem:s29+$0x2200] =	vst v4  }
0xf2: {  	v57 =	vld [tilespmem:s30+$0x1400]  }
0xf3: {  	v0 =	vadd.f32 v0, v2;
	v58 =	vld [tilespmem:s28+$0x1E00];
	v1 =	vadd.f32 v7, v1  }
0xf4: {  	v4 =	vld [tilespmem:s30+$0x1600]  }
0xf5: {  	v0 =	vadd.f32 v8, v0;
	v1 =	vadd.f32 v55, v1  }
0xf6: {  	v59 =	vld [tilespmem:s30+$0x1800]  }
0xf7: {  	v0 =	vadd.f32 v56, v0;
	v1 =	vadd.f32 v57, v1  }
0xf8: {  	v60 =	vld [tilespmem:s30+$0x1A00]  }
0xf9: {  	v0 =	vadd.f32 v58, v0;
	v1 =	vadd.f32 v4, v1  }
0xfa: {  	v61 =	vld [tilespmem:s30+$0x1C00]  }
0xfb: {  	[tilespmem:s28+$0x2200] =	vst v0;
	v62 =	vadd.f32 v59, v1  }
0xfc: {  	v63 =	vld [tilespmem:s30+$0x1E00]  }
0xfd: {  	v0 =	vadd.f32 v60, v62;
	_ =	sdelay $0x1  }
0xfe: {  	v0 =	vadd.f32 v61, v0;
	_ =	sdelay $0x1  }
0xff: {  	s26 =	sadd.s32 $0x1, s26;
	v0 =	vadd.f32 v63, v0  }
0x100: {  	p0 =	sne.s32 s26, s14  }
.Ltmp1:
0x101: {  	[tilespmem:s30+$0x2200] =	vst v0;
	(pc) =	sbr.rel @p0 .LBB2_1-.Ltmp1, $4  }
0x102: {  	[hbm4b:s13+s2] =	stream.linear.scatter [tilespmem:s22], [sflag:$0x2], $0x200, $0x38;
	[tilespmem:$0x2400] =	vst v63  }
0x103: {  	_ =	swait.ge [sflag:s23], $0x200  }
0x104: {  	[sflag:s23] =	ssyncset.done $0x0  }
0x105: {  	[sflag:s23] =	ssyncadd.s32 $0xFFFFFE00  }
0x106: {  	_ =	sfence.sel $0x180000  }
0x107: {  	[bflag:$0x0] =	sbarrier.arrive $0xFFFF  }
0x108: {  	_ =	strace $0x90000047  }
0x109: {  	s0 =	stileid.u32;
	[bflag:$0x2] =	sbarrier.arrive $0xFFFF  }
0x10a: {  	p0 =	sne.s32 s0, $0x0;
	s0 =	rddreg [dreg:$0x2]  }
0x10b: {  	s0 =	sadd.s32 @!p0 $0x100000, s0  }
0x10c: {  	[sflag:s0] =	ssyncadd.tile.s32 @!p0 $0x1;
	_ =	shalt  }
.Lfunc_end2:
_tile_overlayer_lowered:
.L_overlay_start_2:
0x10d: {  	(tag) =	ssettag $0x2  }
0x10e: {  	s0 =	rddreg [dreg:$0x0];
	s2 =	stileid.u32  }
0x10f: {  	s1 =	rddreg [dreg:$0x1];
	p0 =	sne.s32 s2, $0x0  }
0x110: {  	s3 =	rddreg [dreg:$0x2];
	[bflag:$0x3] =	sbarrier.arrive $0xFFFF;
	s2 =	simm.s32 @!p0 $0x1C02  }
0x111: {  	[timem:s3], [sflag:s2] =	dma.local @!p0 [hbm:s0], s1  }
0x112: {  	s0 =	simm.s32 @!p0 $0x2  }
0x113: {  	_ =	swait.ge @!p0 [sflag:s0], s1  }
0x114: {  	s1 =	ssub.s32 @!p0 $0x0, s1;
	[sflag:s0] =	ssyncset.done @!p0 $0x0  }
0x115: {  	[sflag:s0] =	ssyncadd.s32 @!p0 s1  }
0x116: {  	[bflag:$0x3] =	sbarrier.arrive $0xFFFF  }
0x117: {  	_ =	shalt  }

// kernel: kernel.13.cloned.1.call-start
scs
__scs_entry_jumppad:
0x0: {  	(pc) =	sbr.rel $0x88, $3  }
0x1: {  	(tag) =	ssettag $0x0;
	lr =	simm.s32 $0x1  }
0x2: {  	[smem:$0x3F9A] =	sst lr;
	_ =	strace $0xD0000000  }
0x3: {  	_ = 	snop  }
0x4: {  	_ = 	snop  }
0x5: {  	_ = 	snop  }
0x6: {  	_ = 	snop  }
0x7: {  	_ = 	snop  }
__scs_overlays_trampoline_lowered:
0x8: {  	[smem:$0x3FA9] =	sst s0  }
0x9: {  	[smem:$0x3FAA] =	sst s1  }
0xa: {  	[smem:$0x3FAB] =	sst s2  }
0xb: {  	[smem:$0x3FAC] =	sst s3  }
0xc: {  	[smem:$0x3FAD] =	sst s4  }
0xd: {  	[smem:$0x3FAE] =	sst s5  }
0xe: {  	[smem:$0x3FAF] =	sst s6  }
0xf: {  	[smem:$0x3FB0] =	sst s7  }
0x10: {  	[smem:$0x3FB1] =	sst s8  }
0x11: {  	[smem:$0x3FB2] =	sst s9;
	s0 =	simm.s32 @!p0 $0x0  }
0x12: {  	s1 =	sld [smem:$0x3F98];
	s0 =	simm.s32 @p0 $0x1  }
0x13: {  	[smem:$0x3FB3] =	sst s0;
	s0 =	simm.s32 @!p1 $0x0  }
0x14: {  	s2 =	sld [smem:$0x3F97];
	s0 =	simm.s32 @p1 $0x1  }
0x15: {  	[smem:$0x3FB4] =	sst s0;
	s0 =	simm.s32 @!p2 $0x0  }
0x16: {  	s3 =	sld [smem:$0x3FDB];
	s0 =	simm.s32 @p2 $0x1  }
0x17: {  	s4 =	simm.s32 $0x1BF5;
	[smem:$0x3FB6] =	sst s0  }
0x18: {  	s0 =	sld [smem:$0x3F99];
	_ =	swait.ge [sflag:s4], $0x0  }
0x19: {  	s7 =	sld [smem:$0x3F9A]  }
0x1a: {  	s8 =	sadd.s32 $0xFFFFE003, lr  }
0x1b: {  	s9 =	sadd.s32 $0xFFFFFEF7, lr;
	s5 =	simm.s32 $0xFFFFFFFF;
	p2 =	slt.u32 s8, $0xFFFFF086  }
0x1c: {  	p1 =	slt.u32 s9, $0xF7A;
	s5 =	simm.s32 @!p2 $0x0  }
0x1d: {  	s5 =	simm.s32 @p1 $0x1;
	p0 =	seq.s32 s7, s2  }
0x1e: {  	s7 =	smul.u32 @!p0 $0xF7A, s2;
	p2 =	seq.s32 @!p0 s5, $0x0  }
0x1f: {  	s9 =	smul.u32 $0xF7A, s1;
	s8 =	simm.s32 @!p0 $0x1BF5;
	p2 =	por !p2, p0  }
0x20: {  	[sflag:s8] =	ssyncset.s32 @!p0 $0xFFFFF086;
	s6 =	sadd.s32 @!p0 s3, s7;
	s7 =	simm.s32 @!p0 $0x108  }
0x21: {  	s3 =	sadd.s32 s3, s9;
	s6 =	sadd.s32 @!p0 $0x88, s6;
	s7 =	simm.s32 @p2 $0x1082  }
0x22: {  	[simem:s7], [sflag:s8] =	dma.local @!p0 [hbm:s6], $0xF7A  }
0x23: {  	s9 =	sor.u32 $0xD0000000, s2;
	s6 =	simm.s32 $0x108;
	_ =	swait.ge @!p0 [sflag:s8], $0x0  }
0x24: {  	s3 =	sadd.s32 $0x88, s3;
	s6 =	simm.s32 @!p1 $0x1082;
	[sflag:s4] =	ssyncset.s32 $0xFFFFF086  }
0x25: {  	[simem:s6], [sflag:s4] =	dma.local [hbm:s3], $0xF7A  }
0x26: {  	[smem:$0x3F9A] =	sst s1;
	(tag) =	ssettag s2;
	_ =	strace s9  }
0x27: {  	s1 =	sld [smem:$0x3FAA]  }
0x28: {  	s2 =	sld [smem:$0x3FAB]  }
0x29: {  	s4 =	sld [smem:$0x3FAD]  }
0x2a: {  	p0 =	seq.s32 s5, $0x0;
	s5 =	sld [smem:$0x3FAE]  }
0x2b: {  	s6 =	sld [smem:$0x3FAF]  }
0x2c: {  	s7 =	sld [smem:$0x3FB0]  }
0x2d: {  	s3 =	simm.s32 $0x108;
	s8 =	sld [smem:$0x3FB1]  }
0x2e: {  	s3 =	simm.s32 @!p0 $0x1082;
	s9 =	sld [smem:$0x3FB2]  }
0x2f: {  	lr =	sadd.s32 s0, s3;
	s0 =	sld [smem:$0x3FA9]  }
0x30: {  	s3 =	sld [smem:$0x3FAC]  }
0x31: {  	[smem:$0x3FB5] =	sst s10  }
0x32: {  	s10 =	sld [smem:$0x3FB3];
	_ =	sdelay $0x3  }
0x33: {  	p0 =	seq.s32 s10, $0x1;
	s10 =	sld [smem:$0x3FB5];
	_ =	sdelay $0x3  }
0x34: {  	[smem:$0x3FB5] =	sst s10  }
0x35: {  	s10 =	sld [smem:$0x3FB4];
	_ =	sdelay $0x3  }
0x36: {  	p1 =	seq.s32 s10, $0x1;
	s10 =	sld [smem:$0x3FB5];
	_ =	sdelay $0x3  }
0x37: {  	[smem:$0x3FB5] =	sst s10  }
0x38: {  	s10 =	sld [smem:$0x3FB6]  }
0x39: {  	_ = 	snop;
	(pc) =	sbr.ind lr, $3  }
0x3a: {  	_ = 	snop  }
0x3b: {  	_ = 	snop  }
0x3c: {  	p2 =	seq.s32 s10, $0x1;
	s10 =	sld [smem:$0x3FB5]  }
0x3d: {  	_ =	shalt  }
0x3e: {  	_ =	shalt  }
0x3f: {  	_ =	shalt  }
0x40: {  	_ =	shalt  }
0x41: {  	_ =	shalt  }
0x42: {  	_ =	shalt  }
0x43: {  	_ =	shalt  }
0x44: {  	_ =	shalt  }
0x45: {  	_ =	shalt  }
0x46: {  	_ =	shalt  }
0x47: {  	_ =	shalt  }
0x48: {  	_ =	shalt  }
0x49: {  	_ =	shalt  }
0x4a: {  	_ =	shalt  }
0x4b: {  	_ =	shalt  }
0x4c: {  	_ =	shalt  }
0x4d: {  	_ =	shalt  }
0x4e: {  	_ =	shalt  }
0x4f: {  	_ =	shalt  }
0x50: {  	_ =	shalt  }
0x51: {  	_ =	shalt  }
0x52: {  	_ =	shalt  }
0x53: {  	_ =	shalt  }
0x54: {  	_ =	shalt  }
0x55: {  	_ =	shalt  }
0x56: {  	_ =	shalt  }
0x57: {  	_ =	shalt  }
0x58: {  	_ =	shalt  }
0x59: {  	_ =	shalt  }
0x5a: {  	_ =	shalt  }
0x5b: {  	_ =	shalt  }
0x5c: {  	_ =	shalt  }
0x5d: {  	_ =	shalt  }
0x5e: {  	_ =	shalt  }
0x5f: {  	_ =	shalt  }
0x60: {  	_ =	shalt  }
0x61: {  	_ =	shalt  }
0x62: {  	_ =	shalt  }
0x63: {  	_ =	shalt  }
0x64: {  	_ =	shalt  }
0x65: {  	_ =	shalt  }
0x66: {  	_ =	shalt  }
0x67: {  	_ =	shalt  }
0x68: {  	_ =	shalt  }
0x69: {  	_ =	shalt  }
0x6a: {  	_ =	shalt  }
0x6b: {  	_ =	shalt  }
0x6c: {  	_ =	shalt  }
0x6d: {  	_ =	shalt  }
0x6e: {  	_ =	shalt  }
0x6f: {  	_ =	shalt  }
0x70: {  	_ =	shalt  }
0x71: {  	_ =	shalt  }
0x72: {  	_ =	shalt  }
0x73: {  	_ =	shalt  }
0x74: {  	_ =	shalt  }
0x75: {  	_ =	shalt  }
0x76: {  	_ =	shalt  }
0x77: {  	_ =	shalt  }
0x78: {  	_ =	shalt  }
0x79: {  	_ =	shalt  }
0x7a: {  	_ =	shalt  }
0x7b: {  	_ =	shalt  }
0x7c: {  	_ =	shalt  }
0x7d: {  	_ =	shalt  }
0x7e: {  	_ =	shalt  }
0x7f: {  	_ =	shalt  }
0x80: {  	_ =	shalt  }
0x81: {  	_ =	shalt  }
0x82: {  	_ =	shalt  }
0x83: {  	_ =	shalt  }
0x84: {  	_ =	shalt  }
0x85: {  	_ =	shalt  }
0x86: {  	_ =	shalt  }
0x87: {  	_ =	shalt  }
.Lfunc_end0:
.L_simem_size_0:
called_computation.1_lowered:
.L_overlay_start_0:
0x88: {  	s2 =	sld [smem:$0x3FD9]  }
0x89: {  	s3 =	sld [smem:$0x3FFE];
	_ =	sdelay $0x1  }
0x8a: {  	s1 =	srdreg.scid  }
0x8b: {  	s0 =	sand.u32 $0x1, s1  }
0x8c: {  	s16 =	sshll.u32 s0, $0xA;
	s2 =	sadd.s32 s3, s2  }
0x8d: {  	s2 =	sadd.s32 s2, s16  }
0x8e: {  	[smem:$0x3FC1] =	sst s2  }
0x8f: {  	_ = 	snop  }
0x90: {  	(tm) =	ssettm $0x1  }
0x91: {  	s17 =	sld [smem:$0x3FFB];
	_ =	sdelay $0x3  }
0x92: {  	_ =	strace s17  }
0x93: {  	s2 =	sld [smem:$0x3FFC];
	_ =	sdelay $0x3  }
0x94: {  	_ =	strace s2  }
0x95: {  	s2 =	sld [smem:$0x3FFD];
	_ =	sdelay $0x3  }
0x96: {  	_ =	strace s2  }
0x97: {  	_ =	strace $0x8FFFFFFF  }
0x98: {  	s18 =	sld [smem:$0x3FDB];
	_ =	sdelay $0x1  }
0x99: {  	s19 =	simm.s32 $_scs_section_size  }
0x9a: {  	s4 =	simm.s32 $_size__tile_overlayer_lowered;
	s5 =	simm.s32 $_tile_overlayer_lowered  }
0x9b: {  	s22 =	simm.s32 $0x1BFF;
	s21 =	sshll.u32 s5, $0x1;
	s2 =	sadd.s32 s19, s18  }
0x9c: {  	s6 =	simm.s32 $0x0;
	s20 =	sshll.u32 s4, $0x1;
	s4 =	sadd.s32 s21, s2  }
0x9d: {  	[timem:s6], [sflag:s22] =	dma.local [hbm:s4], s20  }
0x9e: {  	_ =	swait.ge [sflag:s22], s20  }
0x9f: {  	s3 =	ssub.s32 $0x0, s20;
	[sflag:s22] =	ssyncset.done $0x0  }
0xa0: {  	[sflag:s22] =	ssyncadd.s32 s3;
	_ =	sdelay $0x1  }
0xa1: {  	s23 =	simm.s32 $0x1B8B  }
0xa2: {  	_ =	swait.ge [sflag:s23], $0x1  }
0xa3: {  	[sflag:s23] =	ssyncset.done $0x0  }
0xa4: {  	s25 =	simm.s32 $0x1B8E;
	s24 =	sld [smem:$0x3FFE];
	[sflag:s23] =	ssyncadd.s32 $0xFFFFFFFF  }
0xa5: {  	s26 =	simm.s32 $execute0_lowered;
	[smem:$0x3FD2] =	sst s25  }
0xa6: {  	s4 =	sshll.u32 s26, $0x1;
	_ =	strace $0x80000049;
	[dreg:$0x1] =	wrdreg $0xFFFFFFFF  }
0xa7: {  	s28 =	simm.s32 $_size_execute0_lowered;
	s2 =	sadd.s32 s2, s4;
	[dreg:$0x0] =	wrdreg $0x0  }
0xa8: {  	s4 =	sshll.u32 s28, $0x1;
	[dreg:$0x2] =	wrdreg s2  }
0xa9: {  	[dreg:$0x3] =	wrdreg s4  }
0xaa: {  	[dreg:$0x4] =	wrdreg $0xC0  }
0xab: {  	_ =	task [dreg:s6], $0x5FFFF  }
0xac: {  	[dreg:$0x1] =	wrdreg $0xFFFFFFFF  }
0xad: {  	[dreg:$0x0] =	wrdreg $0x60  }
0xae: {  	[dreg:$0x2] =	wrdreg s24  }
0xaf: {  	[dreg:$0x3] =	wrdreg $0x9  }
0xb0: {  	_ =	task.clear_ibuf [dreg:s6], $0x4FFFF;
	_ =	strace $0x90000049  }
0xb1: {  	s29 =	simm.s32 $0x9;
	_ =	strace $0x8000004B  }
0xb2: {  	_ =	swait.ge [sflag:s29], $0x1  }
0xb3: {  	[sflag:s29] =	ssyncadd.s32 $0xFFFFFFFF  }
0xb4: {  	_ =	strace $0x9000004B  }
0xb5: {  	_ =	sfence  }
0xb6: {  	s30 =	sld [smem:$0x0];
	_ =	sdelay $0x2  }
0xb7: {  	s31 =	sshll.u32 s1, $0xD;
	s1 =	sshrl.u32 s1, $0x2  }
0xb8: {  	s3 =	sand.u32 $0x4000, s31;
	s1 =	sadd.s32 s1, s30  }
0xb9: {  	s0 =	sor.u32 s3, s0;
	s1 =	sshll.u32 s1, $0x11  }
0xba: {  	s0 =	sor.u32 s1, s0  }
0xbb: {  	s0 =	sadd.s32 $0x8F2B, s0  }
0xbc: {  	[sflag:s0] =	ssyncadd.remote.s32 $0x1  }
0xbd: {  	_ =	sfence.sel $0xFFFF  }
0xbe: {  	[dreg:$0x0] =	wrdreg $0xFFFFFFFF;
	(pc) =	sbr.abs _section_cstart, $3  }
0xbf: {  	[dreg:$0x1] =	wrdreg $0xFFFFFFFF  }
0xc0: {  	_ =	task.clear_ibuf [dreg:s6], $0x2FFFF;
	_ =	strace $0x9FFFFFFF  }
0xc1: {  	(tm) =	ssettm $0x7FFFFFFF  }
tec
execute0_lowered:
.L_overlay_start_1:
0x0: {  	(tag) =	ssettag $0x1  }
0x1: {  	s0 =	rddreg [dreg:$0x0]  }
0x2: {  	s1 =	srdreg.scid;
	s3 =	stileid.u32;
	s2 =	simm.s32 $0x0  }
0x3: {  	s16 =	simm.s32 $0x200;
	s17 =	simm.s32 $0x400;
	s18 =	simm.s32 $0x600  }
0x4: {  	s19 =	simm.s32 $0x800;
	s20 =	simm.s32 $0xA00;
	s21 =	simm.s32 $0xC00  }
0x5: {  	s22 =	simm.s32 $0xE00;
	s23 =	simm.s32 $0x1000;
	s25 =	simm.s32 $0x2  }
0x6: {  	s26 =	simm.s32 $0x1;
	s28 =	simm.s32 $0x80;
	s1 =	sand.u32 $0x1, s1  }
0x7: {  	s31 =	simm.s32 $0x2600;
	s3 =	sshll.u32 s3, $0x7;
	s4 =	sshll.u32 s1, $0x6  }
0x8: {  	[smem:$0x7FF] =	sst s2;
	s1 =	ssub.s32 $0x2, s1;
	s3 =	sor.u32 s4, s3  }
0x9: {  	_ =	strace $0x8000004A;
	s29 =	sshrl.u32 s1, $0x1;
	s14 =	sadd.s32 s3, s0  }
0xa: {  	s3 =	sadd.s32 $0x27800, s0;
	s30 =	ssub.s32 s1, s29;
	s0 =	simm.s32 $0x0  }
0xb: {  	s4 =	sadd.s32 $0x5800, s14;
	s5 =	sadd.s32 $0x6000, s14;
	s6 =	sadd.s32 $0x6800, s14  }
0xc: {  	s7 =	sadd.s32 $0x7000, s14;
	s8 =	sadd.s32 $0x7800, s14;
	s9 =	sadd.s32 $0x8000, s14  }
0xd: {  	s10 =	sadd.s32 $0x8800, s14;
	s11 =	sadd.s32 $0x9000, s14;
	s12 =	sadd.s32 $0x9800, s14  }
0xe: {  	s13 =	sadd.s32 $0x27000, s14;
	s14 =	sadd.s32 $0xE800, s14;
	s15 =	smax.u32 s30, $0x1  }
.LBB2_1:
0xf: {  	[tilespmem:s2], [sflag:$0x1] =	stream.linear.gather [hbm4b:s4+s2], $0x200, $0x38;
	[tilespmem:$0x2800] =	vst v63  }
0x10: {  	_ = 	snop  }
0x11: {  	[tilespmem:s16], [sflag:$0x1] =	stream.linear.gather [hbm4b:s5+s2], $0x200, $0x38;
	[tilespmem:$0x2800] =	vst v63  }
0x12: {  	_ = 	snop  }
0x13: {  	[tilespmem:s17], [sflag:$0x1] =	stream.linear.gather [hbm4b:s6+s2], $0x200, $0x38;
	[tilespmem:$0x2800] =	vst v63  }
0x14: {  	_ = 	snop  }
0x15: {  	[tilespmem:s18], [sflag:$0x1] =	stream.linear.gather [hbm4b:s7+s2], $0x200, $0x38;
	[tilespmem:$0x2800] =	vst v63  }
0x16: {  	_ = 	snop  }
0x17: {  	[tilespmem:s19], [sflag:$0x1] =	stream.linear.gather [hbm4b:s8+s2], $0x200, $0x38;
	[tilespmem:$0x2800] =	vst v63  }
0x18: {  	_ = 	snop  }
0x19: {  	[tilespmem:s20], [sflag:$0x1] =	stream.linear.gather [hbm4b:s9+s2], $0x200, $0x38;
	[tilespmem:$0x2800] =	vst v63  }
0x1a: {  	_ = 	snop  }
0x1b: {  	[tilespmem:s21], [sflag:$0x1] =	stream.linear.gather [hbm4b:s10+s2], $0x200, $0x38;
	[tilespmem:$0x2800] =	vst v63  }
0x1c: {  	_ = 	snop  }
0x1d: {  	[tilespmem:s22], [sflag:$0x1] =	stream.linear.gather [hbm4b:s11+s2], $0x200, $0x38;
	[tilespmem:$0x2800] =	vst v63  }
0x1e: {  	_ = 	snop  }
0x1f: {  	[tilespmem:s23], [sflag:$0x1] =	stream.linear.gather [hbm4b:s12+s2], $0x200, $0x38;
	[tilespmem:$0x2800] =	vst v63  }
0x20: {  	s1 =	simm.s32 $0x2400  }
0x21: {  	[tilespmem:s1], [sflag:$0x2] =	stream.linear.gather [hbm4b:s13+s2], $0x200, $0x38;
	[tilespmem:$0x2800] =	vst v63  }
0x22: {  	_ =	swait.ge [sflag:s25], $0x200  }
0x23: {  	[sflag:s25] =	ssyncset.done $0x0  }
0x24: {  	[sflag:s25] =	ssyncadd.s32 $0xFFFFFE00  }
0x25: {  	_ =	swait.ge [sflag:s26], $0x200  }
0x26: {  	[sflag:s26] =	ssyncset.done $0x0  }
0x27: {  	[sflag:s26] =	ssyncadd.s32 $0xFFFFFE00  }
0x28: {  	_ =	swait.ge [sflag:s26], $0x200  }
0x29: {  	[sflag:s26] =	ssyncset.done $0x0  }
0x2a: {  	[sflag:s26] =	ssyncadd.s32 $0xFFFFFE00  }
0x2b: {  	_ =	swait.ge [sflag:s26], $0x200  }
0x2c: {  	[sflag:s26] =	ssyncset.done $0x0  }
0x2d: {  	[sflag:s26] =	ssyncadd.s32 $0xFFFFFE00  }
0x2e: {  	_ =	swait.ge [sflag:s26], $0x200  }
0x2f: {  	[sflag:s26] =	ssyncset.done $0x0  }
0x30: {  	[sflag:s26] =	ssyncadd.s32 $0xFFFFFE00  }
0x31: {  	_ =	swait.ge [sflag:s26], $0x200  }
0x32: {  	[sflag:s26] =	ssyncset.done $0x0  }
0x33: {  	[sflag:s26] =	ssyncadd.s32 $0xFFFFFE00  }
0x34: {  	_ =	swait.ge [sflag:s26], $0x200  }
0x35: {  	[sflag:s26] =	ssyncset.done $0x0  }
0x36: {  	[sflag:s26] =	ssyncadd.s32 $0xFFFFFE00  }
0x37: {  	_ =	swait.ge [sflag:s26], $0x200  }
0x38: {  	[sflag:s26] =	ssyncset.done $0x0  }
0x39: {  	[sflag:s26] =	ssyncadd.s32 $0xFFFFFE00  }
0x3a: {  	_ =	swait.ge [sflag:s26], $0x200  }
0x3b: {  	[sflag:s26] =	ssyncset.done $0x0  }
0x3c: {  	[sflag:s26] =	ssyncadd.s32 $0xFFFFFE00  }
0x3d: {  	_ =	swait.ge [sflag:s26], $0x200  }
0x3e: {  	[sflag:s26] =	ssyncset.done $0x0  }
0x3f: {  	s24 =	simm.s32 $0x1200;
	[sflag:s26] =	ssyncadd.s32 $0xFFFFFE00  }
0x40: {  	[tilespmem:s24], [sflag:$0x1] =	stream.indirect.gather [hbm4b:s3+s28], $0x1, s2, s28, $0xb8;
	[tilespmem:$0x2800] =	vst v63  }
0x41: {  	s24 =	simm.s32 $0x1280  }
0x42: {  	[tilespmem:s24], [sflag:$0x1] =	stream.indirect.gather [hbm4b:s3+s28], $0x1, s28, s28, $0xb8;
	[tilespmem:$0x2800] =	vst v63  }
0x43: {  	s1 =	simm.s32 $0x100;
	s24 =	simm.s32 $0x1300  }
0x44: {  	[tilespmem:s24], [sflag:$0x1] =	stream.indirect.gather [hbm4b:s3+s28], $0x1, s1, s28, $0xb8;
	[tilespmem:$0x2800] =	vst v63  }
0x45: {  	s1 =	simm.s32 $0x180;
	s24 =	simm.s32 $0x1380  }
0x46: {  	[tilespmem:s24], [sflag:$0x1] =	stream.indirect.gather [hbm4b:s3+s28], $0x1, s1, s28, $0xb8;
	[tilespmem:$0x2800] =	vst v63  }
0x47: {  	_ =	swait.ge [sflag:s26], $0x80  }
0x48: {  	[sflag:s26] =	ssyncset.done $0x0  }
0x49: {  	[sflag:s26] =	ssyncadd.s32 $0xFFFFFF80  }
0x4a: {  	_ =	swait.ge [sflag:s26], $0x80  }
0x4b: {  	[sflag:s26] =	ssyncset.done $0x0  }
0x4c: {  	[sflag:s26] =	ssyncadd.s32 $0xFFFFFF80  }
0x4d: {  	_ =	swait.ge [sflag:s26], $0x80  }
0x4e: {  	[sflag:s26] =	ssyncset.done $0x0  }
0x4f: {  	[sflag:s26] =	ssyncadd.s32 $0xFFFFFF80  }
0x50: {  	_ =	swait.ge [sflag:s26], $0x80  }
0x51: {  	[sflag:s26] =	ssyncset.done $0x0  }
0x52: {  	s24 =	simm.s32 $0x1400;
	[sflag:s26] =	ssyncadd.s32 $0xFFFFFF80  }
0x53: {  	[tilespmem:s24], [sflag:$0x1] =	stream.indirect.gather [hbm4b:s3+s28], $0x1, s16, s28, $0xb8;
	[tilespmem:$0x2800] =	vst v63  }
0x54: {  	s1 =	simm.s32 $0x280;
	s24 =	simm.s32 $0x1480  }
0x55: {  	[tilespmem:s24], [sflag:$0x1] =	stream.indirect.gather [hbm4b:s3+s28], $0x1, s1, s28, $0xb8;
	[tilespmem:$0x2800] =	vst v63  }
0x56: {  	s1 =	simm.s32 $0x300;
	s24 =	simm.s32 $0x1500  }
0x57: {  	[tilespmem:s24], [sflag:$0x1] =	stream.indirect.gather [hbm4b:s3+s28], $0x1, s1, s28, $0xb8;
	[tilespmem:$0x2800] =	vst v63  }
0x58: {  	s1 =	simm.s32 $0x380;
	s24 =	simm.s32 $0x1580  }
0x59: {  	[tilespmem:s24], [sflag:$0x1] =	stream.indirect.gather [hbm4b:s3+s28], $0x1, s1, s28, $0xb8;
	[tilespmem:$0x2800] =	vst v63  }
0x5a: {  	_ =	swait.ge [sflag:s26], $0x80  }
0x5b: {  	[sflag:s26] =	ssyncset.done $0x0  }
0x5c: {  	[sflag:s26] =	ssyncadd.s32 $0xFFFFFF80  }
0x5d: {  	_ =	swait.ge [sflag:s26], $0x80  }
0x5e: {  	[sflag:s26] =	ssyncset.done $0x0  }
0x5f: {  	[sflag:s26] =	ssyncadd.s32 $0xFFFFFF80  }
0x60: {  	_ =	swait.ge [sflag:s26], $0x80  }
0x61: {  	[sflag:s26] =	ssyncset.done $0x0  }
0x62: {  	[sflag:s26] =	ssyncadd.s32 $0xFFFFFF80  }
0x63: {  	_ =	swait.ge [sflag:s26], $0x80  }
0x64: {  	[sflag:s26] =	ssyncset.done $0x0  }
0x65: {  	s24 =	simm.s32 $0x1600;
	[sflag:s26] =	ssyncadd.s32 $0xFFFFFF80  }
0x66: {  	[tilespmem:s24], [sflag:$0x1] =	stream.indirect.gather [hbm4b:s3+s28], $0x1, s17, s28, $0xb8;
	[tilespmem:$0x2800] =	vst v63  }
0x67: {  	s1 =	simm.s32 $0x480;
	s24 =	simm.s32 $0x1680  }
0x68: {  	[tilespmem:s24], [sflag:$0x1] =	stream.indirect.gather [hbm4b:s3+s28], $0x1, s1, s28, $0xb8;
	[tilespmem:$0x2800] =	vst v63  }
0x69: {  	s1 =	simm.s32 $0x500;
	s24 =	simm.s32 $0x1700  }
0x6a: {  	[tilespmem:s24], [sflag:$0x1] =	stream.indirect.gather [hbm4b:s3+s28], $0x1, s1, s28, $0xb8;
	[tilespmem:$0x2800] =	vst v63  }
0x6b: {  	s1 =	simm.s32 $0x580;
	s24 =	simm.s32 $0x1780  }
0x6c: {  	[tilespmem:s24], [sflag:$0x1] =	stream.indirect.gather [hbm4b:s3+s28], $0x1, s1, s28, $0xb8;
	[tilespmem:$0x2800] =	vst v63  }
0x6d: {  	_ =	swait.ge [sflag:s26], $0x80  }
0x6e: {  	[sflag:s26] =	ssyncset.done $0x0  }
0x6f: {  	[sflag:s26] =	ssyncadd.s32 $0xFFFFFF80  }
0x70: {  	_ =	swait.ge [sflag:s26], $0x80  }
0x71: {  	[sflag:s26] =	ssyncset.done $0x0  }
0x72: {  	[sflag:s26] =	ssyncadd.s32 $0xFFFFFF80  }
0x73: {  	_ =	swait.ge [sflag:s26], $0x80  }
0x74: {  	[sflag:s26] =	ssyncset.done $0x0  }
0x75: {  	[sflag:s26] =	ssyncadd.s32 $0xFFFFFF80  }
0x76: {  	_ =	swait.ge [sflag:s26], $0x80  }
0x77: {  	[sflag:s26] =	ssyncset.done $0x0  }
0x78: {  	s24 =	simm.s32 $0x1800;
	[sflag:s26] =	ssyncadd.s32 $0xFFFFFF80  }
0x79: {  	[tilespmem:s24], [sflag:$0x1] =	stream.indirect.gather [hbm4b:s3+s28], $0x1, s18, s28, $0xb8;
	[tilespmem:$0x2800] =	vst v63  }
0x7a: {  	s1 =	simm.s32 $0x680;
	s24 =	simm.s32 $0x1880  }
0x7b: {  	[tilespmem:s24], [sflag:$0x1] =	stream.indirect.gather [hbm4b:s3+s28], $0x1, s1, s28, $0xb8;
	[tilespmem:$0x2800] =	vst v63  }
0x7c: {  	s1 =	simm.s32 $0x700;
	s24 =	simm.s32 $0x1900  }
0x7d: {  	[tilespmem:s24], [sflag:$0x1] =	stream.indirect.gather [hbm4b:s3+s28], $0x1, s1, s28, $0xb8;
	[tilespmem:$0x2800] =	vst v63  }
0x7e: {  	s1 =	simm.s32 $0x780;
	s24 =	simm.s32 $0x1980  }
0x7f: {  	[tilespmem:s24], [sflag:$0x1] =	stream.indirect.gather [hbm4b:s3+s28], $0x1, s1, s28, $0xb8;
	[tilespmem:$0x2800] =	vst v63  }
0x80: {  	_ =	swait.ge [sflag:s26], $0x80  }
0x81: {  	[sflag:s26] =	ssyncset.done $0x0  }
0x82: {  	[sflag:s26] =	ssyncadd.s32 $0xFFFFFF80  }
0x83: {  	_ =	swait.ge [sflag:s26], $0x80  }
0x84: {  	[sflag:s26] =	ssyncset.done $0x0  }
0x85: {  	[sflag:s26] =	ssyncadd.s32 $0xFFFFFF80  }
0x86: {  	_ =	swait.ge [sflag:s26], $0x80  }
0x87: {  	[sflag:s26] =	ssyncset.done $0x0  }
0x88: {  	[sflag:s26] =	ssyncadd.s32 $0xFFFFFF80  }
0x89: {  	_ =	swait.ge [sflag:s26], $0x80  }
0x8a: {  	[sflag:s26] =	ssyncset.done $0x0  }
0x8b: {  	s24 =	simm.s32 $0x1A00;
	[sflag:s26] =	ssyncadd.s32 $0xFFFFFF80  }
0x8c: {  	[tilespmem:s24], [sflag:$0x1] =	stream.indirect.gather [hbm4b:s3+s28], $0x1, s19, s28, $0xb8;
	[tilespmem:$0x2800] =	vst v63  }
0x8d: {  	s1 =	simm.s32 $0x880;
	s24 =	simm.s32 $0x1A80  }
0x8e: {  	[tilespmem:s24], [sflag:$0x1] =	stream.indirect.gather [hbm4b:s3+s28], $0x1, s1, s28, $0xb8;
	[tilespmem:$0x2800] =	vst v63  }
0x8f: {  	s1 =	simm.s32 $0x900;
	s24 =	simm.s32 $0x1B00  }
0x90: {  	[tilespmem:s24], [sflag:$0x1] =	stream.indirect.gather [hbm4b:s3+s28], $0x1, s1, s28, $0xb8;
	[tilespmem:$0x2800] =	vst v63  }
0x91: {  	s1 =	simm.s32 $0x980;
	s24 =	simm.s32 $0x1B80  }
0x92: {  	[tilespmem:s24], [sflag:$0x1] =	stream.indirect.gather [hbm4b:s3+s28], $0x1, s1, s28, $0xb8;
	[tilespmem:$0x2800] =	vst v63  }
0x93: {  	_ =	swait.ge [sflag:s26], $0x80  }
0x94: {  	[sflag:s26] =	ssyncset.done $0x0  }
0x95: {  	[sflag:s26] =	ssyncadd.s32 $0xFFFFFF80  }
0x96: {  	_ =	swait.ge [sflag:s26], $0x80  }
0x97: {  	[sflag:s26] =	ssyncset.done $0x0  }
0x98: {  	[sflag:s26] =	ssyncadd.s32 $0xFFFFFF80  }
0x99: {  	_ =	swait.ge [sflag:s26], $0x80  }
0x9a: {  	[sflag:s26] =	ssyncset.done $0x0  }
0x9b: {  	[sflag:s26] =	ssyncadd.s32 $0xFFFFFF80  }
0x9c: {  	_ =	swait.ge [sflag:s26], $0x80  }
0x9d: {  	[sflag:s26] =	ssyncset.done $0x0  }
0x9e: {  	s24 =	simm.s32 $0x1C00;
	[sflag:s26] =	ssyncadd.s32 $0xFFFFFF80  }
0x9f: {  	[tilespmem:s24], [sflag:$0x1] =	stream.indirect.gather [hbm4b:s3+s28], $0x1, s20, s28, $0xb8;
	[tilespmem:$0x2800] =	vst v63  }
0xa0: {  	s1 =	simm.s32 $0xA80;
	s24 =	simm.s32 $0x1C80  }
0xa1: {  	[tilespmem:s24], [sflag:$0x1] =	stream.indirect.gather [hbm4b:s3+s28], $0x1, s1, s28, $0xb8;
	[tilespmem:$0x2800] =	vst v63  }
0xa2: {  	s1 =	simm.s32 $0xB00;
	s24 =	simm.s32 $0x1D00  }
0xa3: {  	[tilespmem:s24], [sflag:$0x1] =	stream.indirect.gather [hbm4b:s3+s28], $0x1, s1, s28, $0xb8;
	[tilespmem:$0x2800] =	vst v63  }
0xa4: {  	s1 =	simm.s32 $0xB80;
	s24 =	simm.s32 $0x1D80  }
0xa5: {  	[tilespmem:s24], [sflag:$0x1] =	stream.indirect.gather [hbm4b:s3+s28], $0x1, s1, s28, $0xb8;
	[tilespmem:$0x2800] =	vst v63  }
0xa6: {  	_ =	swait.ge [sflag:s26], $0x80  }
0xa7: {  	[sflag:s26] =	ssyncset.done $0x0  }
0xa8: {  	[sflag:s26] =	ssyncadd.s32 $0xFFFFFF80  }
0xa9: {  	_ =	swait.ge [sflag:s26], $0x80  }
0xaa: {  	[sflag:s26] =	ssyncset.done $0x0  }
0xab: {  	[sflag:s26] =	ssyncadd.s32 $0xFFFFFF80  }
0xac: {  	_ =	swait.ge [sflag:s26], $0x80  }
0xad: {  	[sflag:s26] =	ssyncset.done $0x0  }
0xae: {  	[sflag:s26] =	ssyncadd.s32 $0xFFFFFF80  }
0xaf: {  	_ =	swait.ge [sflag:s26], $0x80  }
0xb0: {  	[sflag:s26] =	ssyncset.done $0x0  }
0xb1: {  	s24 =	simm.s32 $0x1E00;
	[sflag:s26] =	ssyncadd.s32 $0xFFFFFF80  }
0xb2: {  	[tilespmem:s24], [sflag:$0x1] =	stream.indirect.gather [hbm4b:s3+s28], $0x1, s21, s28, $0xb8;
	[tilespmem:$0x2800] =	vst v63  }
0xb3: {  	s1 =	simm.s32 $0xC80;
	s24 =	simm.s32 $0x1E80  }
0xb4: {  	[tilespmem:s24], [sflag:$0x1] =	stream.indirect.gather [hbm4b:s3+s28], $0x1, s1, s28, $0xb8;
	[tilespmem:$0x2800] =	vst v63  }
0xb5: {  	s1 =	simm.s32 $0xD00;
	s24 =	simm.s32 $0x1F00  }
0xb6: {  	[tilespmem:s24], [sflag:$0x1] =	stream.indirect.gather [hbm4b:s3+s28], $0x1, s1, s28, $0xb8;
	[tilespmem:$0x2800] =	vst v63  }
0xb7: {  	s1 =	simm.s32 $0xD80;
	s24 =	simm.s32 $0x1F80  }
0xb8: {  	[tilespmem:s24], [sflag:$0x1] =	stream.indirect.gather [hbm4b:s3+s28], $0x1, s1, s28, $0xb8;
	[tilespmem:$0x2800] =	vst v63  }
0xb9: {  	_ =	swait.ge [sflag:s26], $0x80  }
0xba: {  	[sflag:s26] =	ssyncset.done $0x0  }
0xbb: {  	[sflag:s26] =	ssyncadd.s32 $0xFFFFFF80  }
0xbc: {  	_ =	swait.ge [sflag:s26], $0x80  }
0xbd: {  	[sflag:s26] =	ssyncset.done $0x0  }
0xbe: {  	[sflag:s26] =	ssyncadd.s32 $0xFFFFFF80  }
0xbf: {  	_ =	swait.ge [sflag:s26], $0x80  }
0xc0: {  	[sflag:s26] =	ssyncset.done $0x0  }
0xc1: {  	[sflag:s26] =	ssyncadd.s32 $0xFFFFFF80  }
0xc2: {  	_ =	swait.ge [sflag:s26], $0x80  }
0xc3: {  	[sflag:s26] =	ssyncset.done $0x0  }
0xc4: {  	s24 =	simm.s32 $0x2000;
	[sflag:s26] =	ssyncadd.s32 $0xFFFFFF80  }
0xc5: {  	[tilespmem:s24], [sflag:$0x1] =	stream.indirect.gather [hbm4b:s3+s28], $0x1, s22, s28, $0xb8;
	[tilespmem:$0x2800] =	vst v63  }
0xc6: {  	s1 =	simm.s32 $0xE80;
	s24 =	simm.s32 $0x2080  }
0xc7: {  	[tilespmem:s24], [sflag:$0x1] =	stream.indirect.gather [hbm4b:s3+s28], $0x1, s1, s28, $0xb8;
	[tilespmem:$0x2800] =	vst v63  }
0xc8: {  	s1 =	simm.s32 $0xF00;
	s24 =	simm.s32 $0x2100  }
0xc9: {  	[tilespmem:s24], [sflag:$0x1] =	stream.indirect.gather [hbm4b:s3+s28], $0x1, s1, s28, $0xb8;
	[tilespmem:$0x2800] =	vst v63  }
0xca: {  	s1 =	simm.s32 $0xF80;
	s24 =	simm.s32 $0x2180  }
0xcb: {  	[tilespmem:s24], [sflag:$0x1] =	stream.indirect.gather [hbm4b:s3+s28], $0x1, s1, s28, $0xb8;
	[tilespmem:$0x2800] =	vst v63  }
0xcc: {  	_ =	swait.ge [sflag:s26], $0x80  }
0xcd: {  	[sflag:s26] =	ssyncset.done $0x0  }
0xce: {  	[sflag:s26] =	ssyncadd.s32 $0xFFFFFF80  }
0xcf: {  	_ =	swait.ge [sflag:s26], $0x80  }
0xd0: {  	[sflag:s26] =	ssyncset.done $0x0  }
0xd1: {  	[sflag:s26] =	ssyncadd.s32 $0xFFFFFF80  }
0xd2: {  	_ =	swait.ge [sflag:s26], $0x80  }
0xd3: {  	[sflag:s26] =	ssyncset.done $0x0  }
0xd4: {  	[sflag:s26] =	ssyncadd.s32 $0xFFFFFF80  }
0xd5: {  	_ =	swait.ge [sflag:s26], $0x80  }
0xd6: {  	[sflag:s26] =	ssyncset.done $0x0  }
0xd7: {  	s24 =	simm.s32 $0x2200;
	[sflag:s26] =	ssyncadd.s32 $0xFFFFFF80  }
0xd8: {  	[tilespmem:s24], [sflag:$0x1] =	stream.indirect.gather [hbm4b:s3+s28], $0x1, s23, s28, $0xb8;
	[tilespmem:$0x2800] =	vst v63  }
0xd9: {  	s1 =	simm.s32 $0x1080;
	s24 =	simm.s32 $0x2280  }
0xda: {  	[tilespmem:s24], [sflag:$0x1] =	stream.indirect.gather [hbm4b:s3+s28], $0x1, s1, s28, $0xb8;
	[tilespmem:$0x2800] =	vst v63  }
0xdb: {  	s1 =	simm.s32 $0x1100;
	s24 =	simm.s32 $0x2300  }
0xdc: {  	[tilespmem:s24], [sflag:$0x1] =	stream.indirect.gather [hbm4b:s3+s28], $0x1, s1, s28, $0xb8;
	[tilespmem:$0x2800] =	vst v63  }
0xdd: {  	s1 =	simm.s32 $0x1180;
	s24 =	simm.s32 $0x2380  }
0xde: {  	[tilespmem:s24], [sflag:$0x1] =	stream.indirect.gather [hbm4b:s3+s28], $0x1, s1, s28, $0xb8;
	[tilespmem:$0x2800] =	vst v63  }
0xdf: {  	_ =	swait.ge [sflag:s26], $0x80  }
0xe0: {  	[sflag:s26] =	ssyncset.done $0x0  }
0xe1: {  	[sflag:s26] =	ssyncadd.s32 $0xFFFFFF80  }
0xe2: {  	_ =	swait.ge [sflag:s26], $0x80  }
0xe3: {  	[sflag:s26] =	ssyncset.done $0x0  }
0xe4: {  	[sflag:s26] =	ssyncadd.s32 $0xFFFFFF80  }
0xe5: {  	_ =	swait.ge [sflag:s26], $0x80  }
0xe6: {  	[sflag:s26] =	ssyncset.done $0x0  }
0xe7: {  	[sflag:s26] =	ssyncadd.s32 $0xFFFFFF80  }
0xe8: {  	_ =	swait.ge [sflag:s26], $0x80  }
0xe9: {  	[sflag:s26] =	ssyncset.done $0x0  }
0xea: {  	s24 =	simm.s32 $0x0;
	[sflag:s26] =	ssyncadd.s32 $0xFFFFFF80  }
0xeb: {  	v0 =	vld [tilespmem:s24+$0x2400]  }
0xec: {  	v1 =	vld [tilespmem:s24+$0x1200];
	_ =	sdelay $0x1  }
0xed: {  	v2 =	vld [tilespmem:s24+$0x1400];
	_ =	sdelay $0x1  }
0xee: {  	v3 =	vld [tilespmem:s24+$0x1600]  }
0xef: {  	v0 =	vadd.f32 v1, v0  }
0xf0: {  	v1 =	vld [tilespmem:s24+$0x1800]  }
0xf1: {  	s1 =	simm.s32 $0x10;
	v4 =	vld [tilespmem:s24+$0x1A00];
	v0 =	vadd.f32 v2, v0  }
0xf2: {  	v5 =	vld [tilespmem:s1+$0x2400]  }
0xf3: {  	v2 =	vld [tilespmem:s24+$0x1C00];
	v0 =	vadd.f32 v3, v0  }
0xf4: {  	v3 =	vld [tilespmem:s1+$0x1200]  }
0xf5: {  	v6 =	vld [tilespmem:s1+$0x1400];
	v0 =	vadd.f32 v1, v0  }
0xf6: {  	v1 =	vld [tilespmem:s24+$0x1E00]  }
0xf7: {  	v7 =	vld [tilespmem:s24+$0x2000];
	v0 =	vadd.f32 v4, v0  }
0xf8: {  	v8 =	vld [tilespmem:s1+$0x1600]  }
0xf9: {  	v4 =	vadd.f32 v3, v5;
	v3 =	vld [tilespmem:s1+$0x1800];
	v5 =	vadd.f32 v2, v0  }
0xfa: {  	v2 =	vld [tilespmem:s24+$0x2200]  }
0xfb: {  	v0 =	vld [tilespmem:s1+$0x1C00];
	v6 =	vadd.f32 v6, v4;
	v9 =	vadd.f32 v1, v5  }
0xfc: {  	s29 =	simm.s32 $0x20;
	v4 =	vld [tilespmem:s1+$0x1A00]  }
0xfd: {  	s30 =	simm.s32 $0xC0;
	v1 =	vld [tilespmem:s29+$0x2400];
	v5 =	vadd.f32 v8, v6;
	v6 =	vadd.f32 v7, v9  }
.LBB2_2:
0xfe: {  	p0 =	sne.s32 s30, $0x7C0;
	v7 =	vld [tilespmem:s29+$0x1200]  }
0xff: {  	v3 =	vadd.f32 v3, v5;
	v5 =	vld [tilespmem:s1+$0x1E00];
	v2 =	vadd.f32 v2, v6  }
0x100: {  	v6 =	vld [tilespmem:s29+$0x1400]  }
0x101: {  	v3 =	vadd.f32 v4, v3;
	v8 =	vld [tilespmem:s1+$0x2000];
	[tilespmem:s24+$0x2600] =	vst v2;
	s24 =	smov.u32 s1;
	s1 =	smov.u32 s29  }
0x102: {  	v9 =	vld [tilespmem:s1+$0x1600]  }
.Ltmp0:
0x103: {  	v1 =	vadd.f32 v7, v1;
	v4 =	vadd.f32 v0, v3;
	v2 =	vld [tilespmem:s24+$0x2200];
	(pc) =	sbr.rel @p0 .LBB2_2-.Ltmp0, $4  }
0x104: {  	v3 =	vld [tilespmem:s1+$0x1800]  }
0x105: {  	v6 =	vadd.f32 v6, v1;
	v0 =	vld [tilespmem:s1+$0x1C00];
	v7 =	vadd.f32 v5, v4  }
0x106: {  	s29 =	sshra.s32 s30, $0x2;
	v4 =	vld [tilespmem:s1+$0x1A00]  }
0x107: {  	s30 =	sadd.s32 $0x40, s30;
	v1 =	vld [tilespmem:s29+$0x2400];
	v5 =	vadd.f32 v9, v6;
	v6 =	vadd.f32 v8, v7  }
0x108: {  	v7 =	vld [tilespmem:s29+$0x1200]  }
0x109: {  	v8 =	vld [tilespmem:s1+$0x1E00];
	v2 =	vadd.f32 v2, v6  }
0x10a: {  	v55 =	vld [tilespmem:s29+$0x1400]  }
0x10b: {  	v9 =	vld [tilespmem:s1+$0x2000];
	v3 =	vadd.f32 v3, v5;
	[tilespmem:s24+$0x2600] =	vst v2  }
0x10c: {  	v2 =	vld [tilespmem:s29+$0x1600]  }
0x10d: {  	v3 =	vadd.f32 v4, v3;
	v1 =	vadd.f32 v7, v1  }
0x10e: {  	v56 =	vld [tilespmem:s29+$0x1800]  }
0x10f: {  	v57 =	vld [tilespmem:s1+$0x2200];
	v0 =	vadd.f32 v0, v3;
	v1 =	vadd.f32 v55, v1  }
0x110: {  	v58 =	vld [tilespmem:s29+$0x1A00]  }
0x111: {  	v0 =	vadd.f32 v8, v0;
	v1 =	vadd.f32 v2, v1  }
0x112: {  	v59 =	vld [tilespmem:s29+$0x1C00]  }
0x113: {  	v0 =	vadd.f32 v9, v0;
	v1 =	vadd.f32 v56, v1  }
0x114: {  	v60 =	vld [tilespmem:s29+$0x1E00]  }
0x115: {  	v0 =	vadd.f32 v57, v0;
	v1 =	vadd.f32 v58, v1  }
0x116: {  	v61 =	vld [tilespmem:s29+$0x2000]  }
0x117: {  	[tilespmem:s1+$0x2600] =	vst v0;
	v62 =	vadd.f32 v59, v1  }
0x118: {  	v63 =	vld [tilespmem:s29+$0x2200]  }
0x119: {  	v0 =	vadd.f32 v60, v62;
	_ =	sdelay $0x1  }
0x11a: {  	v0 =	vadd.f32 v61, v0;
	_ =	sdelay $0x1  }
0x11b: {  	s0 =	sadd.s32 $0x1, s0;
	v0 =	vadd.f32 v63, v0  }
0x11c: {  	p0 =	sne.s32 s0, s15  }
.Ltmp1:
0x11d: {  	[tilespmem:s29+$0x2600] =	vst v0;
	(pc) =	sbr.rel @p0 .LBB2_1-.Ltmp1, $4  }
0x11e: {  	[hbm4b:s14+s2] =	stream.linear.scatter [tilespmem:s31], [sflag:$0x2], $0x200, $0x38;
	[tilespmem:$0x2800] =	vst v63  }
0x11f: {  	_ =	swait.ge [sflag:s25], $0x200  }
0x120: {  	[sflag:s25] =	ssyncset.done $0x0  }
0x121: {  	[sflag:s25] =	ssyncadd.s32 $0xFFFFFE00  }
0x122: {  	_ =	sfence.sel $0x180000  }
0x123: {  	[bflag:$0x0] =	sbarrier.arrive $0xFFFF  }
0x124: {  	_ =	strace $0x9000004A  }
0x125: {  	s0 =	stileid.u32;
	[bflag:$0x2] =	sbarrier.arrive $0xFFFF  }
0x126: {  	p0 =	sne.s32 s0, $0x0;
	s0 =	rddreg [dreg:$0x1]  }
0x127: {  	s0 =	sadd.s32 @!p0 $0x100000, s0  }
0x128: {  	[sflag:s0] =	ssyncadd.tile.s32 @!p0 $0x1;
	_ =	shalt  }
.Lfunc_end2:
_tile_overlayer_lowered:
.L_overlay_start_2:
0x129: {  	(tag) =	ssettag $0x2  }
0x12a: {  	s0 =	rddreg [dreg:$0x0];
	s2 =	stileid.u32  }
0x12b: {  	s1 =	rddreg [dreg:$0x1];
	p0 =	sne.s32 s2, $0x0  }
0x12c: {  	s3 =	rddreg [dreg:$0x2];
	[bflag:$0x3] =	sbarrier.arrive $0xFFFF;
	s2 =	simm.s32 @!p0 $0x1C02  }
0x12d: {  	[timem:s3], [sflag:s2] =	dma.local @!p0 [hbm:s0], s1  }
0x12e: {  	s0 =	simm.s32 @!p0 $0x2  }
0x12f: {  	_ =	swait.ge @!p0 [sflag:s0], s1  }
0x130: {  	s1 =	ssub.s32 @!p0 $0x0, s1;
	[sflag:s0] =	ssyncset.done @!p0 $0x0  }
0x131: {  	[sflag:s0] =	ssyncadd.s32 @!p0 s1  }
0x132: {  	[bflag:$0x3] =	sbarrier.arrive $0xFFFF  }
0x133: {  	_ =	shalt  }

// kernel: kernel.16.cloned.1.call-start
scs
__scs_entry_jumppad:
0x0: {  	(pc) =	sbr.rel $0x88, $3  }
0x1: {  	(tag) =	ssettag $0x0;
	lr =	simm.s32 $0x1  }
0x2: {  	[smem:$0x3F9A] =	sst lr;
	_ =	strace $0xD0000000  }
0x3: {  	_ = 	snop  }
0x4: {  	_ = 	snop  }
0x5: {  	_ = 	snop  }
0x6: {  	_ = 	snop  }
0x7: {  	_ = 	snop  }
__scs_overlays_trampoline_lowered:
0x8: {  	[smem:$0x3FA9] =	sst s0  }
0x9: {  	[smem:$0x3FAA] =	sst s1  }
0xa: {  	[smem:$0x3FAB] =	sst s2  }
0xb: {  	[smem:$0x3FAC] =	sst s3  }
0xc: {  	[smem:$0x3FAD] =	sst s4  }
0xd: {  	[smem:$0x3FAE] =	sst s5  }
0xe: {  	[smem:$0x3FAF] =	sst s6  }
0xf: {  	[smem:$0x3FB0] =	sst s7  }
0x10: {  	[smem:$0x3FB1] =	sst s8  }
0x11: {  	[smem:$0x3FB2] =	sst s9;
	s0 =	simm.s32 @!p0 $0x0  }
0x12: {  	s1 =	sld [smem:$0x3F98];
	s0 =	simm.s32 @p0 $0x1  }
0x13: {  	[smem:$0x3FB3] =	sst s0;
	s0 =	simm.s32 @!p1 $0x0  }
0x14: {  	s2 =	sld [smem:$0x3F97];
	s0 =	simm.s32 @p1 $0x1  }
0x15: {  	[smem:$0x3FB4] =	sst s0;
	s0 =	simm.s32 @!p2 $0x0  }
0x16: {  	s3 =	sld [smem:$0x3FDB];
	s0 =	simm.s32 @p2 $0x1  }
0x17: {  	s4 =	simm.s32 $0x1BF5;
	[smem:$0x3FB6] =	sst s0  }
0x18: {  	s0 =	sld [smem:$0x3F99];
	_ =	swait.ge [sflag:s4], $0x0  }
0x19: {  	s7 =	sld [smem:$0x3F9A]  }
0x1a: {  	s8 =	sadd.s32 $0xFFFFE003, lr  }
0x1b: {  	s9 =	sadd.s32 $0xFFFFFEF7, lr;
	s5 =	simm.s32 $0xFFFFFFFF;
	p2 =	slt.u32 s8, $0xFFFFF086  }
0x1c: {  	p1 =	slt.u32 s9, $0xF7A;
	s5 =	simm.s32 @!p2 $0x0  }
0x1d: {  	s5 =	simm.s32 @p1 $0x1;
	p0 =	seq.s32 s7, s2  }
0x1e: {  	s7 =	smul.u32 @!p0 $0xF7A, s2;
	p2 =	seq.s32 @!p0 s5, $0x0  }
0x1f: {  	s9 =	smul.u32 $0xF7A, s1;
	s8 =	simm.s32 @!p0 $0x1BF5;
	p2 =	por !p2, p0  }
0x20: {  	[sflag:s8] =	ssyncset.s32 @!p0 $0xFFFFF086;
	s6 =	sadd.s32 @!p0 s3, s7;
	s7 =	simm.s32 @!p0 $0x108  }
0x21: {  	s3 =	sadd.s32 s3, s9;
	s6 =	sadd.s32 @!p0 $0x88, s6;
	s7 =	simm.s32 @p2 $0x1082  }
0x22: {  	[simem:s7], [sflag:s8] =	dma.local @!p0 [hbm:s6], $0xF7A  }
0x23: {  	s9 =	sor.u32 $0xD0000000, s2;
	s6 =	simm.s32 $0x108;
	_ =	swait.ge @!p0 [sflag:s8], $0x0  }
0x24: {  	s3 =	sadd.s32 $0x88, s3;
	s6 =	simm.s32 @!p1 $0x1082;
	[sflag:s4] =	ssyncset.s32 $0xFFFFF086  }
0x25: {  	[simem:s6], [sflag:s4] =	dma.local [hbm:s3], $0xF7A  }
0x26: {  	[smem:$0x3F9A] =	sst s1;
	(tag) =	ssettag s2;
	_ =	strace s9  }
0x27: {  	s1 =	sld [smem:$0x3FAA]  }
0x28: {  	s2 =	sld [smem:$0x3FAB]  }
0x29: {  	s4 =	sld [smem:$0x3FAD]  }
0x2a: {  	p0 =	seq.s32 s5, $0x0;
	s5 =	sld [smem:$0x3FAE]  }
0x2b: {  	s6 =	sld [smem:$0x3FAF]  }
0x2c: {  	s7 =	sld [smem:$0x3FB0]  }
0x2d: {  	s3 =	simm.s32 $0x108;
	s8 =	sld [smem:$0x3FB1]  }
0x2e: {  	s3 =	simm.s32 @!p0 $0x1082;
	s9 =	sld [smem:$0x3FB2]  }
0x2f: {  	lr =	sadd.s32 s0, s3;
	s0 =	sld [smem:$0x3FA9]  }
0x30: {  	s3 =	sld [smem:$0x3FAC]  }
0x31: {  	[smem:$0x3FB5] =	sst s10  }
0x32: {  	s10 =	sld [smem:$0x3FB3];
	_ =	sdelay $0x3  }
0x33: {  	p0 =	seq.s32 s10, $0x1;
	s10 =	sld [smem:$0x3FB5];
	_ =	sdelay $0x3  }
0x34: {  	[smem:$0x3FB5] =	sst s10  }
0x35: {  	s10 =	sld [smem:$0x3FB4];
	_ =	sdelay $0x3  }
0x36: {  	p1 =	seq.s32 s10, $0x1;
	s10 =	sld [smem:$0x3FB5];
	_ =	sdelay $0x3  }
0x37: {  	[smem:$0x3FB5] =	sst s10  }
0x38: {  	s10 =	sld [smem:$0x3FB6]  }
0x39: {  	_ = 	snop;
	(pc) =	sbr.ind lr, $3  }
0x3a: {  	_ = 	snop  }
0x3b: {  	_ = 	snop  }
0x3c: {  	p2 =	seq.s32 s10, $0x1;
	s10 =	sld [smem:$0x3FB5]  }
0x3d: {  	_ =	shalt  }
0x3e: {  	_ =	shalt  }
0x3f: {  	_ =	shalt  }
0x40: {  	_ =	shalt  }
0x41: {  	_ =	shalt  }
0x42: {  	_ =	shalt  }
0x43: {  	_ =	shalt  }
0x44: {  	_ =	shalt  }
0x45: {  	_ =	shalt  }
0x46: {  	_ =	shalt  }
0x47: {  	_ =	shalt  }
0x48: {  	_ =	shalt  }
0x49: {  	_ =	shalt  }
0x4a: {  	_ =	shalt  }
0x4b: {  	_ =	shalt  }
0x4c: {  	_ =	shalt  }
0x4d: {  	_ =	shalt  }
0x4e: {  	_ =	shalt  }
0x4f: {  	_ =	shalt  }
0x50: {  	_ =	shalt  }
0x51: {  	_ =	shalt  }
0x52: {  	_ =	shalt  }
0x53: {  	_ =	shalt  }
0x54: {  	_ =	shalt  }
0x55: {  	_ =	shalt  }
0x56: {  	_ =	shalt  }
0x57: {  	_ =	shalt  }
0x58: {  	_ =	shalt  }
0x59: {  	_ =	shalt  }
0x5a: {  	_ =	shalt  }
0x5b: {  	_ =	shalt  }
0x5c: {  	_ =	shalt  }
0x5d: {  	_ =	shalt  }
0x5e: {  	_ =	shalt  }
0x5f: {  	_ =	shalt  }
0x60: {  	_ =	shalt  }
0x61: {  	_ =	shalt  }
0x62: {  	_ =	shalt  }
0x63: {  	_ =	shalt  }
0x64: {  	_ =	shalt  }
0x65: {  	_ =	shalt  }
0x66: {  	_ =	shalt  }
0x67: {  	_ =	shalt  }
0x68: {  	_ =	shalt  }
0x69: {  	_ =	shalt  }
0x6a: {  	_ =	shalt  }
0x6b: {  	_ =	shalt  }
0x6c: {  	_ =	shalt  }
0x6d: {  	_ =	shalt  }
0x6e: {  	_ =	shalt  }
0x6f: {  	_ =	shalt  }
0x70: {  	_ =	shalt  }
0x71: {  	_ =	shalt  }
0x72: {  	_ =	shalt  }
0x73: {  	_ =	shalt  }
0x74: {  	_ =	shalt  }
0x75: {  	_ =	shalt  }
0x76: {  	_ =	shalt  }
0x77: {  	_ =	shalt  }
0x78: {  	_ =	shalt  }
0x79: {  	_ =	shalt  }
0x7a: {  	_ =	shalt  }
0x7b: {  	_ =	shalt  }
0x7c: {  	_ =	shalt  }
0x7d: {  	_ =	shalt  }
0x7e: {  	_ =	shalt  }
0x7f: {  	_ =	shalt  }
0x80: {  	_ =	shalt  }
0x81: {  	_ =	shalt  }
0x82: {  	_ =	shalt  }
0x83: {  	_ =	shalt  }
0x84: {  	_ =	shalt  }
0x85: {  	_ =	shalt  }
0x86: {  	_ =	shalt  }
0x87: {  	_ =	shalt  }
.Lfunc_end0:
.L_simem_size_0:
called_computation.2_lowered:
.L_overlay_start_0:
0x88: {  	s2 =	sld [smem:$0x3FD9]  }
0x89: {  	s3 =	sld [smem:$0x3FFE];
	_ =	sdelay $0x1  }
0x8a: {  	s1 =	srdreg.scid  }
0x8b: {  	s0 =	sand.u32 $0x1, s1  }
0x8c: {  	s17 =	sshll.u32 s0, $0xA;
	s2 =	sadd.s32 s3, s2  }
0x8d: {  	s2 =	sadd.s32 s2, s17  }
0x8e: {  	[smem:$0x3FC1] =	sst s2  }
0x8f: {  	_ = 	snop  }
0x90: {  	s2 =	sld [smem:$0x3FD0];
	(tm) =	ssettm $0x1  }
0x91: {  	s18 =	sld [smem:$0x3FFB];
	_ =	sdelay $0x3  }
0x92: {  	_ =	strace s18  }
0x93: {  	s3 =	sld [smem:$0x3FFC];
	_ =	sdelay $0x3  }
0x94: {  	_ =	strace s3  }
0x95: {  	s3 =	sld [smem:$0x3FFD];
	_ =	sdelay $0x3  }
0x96: {  	_ =	strace s3  }
0x97: {  	_ =	strace $0x8FFFFFFF  }
0x98: {  	s19 =	sld [smem:$0x3FDB];
	_ =	sdelay $0x1  }
0x99: {  	s4 =	simm.s32 $_scs_section_size  }
0x9a: {  	s5 =	simm.s32 $_size__tile_overlayer_lowered;
	s6 =	simm.s32 $_tile_overlayer_lowered  }
0x9b: {  	s22 =	simm.s32 $0x1BFF;
	s21 =	sshll.u32 s6, $0x1;
	s3 =	sadd.s32 s4, s19  }
0x9c: {  	s7 =	simm.s32 $0x0;
	s20 =	sshll.u32 s5, $0x1;
	s5 =	sadd.s32 s21, s3  }
0x9d: {  	[timem:s7], [sflag:s22] =	dma.local [hbm:s5], s20  }
0x9e: {  	_ =	swait.ge [sflag:s22], s20  }
0x9f: {  	s4 =	ssub.s32 $0x0, s20;
	[sflag:s22] =	ssyncset.done $0x0  }
0xa0: {  	[sflag:s22] =	ssyncadd.s32 s4;
	_ =	sdelay $0x1  }
0xa1: {  	s23 =	simm.s32 $0x1B8B  }
0xa2: {  	_ =	swait.ge [sflag:s23], $0x1  }
0xa3: {  	[sflag:s23] =	ssyncset.done $0x0  }
0xa4: {  	s25 =	simm.s32 $0x1B8E;
	s24 =	sld [smem:$0x3FFE];
	[sflag:s23] =	ssyncadd.s32 $0xFFFFFFFF  }
0xa5: {  	s26 =	simm.s32 $execute0_lowered;
	[smem:$0x3FD2] =	sst s25  }
0xa6: {  	s5 =	sshll.u32 s26, $0x1;
	_ =	strace $0x8000004C;
	[dreg:$0x1] =	wrdreg $0xFFFFFFFF  }
0xa7: {  	s28 =	simm.s32 $_size_execute0_lowered;
	s3 =	sadd.s32 s3, s5;
	[dreg:$0x0] =	wrdreg $0x0  }
0xa8: {  	s5 =	sshll.u32 s28, $0x1;
	[dreg:$0x2] =	wrdreg s3  }
0xa9: {  	[dreg:$0x3] =	wrdreg s5  }
0xaa: {  	[dreg:$0x4] =	wrdreg $0xC0  }
0xab: {  	_ =	task [dreg:s7], $0x5FFFF  }
0xac: {  	[dreg:$0x1] =	wrdreg $0xFFFFFFFF  }
0xad: {  	[dreg:$0x0] =	wrdreg $0x60  }
0xae: {  	[dreg:$0x2] =	wrdreg s24  }
0xaf: {  	[dreg:$0x3] =	wrdreg s2  }
0xb0: {  	[dreg:$0x4] =	wrdreg $0x9  }
0xb1: {  	_ =	task.clear_ibuf [dreg:s7], $0x5FFFF;
	_ =	strace $0x9000004C  }
0xb2: {  	s29 =	simm.s32 $0x9;
	_ =	strace $0x8000004E  }
0xb3: {  	_ =	swait.ge [sflag:s29], $0x1  }
0xb4: {  	[sflag:s29] =	ssyncadd.s32 $0xFFFFFFFF  }
0xb5: {  	_ =	strace $0x9000004E  }
0xb6: {  	_ =	sfence  }
0xb7: {  	s30 =	sld [smem:$0x0];
	_ =	sdelay $0x2  }
0xb8: {  	s31 =	sshll.u32 s1, $0xD;
	s1 =	sshrl.u32 s1, $0x2  }
0xb9: {  	s3 =	sand.u32 $0x4000, s31;
	s1 =	sadd.s32 s1, s30  }
0xba: {  	s0 =	sor.u32 s3, s0;
	s1 =	sshll.u32 s1, $0x11  }
0xbb: {  	s0 =	sor.u32 s1, s0  }
0xbc: {  	s0 =	sadd.s32 $0x8F2B, s0  }
0xbd: {  	[sflag:s0] =	ssyncadd.remote.s32 $0x1  }
0xbe: {  	_ =	sfence.sel $0xFFFF  }
0xbf: {  	[dreg:$0x0] =	wrdreg $0xFFFFFFFF;
	(pc) =	sbr.abs _section_cstart, $3  }
0xc0: {  	[dreg:$0x1] =	wrdreg $0xFFFFFFFF  }
0xc1: {  	_ =	task.clear_ibuf [dreg:s7], $0x2FFFF;
	_ =	strace $0x9FFFFFFF  }
0xc2: {  	(tm) =	ssettm $0x7FFFFFFF  }
0xc3: {  	_ =	shalt  }
tec
execute0_lowered:
.L_overlay_start_1:
0x0: {  	(tag) =	ssettag $0x1  }
0x1: {  	s0 =	rddreg [dreg:$0x0]  }
0x2: {  	s1 =	rddreg [dreg:$0x1]  }
0x3: {  	s2 =	srdreg.scid;
	s4 =	stileid.u32;
	s16 =	simm.s32 $0x200  }
0x4: {  	s17 =	simm.s32 $0x400;
	s18 =	simm.s32 $0x600;
	s19 =	simm.s32 $0x800  }
0x5: {  	s20 =	simm.s32 $0xA00;
	s21 =	simm.s32 $0xC00;
	s22 =	simm.s32 $0xE00  }
0x6: {  	s23 =	simm.s32 $0x1000;
	s25 =	simm.s32 $0x2;
	s28 =	simm.s32 $0x80  }
0x7: {  	s31 =	simm.s32 $0x2600;
	s3 =	sand.u32 $0x1, s2;
	s2 =	simm.s32 $0x0  }
0x8: {  	s4 =	sshll.u32 s4, $0x7;
	s5 =	sshll.u32 s3, $0x6;
	[smem:$0x7FF] =	sst s2  }
0x9: {  	s26 =	ssub.s32 $0x2, s3;
	s3 =	sadd.s32 $0x43200, s0;
	s14 =	sor.u32 s5, s4  }
0xa: {  	_ =	strace $0x8000004D;
	s29 =	sshrl.u32 s26, $0x1;
	s13 =	sadd.s32 s14, s0  }
0xb: {  	s30 =	ssub.s32 s26, s29;
	s14 =	sadd.s32 s1, s14;
	s26 =	simm.s32 $0x1  }
0xc: {  	s0 =	simm.s32 $0x0;
	s4 =	sadd.s32 $0xA000, s13;
	s5 =	sadd.s32 $0xA800, s13  }
0xd: {  	s6 =	sadd.s32 $0xB000, s13;
	s7 =	sadd.s32 $0xB800, s13;
	s8 =	sadd.s32 $0xC000, s13  }
0xe: {  	s9 =	sadd.s32 $0xC800, s13;
	s10 =	sadd.s32 $0xD000, s13;
	s11 =	sadd.s32 $0xD800, s13  }
0xf: {  	s12 =	sadd.s32 $0xE000, s13;
	s13 =	sadd.s32 $0xE800, s13;
	s15 =	smax.u32 s30, $0x1  }
.LBB2_1:
0x10: {  	[tilespmem:s2], [sflag:$0x1] =	stream.linear.gather [hbm4b:s4+s2], $0x200, $0x38;
	[tilespmem:$0x2800] =	vst v63  }
0x11: {  	_ = 	snop  }
0x12: {  	[tilespmem:s16], [sflag:$0x1] =	stream.linear.gather [hbm4b:s5+s2], $0x200, $0x38;
	[tilespmem:$0x2800] =	vst v63  }
0x13: {  	_ = 	snop  }
0x14: {  	[tilespmem:s17], [sflag:$0x1] =	stream.linear.gather [hbm4b:s6+s2], $0x200, $0x38;
	[tilespmem:$0x2800] =	vst v63  }
0x15: {  	_ = 	snop  }
0x16: {  	[tilespmem:s18], [sflag:$0x1] =	stream.linear.gather [hbm4b:s7+s2], $0x200, $0x38;
	[tilespmem:$0x2800] =	vst v63  }
0x17: {  	_ = 	snop  }
0x18: {  	[tilespmem:s19], [sflag:$0x1] =	stream.linear.gather [hbm4b:s8+s2], $0x200, $0x38;
	[tilespmem:$0x2800] =	vst v63  }
0x19: {  	_ = 	snop  }
0x1a: {  	[tilespmem:s20], [sflag:$0x1] =	stream.linear.gather [hbm4b:s9+s2], $0x200, $0x38;
	[tilespmem:$0x2800] =	vst v63  }
0x1b: {  	_ = 	snop  }
0x1c: {  	[tilespmem:s21], [sflag:$0x1] =	stream.linear.gather [hbm4b:s10+s2], $0x200, $0x38;
	[tilespmem:$0x2800] =	vst v63  }
0x1d: {  	_ = 	snop  }
0x1e: {  	[tilespmem:s22], [sflag:$0x1] =	stream.linear.gather [hbm4b:s11+s2], $0x200, $0x38;
	[tilespmem:$0x2800] =	vst v63  }
0x1f: {  	_ = 	snop  }
0x20: {  	[tilespmem:s23], [sflag:$0x1] =	stream.linear.gather [hbm4b:s12+s2], $0x200, $0x38;
	[tilespmem:$0x2800] =	vst v63  }
0x21: {  	s1 =	simm.s32 $0x2400  }
0x22: {  	[tilespmem:s1], [sflag:$0x2] =	stream.linear.gather [hbm4b:s13+s2], $0x200, $0x38;
	[tilespmem:$0x2800] =	vst v63  }
0x23: {  	_ =	swait.ge [sflag:s25], $0x200  }
0x24: {  	[sflag:s25] =	ssyncset.done $0x0  }
0x25: {  	[sflag:s25] =	ssyncadd.s32 $0xFFFFFE00  }
0x26: {  	_ =	swait.ge [sflag:s26], $0x200  }
0x27: {  	[sflag:s26] =	ssyncset.done $0x0  }
0x28: {  	[sflag:s26] =	ssyncadd.s32 $0xFFFFFE00  }
0x29: {  	_ =	swait.ge [sflag:s26], $0x200  }
0x2a: {  	[sflag:s26] =	ssyncset.done $0x0  }
0x2b: {  	[sflag:s26] =	ssyncadd.s32 $0xFFFFFE00  }
0x2c: {  	_ =	swait.ge [sflag:s26], $0x200  }
0x2d: {  	[sflag:s26] =	ssyncset.done $0x0  }
0x2e: {  	[sflag:s26] =	ssyncadd.s32 $0xFFFFFE00  }
0x2f: {  	_ =	swait.ge [sflag:s26], $0x200  }
0x30: {  	[sflag:s26] =	ssyncset.done $0x0  }
0x31: {  	[sflag:s26] =	ssyncadd.s32 $0xFFFFFE00  }
0x32: {  	_ =	swait.ge [sflag:s26], $0x200  }
0x33: {  	[sflag:s26] =	ssyncset.done $0x0  }
0x34: {  	[sflag:s26] =	ssyncadd.s32 $0xFFFFFE00  }
0x35: {  	_ =	swait.ge [sflag:s26], $0x200  }
0x36: {  	[sflag:s26] =	ssyncset.done $0x0  }
0x37: {  	[sflag:s26] =	ssyncadd.s32 $0xFFFFFE00  }
0x38: {  	_ =	swait.ge [sflag:s26], $0x200  }
0x39: {  	[sflag:s26] =	ssyncset.done $0x0  }
0x3a: {  	[sflag:s26] =	ssyncadd.s32 $0xFFFFFE00  }
0x3b: {  	_ =	swait.ge [sflag:s26], $0x200  }
0x3c: {  	[sflag:s26] =	ssyncset.done $0x0  }
0x3d: {  	[sflag:s26] =	ssyncadd.s32 $0xFFFFFE00  }
0x3e: {  	_ =	swait.ge [sflag:s26], $0x200  }
0x3f: {  	[sflag:s26] =	ssyncset.done $0x0  }
0x40: {  	s24 =	simm.s32 $0x1200;
	[sflag:s26] =	ssyncadd.s32 $0xFFFFFE00  }
0x41: {  	[tilespmem:s24], [sflag:$0x1] =	stream.indirect.gather [hbm4b:s3+s28], $0x1, s2, s28, $0xb8;
	[tilespmem:$0x2800] =	vst v63  }
0x42: {  	s24 =	simm.s32 $0x1280  }
0x43: {  	[tilespmem:s24], [sflag:$0x1] =	stream.indirect.gather [hbm4b:s3+s28], $0x1, s28, s28, $0xb8;
	[tilespmem:$0x2800] =	vst v63  }
0x44: {  	s1 =	simm.s32 $0x100;
	s24 =	simm.s32 $0x1300  }
0x45: {  	[tilespmem:s24], [sflag:$0x1] =	stream.indirect.gather [hbm4b:s3+s28], $0x1, s1, s28, $0xb8;
	[tilespmem:$0x2800] =	vst v63  }
0x46: {  	s1 =	simm.s32 $0x180;
	s24 =	simm.s32 $0x1380  }
0x47: {  	[tilespmem:s24], [sflag:$0x1] =	stream.indirect.gather [hbm4b:s3+s28], $0x1, s1, s28, $0xb8;
	[tilespmem:$0x2800] =	vst v63  }
0x48: {  	_ =	swait.ge [sflag:s26], $0x80  }
0x49: {  	[sflag:s26] =	ssyncset.done $0x0  }
0x4a: {  	[sflag:s26] =	ssyncadd.s32 $0xFFFFFF80  }
0x4b: {  	_ =	swait.ge [sflag:s26], $0x80  }
0x4c: {  	[sflag:s26] =	ssyncset.done $0x0  }
0x4d: {  	[sflag:s26] =	ssyncadd.s32 $0xFFFFFF80  }
0x4e: {  	_ =	swait.ge [sflag:s26], $0x80  }
0x4f: {  	[sflag:s26] =	ssyncset.done $0x0  }
0x50: {  	[sflag:s26] =	ssyncadd.s32 $0xFFFFFF80  }
0x51: {  	_ =	swait.ge [sflag:s26], $0x80  }
0x52: {  	[sflag:s26] =	ssyncset.done $0x0  }
0x53: {  	s24 =	simm.s32 $0x1400;
	[sflag:s26] =	ssyncadd.s32 $0xFFFFFF80  }
0x54: {  	[tilespmem:s24], [sflag:$0x1] =	stream.indirect.gather [hbm4b:s3+s28], $0x1, s16, s28, $0xb8;
	[tilespmem:$0x2800] =	vst v63  }
0x55: {  	s1 =	simm.s32 $0x280;
	s24 =	simm.s32 $0x1480  }
0x56: {  	[tilespmem:s24], [sflag:$0x1] =	stream.indirect.gather [hbm4b:s3+s28], $0x1, s1, s28, $0xb8;
	[tilespmem:$0x2800] =	vst v63  }
0x57: {  	s1 =	simm.s32 $0x300;
	s24 =	simm.s32 $0x1500  }
0x58: {  	[tilespmem:s24], [sflag:$0x1] =	stream.indirect.gather [hbm4b:s3+s28], $0x1, s1, s28, $0xb8;
	[tilespmem:$0x2800] =	vst v63  }
0x59: {  	s1 =	simm.s32 $0x380;
	s24 =	simm.s32 $0x1580  }
0x5a: {  	[tilespmem:s24], [sflag:$0x1] =	stream.indirect.gather [hbm4b:s3+s28], $0x1, s1, s28, $0xb8;
	[tilespmem:$0x2800] =	vst v63  }
0x5b: {  	_ =	swait.ge [sflag:s26], $0x80  }
0x5c: {  	[sflag:s26] =	ssyncset.done $0x0  }
0x5d: {  	[sflag:s26] =	ssyncadd.s32 $0xFFFFFF80  }
0x5e: {  	_ =	swait.ge [sflag:s26], $0x80  }
0x5f: {  	[sflag:s26] =	ssyncset.done $0x0  }
0x60: {  	[sflag:s26] =	ssyncadd.s32 $0xFFFFFF80  }
0x61: {  	_ =	swait.ge [sflag:s26], $0x80  }
0x62: {  	[sflag:s26] =	ssyncset.done $0x0  }
0x63: {  	[sflag:s26] =	ssyncadd.s32 $0xFFFFFF80  }
0x64: {  	_ =	swait.ge [sflag:s26], $0x80  }
0x65: {  	[sflag:s26] =	ssyncset.done $0x0  }
0x66: {  	s24 =	simm.s32 $0x1600;
	[sflag:s26] =	ssyncadd.s32 $0xFFFFFF80  }
0x67: {  	[tilespmem:s24], [sflag:$0x1] =	stream.indirect.gather [hbm4b:s3+s28], $0x1, s17, s28, $0xb8;
	[tilespmem:$0x2800] =	vst v63  }
0x68: {  	s1 =	simm.s32 $0x480;
	s24 =	simm.s32 $0x1680  }
0x69: {  	[tilespmem:s24], [sflag:$0x1] =	stream.indirect.gather [hbm4b:s3+s28], $0x1, s1, s28, $0xb8;
	[tilespmem:$0x2800] =	vst v63  }
0x6a: {  	s1 =	simm.s32 $0x500;
	s24 =	simm.s32 $0x1700  }
0x6b: {  	[tilespmem:s24], [sflag:$0x1] =	stream.indirect.gather [hbm4b:s3+s28], $0x1, s1, s28, $0xb8;
	[tilespmem:$0x2800] =	vst v63  }
0x6c: {  	s1 =	simm.s32 $0x580;
	s24 =	simm.s32 $0x1780  }
0x6d: {  	[tilespmem:s24], [sflag:$0x1] =	stream.indirect.gather [hbm4b:s3+s28], $0x1, s1, s28, $0xb8;
	[tilespmem:$0x2800] =	vst v63  }
0x6e: {  	_ =	swait.ge [sflag:s26], $0x80  }
0x6f: {  	[sflag:s26] =	ssyncset.done $0x0  }
0x70: {  	[sflag:s26] =	ssyncadd.s32 $0xFFFFFF80  }
0x71: {  	_ =	swait.ge [sflag:s26], $0x80  }
0x72: {  	[sflag:s26] =	ssyncset.done $0x0  }
0x73: {  	[sflag:s26] =	ssyncadd.s32 $0xFFFFFF80  }
0x74: {  	_ =	swait.ge [sflag:s26], $0x80  }
0x75: {  	[sflag:s26] =	ssyncset.done $0x0  }
0x76: {  	[sflag:s26] =	ssyncadd.s32 $0xFFFFFF80  }
0x77: {  	_ =	swait.ge [sflag:s26], $0x80  }
0x78: {  	[sflag:s26] =	ssyncset.done $0x0  }
0x79: {  	s24 =	simm.s32 $0x1800;
	[sflag:s26] =	ssyncadd.s32 $0xFFFFFF80  }
0x7a: {  	[tilespmem:s24], [sflag:$0x1] =	stream.indirect.gather [hbm4b:s3+s28], $0x1, s18, s28, $0xb8;
	[tilespmem:$0x2800] =	vst v63  }
0x7b: {  	s1 =	simm.s32 $0x680;
	s24 =	simm.s32 $0x1880  }
0x7c: {  	[tilespmem:s24], [sflag:$0x1] =	stream.indirect.gather [hbm4b:s3+s28], $0x1, s1, s28, $0xb8;
	[tilespmem:$0x2800] =	vst v63  }
0x7d: {  	s1 =	simm.s32 $0x700;
	s24 =	simm.s32 $0x1900  }
0x7e: {  	[tilespmem:s24], [sflag:$0x1] =	stream.indirect.gather [hbm4b:s3+s28], $0x1, s1, s28, $0xb8;
	[tilespmem:$0x2800] =	vst v63  }
0x7f: {  	s1 =	simm.s32 $0x780;
	s24 =	simm.s32 $0x1980  }
0x80: {  	[tilespmem:s24], [sflag:$0x1] =	stream.indirect.gather [hbm4b:s3+s28], $0x1, s1, s28, $0xb8;
	[tilespmem:$0x2800] =	vst v63  }
0x81: {  	_ =	swait.ge [sflag:s26], $0x80  }
0x82: {  	[sflag:s26] =	ssyncset.done $0x0  }
0x83: {  	[sflag:s26] =	ssyncadd.s32 $0xFFFFFF80  }
0x84: {  	_ =	swait.ge [sflag:s26], $0x80  }
0x85: {  	[sflag:s26] =	ssyncset.done $0x0  }
0x86: {  	[sflag:s26] =	ssyncadd.s32 $0xFFFFFF80  }
0x87: {  	_ =	swait.ge [sflag:s26], $0x80  }
0x88: {  	[sflag:s26] =	ssyncset.done $0x0  }
0x89: {  	[sflag:s26] =	ssyncadd.s32 $0xFFFFFF80  }
0x8a: {  	_ =	swait.ge [sflag:s26], $0x80  }
0x8b: {  	[sflag:s26] =	ssyncset.done $0x0  }
0x8c: {  	s24 =	simm.s32 $0x1A00;
	[sflag:s26] =	ssyncadd.s32 $0xFFFFFF80  }
0x8d: {  	[tilespmem:s24], [sflag:$0x1] =	stream.indirect.gather [hbm4b:s3+s28], $0x1, s19, s28, $0xb8;
	[tilespmem:$0x2800] =	vst v63  }
0x8e: {  	s1 =	simm.s32 $0x880;
	s24 =	simm.s32 $0x1A80  }
0x8f: {  	[tilespmem:s24], [sflag:$0x1] =	stream.indirect.gather [hbm4b:s3+s28], $0x1, s1, s28, $0xb8;
	[tilespmem:$0x2800] =	vst v63  }
0x90: {  	s1 =	simm.s32 $0x900;
	s24 =	simm.s32 $0x1B00  }
0x91: {  	[tilespmem:s24], [sflag:$0x1] =	stream.indirect.gather [hbm4b:s3+s28], $0x1, s1, s28, $0xb8;
	[tilespmem:$0x2800] =	vst v63  }
0x92: {  	s1 =	simm.s32 $0x980;
	s24 =	simm.s32 $0x1B80  }
0x93: {  	[tilespmem:s24], [sflag:$0x1] =	stream.indirect.gather [hbm4b:s3+s28], $0x1, s1, s28, $0xb8;
	[tilespmem:$0x2800] =	vst v63  }
0x94: {  	_ =	swait.ge [sflag:s26], $0x80  }
0x95: {  	[sflag:s26] =	ssyncset.done $0x0  }
0x96: {  	[sflag:s26] =	ssyncadd.s32 $0xFFFFFF80  }
0x97: {  	_ =	swait.ge [sflag:s26], $0x80  }
0x98: {  	[sflag:s26] =	ssyncset.done $0x0  }
0x99: {  	[sflag:s26] =	ssyncadd.s32 $0xFFFFFF80  }
0x9a: {  	_ =	swait.ge [sflag:s26], $0x80  }
0x9b: {  	[sflag:s26] =	ssyncset.done $0x0  }
0x9c: {  	[sflag:s26] =	ssyncadd.s32 $0xFFFFFF80  }
0x9d: {  	_ =	swait.ge [sflag:s26], $0x80  }
0x9e: {  	[sflag:s26] =	ssyncset.done $0x0  }
0x9f: {  	s24 =	simm.s32 $0x1C00;
	[sflag:s26] =	ssyncadd.s32 $0xFFFFFF80  }
0xa0: {  	[tilespmem:s24], [sflag:$0x1] =	stream.indirect.gather [hbm4b:s3+s28], $0x1, s20, s28, $0xb8;
	[tilespmem:$0x2800] =	vst v63  }
0xa1: {  	s1 =	simm.s32 $0xA80;
	s24 =	simm.s32 $0x1C80  }
0xa2: {  	[tilespmem:s24], [sflag:$0x1] =	stream.indirect.gather [hbm4b:s3+s28], $0x1, s1, s28, $0xb8;
	[tilespmem:$0x2800] =	vst v63  }
0xa3: {  	s1 =	simm.s32 $0xB00;
	s24 =	simm.s32 $0x1D00  }
0xa4: {  	[tilespmem:s24], [sflag:$0x1] =	stream.indirect.gather [hbm4b:s3+s28], $0x1, s1, s28, $0xb8;
	[tilespmem:$0x2800] =	vst v63  }
0xa5: {  	s1 =	simm.s32 $0xB80;
	s24 =	simm.s32 $0x1D80  }
0xa6: {  	[tilespmem:s24], [sflag:$0x1] =	stream.indirect.gather [hbm4b:s3+s28], $0x1, s1, s28, $0xb8;
	[tilespmem:$0x2800] =	vst v63  }
0xa7: {  	_ =	swait.ge [sflag:s26], $0x80  }
0xa8: {  	[sflag:s26] =	ssyncset.done $0x0  }
0xa9: {  	[sflag:s26] =	ssyncadd.s32 $0xFFFFFF80  }
0xaa: {  	_ =	swait.ge [sflag:s26], $0x80  }
0xab: {  	[sflag:s26] =	ssyncset.done $0x0  }
0xac: {  	[sflag:s26] =	ssyncadd.s32 $0xFFFFFF80  }
0xad: {  	_ =	swait.ge [sflag:s26], $0x80  }
0xae: {  	[sflag:s26] =	ssyncset.done $0x0  }
0xaf: {  	[sflag:s26] =	ssyncadd.s32 $0xFFFFFF80  }
0xb0: {  	_ =	swait.ge [sflag:s26], $0x80  }
0xb1: {  	[sflag:s26] =	ssyncset.done $0x0  }
0xb2: {  	s24 =	simm.s32 $0x1E00;
	[sflag:s26] =	ssyncadd.s32 $0xFFFFFF80  }
0xb3: {  	[tilespmem:s24], [sflag:$0x1] =	stream.indirect.gather [hbm4b:s3+s28], $0x1, s21, s28, $0xb8;
	[tilespmem:$0x2800] =	vst v63  }
0xb4: {  	s1 =	simm.s32 $0xC80;
	s24 =	simm.s32 $0x1E80  }
0xb5: {  	[tilespmem:s24], [sflag:$0x1] =	stream.indirect.gather [hbm4b:s3+s28], $0x1, s1, s28, $0xb8;
	[tilespmem:$0x2800] =	vst v63  }
0xb6: {  	s1 =	simm.s32 $0xD00;
	s24 =	simm.s32 $0x1F00  }
0xb7: {  	[tilespmem:s24], [sflag:$0x1] =	stream.indirect.gather [hbm4b:s3+s28], $0x1, s1, s28, $0xb8;
	[tilespmem:$0x2800] =	vst v63  }
0xb8: {  	s1 =	simm.s32 $0xD80;
	s24 =	simm.s32 $0x1F80  }
0xb9: {  	[tilespmem:s24], [sflag:$0x1] =	stream.indirect.gather [hbm4b:s3+s28], $0x1, s1, s28, $0xb8;
	[tilespmem:$0x2800] =	vst v63  }
0xba: {  	_ =	swait.ge [sflag:s26], $0x80  }
0xbb: {  	[sflag:s26] =	ssyncset.done $0x0  }
0xbc: {  	[sflag:s26] =	ssyncadd.s32 $0xFFFFFF80  }
0xbd: {  	_ =	swait.ge [sflag:s26], $0x80  }
0xbe: {  	[sflag:s26] =	ssyncset.done $0x0  }
0xbf: {  	[sflag:s26] =	ssyncadd.s32 $0xFFFFFF80  }
0xc0: {  	_ =	swait.ge [sflag:s26], $0x80  }
0xc1: {  	[sflag:s26] =	ssyncset.done $0x0  }
0xc2: {  	[sflag:s26] =	ssyncadd.s32 $0xFFFFFF80  }
0xc3: {  	_ =	swait.ge [sflag:s26], $0x80  }
0xc4: {  	[sflag:s26] =	ssyncset.done $0x0  }
0xc5: {  	s24 =	simm.s32 $0x2000;
	[sflag:s26] =	ssyncadd.s32 $0xFFFFFF80  }
0xc6: {  	[tilespmem:s24], [sflag:$0x1] =	stream.indirect.gather [hbm4b:s3+s28], $0x1, s22, s28, $0xb8;
	[tilespmem:$0x2800] =	vst v63  }
0xc7: {  	s1 =	simm.s32 $0xE80;
	s24 =	simm.s32 $0x2080  }
0xc8: {  	[tilespmem:s24], [sflag:$0x1] =	stream.indirect.gather [hbm4b:s3+s28], $0x1, s1, s28, $0xb8;
	[tilespmem:$0x2800] =	vst v63  }
0xc9: {  	s1 =	simm.s32 $0xF00;
	s24 =	simm.s32 $0x2100  }
0xca: {  	[tilespmem:s24], [sflag:$0x1] =	stream.indirect.gather [hbm4b:s3+s28], $0x1, s1, s28, $0xb8;
	[tilespmem:$0x2800] =	vst v63  }
0xcb: {  	s1 =	simm.s32 $0xF80;
	s24 =	simm.s32 $0x2180  }
0xcc: {  	[tilespmem:s24], [sflag:$0x1] =	stream.indirect.gather [hbm4b:s3+s28], $0x1, s1, s28, $0xb8;
	[tilespmem:$0x2800] =	vst v63  }
0xcd: {  	_ =	swait.ge [sflag:s26], $0x80  }
0xce: {  	[sflag:s26] =	ssyncset.done $0x0  }
0xcf: {  	[sflag:s26] =	ssyncadd.s32 $0xFFFFFF80  }
0xd0: {  	_ =	swait.ge [sflag:s26], $0x80  }
0xd1: {  	[sflag:s26] =	ssyncset.done $0x0  }
0xd2: {  	[sflag:s26] =	ssyncadd.s32 $0xFFFFFF80  }
0xd3: {  	_ =	swait.ge [sflag:s26], $0x80  }
0xd4: {  	[sflag:s26] =	ssyncset.done $0x0  }
0xd5: {  	[sflag:s26] =	ssyncadd.s32 $0xFFFFFF80  }
0xd6: {  	_ =	swait.ge [sflag:s26], $0x80  }
0xd7: {  	[sflag:s26] =	ssyncset.done $0x0  }
0xd8: {  	s24 =	simm.s32 $0x2200;
	[sflag:s26] =	ssyncadd.s32 $0xFFFFFF80  }
0xd9: {  	[tilespmem:s24], [sflag:$0x1] =	stream.indirect.gather [hbm4b:s3+s28], $0x1, s23, s28, $0xb8;
	[tilespmem:$0x2800] =	vst v63  }
0xda: {  	s1 =	simm.s32 $0x1080;
	s24 =	simm.s32 $0x2280  }
0xdb: {  	[tilespmem:s24], [sflag:$0x1] =	stream.indirect.gather [hbm4b:s3+s28], $0x1, s1, s28, $0xb8;
	[tilespmem:$0x2800] =	vst v63  }
0xdc: {  	s1 =	simm.s32 $0x1100;
	s24 =	simm.s32 $0x2300  }
0xdd: {  	[tilespmem:s24], [sflag:$0x1] =	stream.indirect.gather [hbm4b:s3+s28], $0x1, s1, s28, $0xb8;
	[tilespmem:$0x2800] =	vst v63  }
0xde: {  	s1 =	simm.s32 $0x1180;
	s24 =	simm.s32 $0x2380  }
0xdf: {  	[tilespmem:s24], [sflag:$0x1] =	stream.indirect.gather [hbm4b:s3+s28], $0x1, s1, s28, $0xb8;
	[tilespmem:$0x2800] =	vst v63  }
0xe0: {  	_ =	swait.ge [sflag:s26], $0x80  }
0xe1: {  	[sflag:s26] =	ssyncset.done $0x0  }
0xe2: {  	[sflag:s26] =	ssyncadd.s32 $0xFFFFFF80  }
0xe3: {  	_ =	swait.ge [sflag:s26], $0x80  }
0xe4: {  	[sflag:s26] =	ssyncset.done $0x0  }
0xe5: {  	[sflag:s26] =	ssyncadd.s32 $0xFFFFFF80  }
0xe6: {  	_ =	swait.ge [sflag:s26], $0x80  }
0xe7: {  	[sflag:s26] =	ssyncset.done $0x0  }
0xe8: {  	[sflag:s26] =	ssyncadd.s32 $0xFFFFFF80  }
0xe9: {  	_ =	swait.ge [sflag:s26], $0x80  }
0xea: {  	[sflag:s26] =	ssyncset.done $0x0  }
0xeb: {  	s24 =	simm.s32 $0x0;
	[sflag:s26] =	ssyncadd.s32 $0xFFFFFF80  }
0xec: {  	v0 =	vld [tilespmem:s24+$0x2400]  }
0xed: {  	v1 =	vld [tilespmem:s24+$0x1200];
	_ =	sdelay $0x1  }
0xee: {  	v2 =	vld [tilespmem:s24+$0x1400];
	_ =	sdelay $0x1  }
0xef: {  	v3 =	vld [tilespmem:s24+$0x1600]  }
0xf0: {  	v0 =	vadd.f32 v1, v0  }
0xf1: {  	v1 =	vld [tilespmem:s24+$0x1800]  }
0xf2: {  	s1 =	simm.s32 $0x10;
	v4 =	vld [tilespmem:s24+$0x1A00];
	v0 =	vadd.f32 v2, v0  }
0xf3: {  	v5 =	vld [tilespmem:s1+$0x2400]  }
0xf4: {  	v2 =	vld [tilespmem:s24+$0x1C00];
	v0 =	vadd.f32 v3, v0  }
0xf5: {  	v3 =	vld [tilespmem:s1+$0x1200]  }
0xf6: {  	v6 =	vld [tilespmem:s1+$0x1400];
	v0 =	vadd.f32 v1, v0  }
0xf7: {  	v1 =	vld [tilespmem:s24+$0x1E00]  }
0xf8: {  	v7 =	vld [tilespmem:s24+$0x2000];
	v0 =	vadd.f32 v4, v0  }
0xf9: {  	v8 =	vld [tilespmem:s1+$0x1600]  }
0xfa: {  	v4 =	vadd.f32 v3, v5;
	v3 =	vld [tilespmem:s1+$0x1800];
	v5 =	vadd.f32 v2, v0  }
0xfb: {  	v2 =	vld [tilespmem:s24+$0x2200]  }
0xfc: {  	v0 =	vld [tilespmem:s1+$0x1C00];
	v6 =	vadd.f32 v6, v4;
	v9 =	vadd.f32 v1, v5  }
0xfd: {  	s29 =	simm.s32 $0x20;
	v4 =	vld [tilespmem:s1+$0x1A00]  }
0xfe: {  	s30 =	simm.s32 $0xC0;
	v1 =	vld [tilespmem:s29+$0x2400];
	v5 =	vadd.f32 v8, v6;
	v6 =	vadd.f32 v7, v9  }
.LBB2_2:
0xff: {  	p0 =	sne.s32 s30, $0x7C0;
	v7 =	vld [tilespmem:s29+$0x1200]  }
0x100: {  	v3 =	vadd.f32 v3, v5;
	v5 =	vld [tilespmem:s1+$0x1E00];
	v2 =	vadd.f32 v2, v6  }
0x101: {  	v6 =	vld [tilespmem:s29+$0x1400]  }
0x102: {  	v3 =	vadd.f32 v4, v3;
	v8 =	vld [tilespmem:s1+$0x2000];
	[tilespmem:s24+$0x2600] =	vst v2;
	s24 =	smov.u32 s1;
	s1 =	smov.u32 s29  }
0x103: {  	v9 =	vld [tilespmem:s1+$0x1600]  }
.Ltmp0:
0x104: {  	v1 =	vadd.f32 v7, v1;
	v4 =	vadd.f32 v0, v3;
	v2 =	vld [tilespmem:s24+$0x2200];
	(pc) =	sbr.rel @p0 .LBB2_2-.Ltmp0, $4  }
0x105: {  	v3 =	vld [tilespmem:s1+$0x1800]  }
0x106: {  	v6 =	vadd.f32 v6, v1;
	v0 =	vld [tilespmem:s1+$0x1C00];
	v7 =	vadd.f32 v5, v4  }
0x107: {  	s29 =	sshra.s32 s30, $0x2;
	v4 =	vld [tilespmem:s1+$0x1A00]  }
0x108: {  	s30 =	sadd.s32 $0x40, s30;
	v1 =	vld [tilespmem:s29+$0x2400];
	v5 =	vadd.f32 v9, v6;
	v6 =	vadd.f32 v8, v7  }
0x109: {  	v7 =	vld [tilespmem:s29+$0x1200]  }
0x10a: {  	v8 =	vld [tilespmem:s1+$0x1E00];
	v2 =	vadd.f32 v2, v6  }
0x10b: {  	v55 =	vld [tilespmem:s29+$0x1400]  }
0x10c: {  	v9 =	vld [tilespmem:s1+$0x2000];
	v3 =	vadd.f32 v3, v5;
	[tilespmem:s24+$0x2600] =	vst v2  }
0x10d: {  	v2 =	vld [tilespmem:s29+$0x1600]  }
0x10e: {  	v3 =	vadd.f32 v4, v3;
	v1 =	vadd.f32 v7, v1  }
0x10f: {  	v56 =	vld [tilespmem:s29+$0x1800]  }
0x110: {  	v57 =	vld [tilespmem:s1+$0x2200];
	v0 =	vadd.f32 v0, v3;
	v1 =	vadd.f32 v55, v1  }
0x111: {  	v58 =	vld [tilespmem:s29+$0x1A00]  }
0x112: {  	v0 =	vadd.f32 v8, v0;
	v1 =	vadd.f32 v2, v1  }
0x113: {  	v59 =	vld [tilespmem:s29+$0x1C00]  }
0x114: {  	v0 =	vadd.f32 v9, v0;
	v1 =	vadd.f32 v56, v1  }
0x115: {  	v60 =	vld [tilespmem:s29+$0x1E00]  }
0x116: {  	v0 =	vadd.f32 v57, v0;
	v1 =	vadd.f32 v58, v1  }
0x117: {  	v61 =	vld [tilespmem:s29+$0x2000]  }
0x118: {  	[tilespmem:s1+$0x2600] =	vst v0;
	v62 =	vadd.f32 v59, v1  }
0x119: {  	v63 =	vld [tilespmem:s29+$0x2200]  }
0x11a: {  	v0 =	vadd.f32 v60, v62;
	_ =	sdelay $0x1  }
0x11b: {  	v0 =	vadd.f32 v61, v0;
	_ =	sdelay $0x1  }
0x11c: {  	s0 =	sadd.s32 $0x1, s0;
	v0 =	vadd.f32 v63, v0  }
0x11d: {  	p0 =	sne.s32 s0, s15  }
.Ltmp1:
0x11e: {  	[tilespmem:s29+$0x2600] =	vst v0;
	(pc) =	sbr.rel @p0 .LBB2_1-.Ltmp1, $4  }
0x11f: {  	[hbm4b:s14+s2] =	stream.linear.scatter [tilespmem:s31], [sflag:$0x2], $0x200, $0x38;
	[tilespmem:$0x2800] =	vst v63  }
0x120: {  	_ =	swait.ge [sflag:s25], $0x200  }
0x121: {  	[sflag:s25] =	ssyncset.done $0x0  }
0x122: {  	[sflag:s25] =	ssyncadd.s32 $0xFFFFFE00  }
0x123: {  	_ =	sfence.sel $0x180000  }
0x124: {  	[bflag:$0x0] =	sbarrier.arrive $0xFFFF  }
0x125: {  	_ =	strace $0x9000004D  }
0x126: {  	s0 =	stileid.u32;
	[bflag:$0x2] =	sbarrier.arrive $0xFFFF  }
0x127: {  	p0 =	sne.s32 s0, $0x0;
	s0 =	rddreg [dreg:$0x2]  }
0x128: {  	s0 =	sadd.s32 @!p0 $0x100000, s0  }
0x129: {  	[sflag:s0] =	ssyncadd.tile.s32 @!p0 $0x1;
	_ =	shalt  }
.Lfunc_end2:
_tile_overlayer_lowered:
.L_overlay_start_2:
0x12a: {  	(tag) =	ssettag $0x2  }
0x12b: {  	s0 =	rddreg [dreg:$0x0];
	s2 =	stileid.u32  }
0x12c: {  	s1 =	rddreg [dreg:$0x1];
	p0 =	sne.s32 s2, $0x0  }
0x12d: {  	s3 =	rddreg [dreg:$0x2];
	[bflag:$0x3] =	sbarrier.arrive $0xFFFF;
	s2 =	simm.s32 @!p0 $0x1C02  }
0x12e: {  	[timem:s3], [sflag:s2] =	dma.local @!p0 [hbm:s0], s1  }
0x12f: {  	s0 =	simm.s32 @!p0 $0x2  }
0x130: {  	_ =	swait.ge @!p0 [sflag:s0], s1  }
0x131: {  	s1 =	ssub.s32 @!p0 $0x0, s1;
	[sflag:s0] =	ssyncset.done @!p0 $0x0  }
0x132: {  	[sflag:s0] =	ssyncadd.s32 @!p0 s1  }
0x133: {  	[bflag:$0x3] =	sbarrier.arrive $0xFFFF  }
0x134: {  	_ =	shalt  }

</sc_bundles>
